<compile_context>
chip_gen: v7x
topology: tpu7x:2x2x1
jax: 0.10.2.dev20260603
libtpu: 0.0.44.dev20260713+nightly
codegen_flags: <defaults>
</compile_context>

<pallas_src>
import functools
import jax
import jax.numpy as jnp
from jax import lax
from jax.experimental import pallas as pl
from jax.experimental.pallas import tpu as pltpu
from jax.experimental.pallas import tpu_sc as plsc

NC = 2
NS = 16
CHUNK = 128
NBUF = 3


def _make_sc_call(E, V, D):
    HALF = V // 2
    ROWS_PT = -(-HALF // (8 * NS)) * 8
    ACC_ROWS = NS * ROWS_PT
    GARBAGE = HALF
    G8 = HALF // 8
    BASE_G = G8 // NS
    N_EXTRA = G8 - BASE_G * NS
    BASE_ROWS = BASE_G * 8
    assert ACC_ROWS >= HALF + 16 and E % CHUNK == 0 and HALF % 8 == 0
    N_VREG = CHUNK // 16

    mesh = plsc.VectorSubcoreMesh(core_axis_name="c", subcore_axis_name="s")

    @functools.partial(
        pl.kernel,
        mesh=mesh,
        compiler_params=pltpu.CompilerParams(use_tc_tiling_on_sc=False),
        out_type=jax.ShapeDtypeStruct((V, D), jnp.float32),
        scratch_types=[
            pltpu.VMEM((NBUF * CHUNK, D), jnp.float32),
            pltpu.VMEM((NBUF * CHUNK,), jnp.int32),
            pltpu.VMEM((NBUF * CHUNK,), jnp.int32),
            pltpu.VMEM((16,), jnp.int32),
            pltpu.VMEM_SHARED((ACC_ROWS, D), jnp.float32),
            pltpu.SemaphoreType.DMA((NBUF,)),
            pltpu.SemaphoreType.DMA((NBUF,)),
        ],
    )
    def sc_call(src_h, idx_h, tbl_h, zer_h, out_h, sbuf, ibuf, i2buf, tblv,
                acc, ssem, isem):
        c = lax.axis_index("c")
        s = lax.axis_index("s")
        wid = c * NS + s
        pltpu.sync_copy(tbl_h.at[pl.ds(wid * 16, 16)], tblv)
        tvec = tblv[pl.ds(0, 16)]
        start = tvec[0]
        end = tvec[1]
        start_al = tvec[2]
        n_outer = tvec[3]
        rowbase = tvec[4]
        node_base = c * HALF

        e_cap = E - CHUNK
        iota = lax.iota(jnp.int32, 16)
        garbage = GARBAGE + (iota & 15)

        def chunk_off(i):
            e0u = start_al + i * CHUNK
            return pl.multiple_of(jnp.minimum(e0u, e_cap), 8), e0u

        for b in range(NBUF):
            e0, _ = chunk_off(jnp.int32(b))
            pltpu.async_copy(src_h.at[pl.ds(e0, CHUNK)],
                             sbuf.at[pl.ds(b * CHUNK, CHUNK)], ssem.at[b])
            pltpu.async_copy(idx_h.at[pl.ds(e0, CHUNK)],
                             ibuf.at[pl.ds(b * CHUNK, CHUNK)], isem.at[b])

        pltpu.sync_copy(zer_h, acc.at[pl.ds(s * ROWS_PT, ROWS_PT)])
        plsc.subcore_barrier()

        def outer(o, carry):
            for b in range(NBUF):
                i = o * NBUF + b
                e0, e0u = chunk_off(i)
                pltpu.make_async_copy(src_h.at[pl.ds(0, CHUNK)],
                                      sbuf.at[pl.ds(b * CHUNK, CHUNK)],
                                      ssem.at[b]).wait()
                pltpu.make_async_copy(idx_h.at[pl.ds(0, CHUNK)],
                                      ibuf.at[pl.ds(b * CHUNK, CHUNK)],
                                      isem.at[b]).wait()
                lo_ok = jnp.maximum(start, e0u)
                for v in range(N_VREG):
                    pos = iota + (e0 + v * 16)
                    iv = ibuf[pl.ds(b * CHUNK + v * 16, 16)]
                    ok = (pos >= lo_ok) & (pos < end)
                    adj = jnp.where(ok, iv - node_base, garbage)
                    i2buf[pl.ds(b * CHUNK + v * 16, 16)] = adj
                pltpu.sync_copy(sbuf.at[pl.ds(b * CHUNK, CHUNK)],
                                acc.at[i2buf.at[pl.ds(b * CHUNK, CHUNK)]],
                                add=True)
                e0n, _ = chunk_off(i + NBUF)
                pltpu.async_copy(src_h.at[pl.ds(e0n, CHUNK)],
                                 sbuf.at[pl.ds(b * CHUNK, CHUNK)], ssem.at[b])
                pltpu.async_copy(idx_h.at[pl.ds(e0n, CHUNK)],
                                 ibuf.at[pl.ds(b * CHUNK, CHUNK)], isem.at[b])
            return carry

        lax.fori_loop(0, n_outer, outer, 0)

        for b in range(NBUF):
            pltpu.make_async_copy(src_h.at[pl.ds(0, CHUNK)],
                                  sbuf.at[pl.ds(b * CHUNK, CHUNK)],
                                  ssem.at[b]).wait()
            pltpu.make_async_copy(idx_h.at[pl.ds(0, CHUNK)],
                                  ibuf.at[pl.ds(b * CHUNK, CHUNK)],
                                  isem.at[b]).wait()

        plsc.subcore_barrier()
        pltpu.sync_copy(acc.at[pl.ds(rowbase, BASE_ROWS)],
                        out_h.at[pl.ds(node_base + rowbase, BASE_ROWS)])

        @pl.when(s < N_EXTRA)
        def _():
            pltpu.sync_copy(
                acc.at[pl.ds(rowbase + BASE_ROWS, 8)],
                out_h.at[pl.ds(node_base + rowbase + BASE_ROWS, 8)])

    return sc_call, ROWS_PT, BASE_ROWS, N_EXTRA


def kernel(src, index, pos):
    E, R0, R1 = src.shape
    D = R0 * R1
    V = pos.shape[0]
    idx = index.astype(jnp.int32)
    HALF = V // 2
    sc_call, ROWS_PT, BASE_ROWS, N_EXTRA = _make_sc_call(E, V, D)

    p = jnp.searchsorted(idx, jnp.int32(HALF), side="left").astype(jnp.int32)
    w = jnp.arange(NC * NS, dtype=jnp.int32)
    c = w // NS
    s = w % NS
    lo = jnp.where(c == 0, jnp.int32(0), p)
    hi = jnp.where(c == 0, p, jnp.int32(E))
    per = (hi - lo + NS - 1) // NS
    start = jnp.minimum(lo + s * per, hi)
    end = jnp.minimum(start + per, hi)
    start_al = (start // 8) * 8
    nch = (end - start_al + CHUNK - 1) // CHUNK
    n_outer = (nch + NBUF - 1) // NBUF
    rowbase = jnp.where(s < N_EXTRA, s * (BASE_ROWS + 8),
                        N_EXTRA * (BASE_ROWS + 8) + (s - N_EXTRA) * BASE_ROWS)
    tbl = jnp.stack([start, end, start_al, n_outer, rowbase],
                    axis=1).astype(jnp.int32)
    tbl = jnp.pad(tbl, ((0, 0), (0, 11))).reshape(-1)
    zer = jnp.zeros((ROWS_PT, D), jnp.float32)

    out = sc_call(src.reshape(E, D), idx, tbl, zer)
    return out.reshape(V, R0, R1)

# --- scband reference (transcript-rebuilt; emitter-appended) ---
"""Pipeline reference for scband-scatter-24068996727295 (READ-ONLY COPY).

The authoritative reference and input builder live on the scoring server;
editing this copy changes nothing except your own understanding.
"""

import jax, jax.numpy as jnp
import numpy as np

N_EDGES = 1600000
N_NODES = 100000

def setup_inputs(seed: int = 0) -> dict:
    key = jax.random.key(seed)
    k1, k2, k3 = jax.random.split(key, 3)
    src = jax.random.normal(k1, (N_EDGES, 8, 4), dtype=jnp.float32)
    index = jnp.sort(jax.random.randint(k2, (N_EDGES,), 0, N_NODES, dtype=jnp.int64))
    pos = jax.random.normal(k3, (N_NODES, 3), dtype=jnp.float32)
    return {"src": src, "index": index, "pos": pos}

def reference(src, index, pos):
    # scatter_add of src rows into dim_size = pos.shape[0] segments along dim 0
    dim_size = pos.shape[0]
    out = jax.ops.segment_sum(src, index, num_segments=dim_size)
    return out

if __name__ == "__main__":
    import jax
    _d = setup_inputs()
    print(jax.jit(kernel)(*tuple(_d.values())))

</pallas_src>

<mosaic_0001>
#map = affine_map<(d0, d1) -> (0, 0)>
#map1 = affine_map<(d0, d1) -> (0)>
module attributes {stable_mosaic.version = 14 : i64} {
  func.func @sc_call(%arg0: i32, %arg1: i32, %arg2: memref<1600000x32xf32, #tpu.memory_space<hbm>>, %arg3: memref<1600000xi32, #tpu.memory_space<hbm>>, %arg4: memref<512xi32, #tpu.memory_space<hbm>>, %arg5: memref<3128x32xf32, #tpu.memory_space<hbm>>, %arg6: memref<100000x32xf32, #tpu.memory_space<hbm>>, %arg7: memref<384x32xf32, #tpu.memory_space<vmem>>, %arg8: memref<384xi32, #tpu.memory_space<vmem>>, %arg9: memref<384xi32, #tpu.memory_space<vmem>>, %arg10: memref<16xi32, #tpu.memory_space<vmem>>, %arg11: memref<50048x32xf32, #tpu.memory_space<vmem_shared>>, %arg12: memref<3x!tpu.dma_semaphore, #tpu.memory_space<semaphore_mem>>, %arg13: memref<3x!tpu.dma_semaphore, #tpu.memory_space<semaphore_mem>>) attributes {dimension_semantics = [#tpu.dimension_semantics<core_parallel>, #tpu.dimension_semantics<subcore_parallel>], iteration_bounds = array<i64: 2, 16>, scalar_prefetch = 0 : i64, scratch_operands = 7 : i64, tpu.core_type = #tpu.core_type<sc_vector_subcore>, window_params = [{transform_indices = #map}, {transform_indices = #map1}, {transform_indices = #map1}, {transform_indices = #map}, {transform_indices = #map}]} {
    %mul3A = arith.constant 16 : i32
    %mul3A_0 = arith.muli %arg0, %mul3A : i32
    %add3A = arith.addi %mul3A_0, %arg1 : i32
    %mul3A_1 = arith.constant 16 : i32
    %mul3A_2 = arith.muli %add3A, %mul3A_1 : i32
    "tpu.region"() ({
      %run_scoped3A = tpu.sem_alloc : memref<!tpu.dma_semaphore, #tpu.memory_space<semaphore_mem>>
      %dma_start3A_196 = tpu.memref_slice %arg4[%mul3A_2] : memref<512xi32, #tpu.memory_space<hbm>> -> memref<16xi32, #tpu.memory_space<hbm>>
      %dma_start3A_197 = tpu.memref_slice %arg4[%mul3A_2] : memref<512xi32, #tpu.memory_space<hbm>> -> memref<16xi32, #tpu.memory_space<hbm>>
      tpu.enqueue_dma source(%dma_start3A_197 : memref<16xi32, #tpu.memory_space<hbm>>) target(%arg10 : memref<16xi32, #tpu.memory_space<vmem>>) target_semaphore(%run_scoped3A : memref<!tpu.dma_semaphore, #tpu.memory_space<semaphore_mem>>)
      %dma_wait3A_198 = tpu.memref_slice %arg4[%mul3A_2] : memref<512xi32, #tpu.memory_space<hbm>> -> memref<16xi32, #tpu.memory_space<hbm>>
      %dma_wait3A_199 = tpu.memref_slice %arg4[%mul3A_2] : memref<512xi32, #tpu.memory_space<hbm>> -> memref<16xi32, #tpu.memory_space<hbm>>
      tpu.wait_dma2 semaphore(%run_scoped3A : memref<!tpu.dma_semaphore, #tpu.memory_space<semaphore_mem>>) src(%dma_wait3A_199 : memref<16xi32, #tpu.memory_space<hbm>>) dst(%arg10 : memref<16xi32, #tpu.memory_space<vmem>>)
      tpu.yield
    }) : () -> ()
    %get3A = arith.constant 0 : index
    %get3A_3 = tpu.vector_load %arg10[%get3A] {strides = array<i32>} : memref<16xi32, #tpu.memory_space<vmem>>, vector<16xi32>,
    %get3A_4 = vector.shape_cast %get3A_3 : vector<16xi32> to vector<16xi32>
    %slice3A = vector.extract_strided_slice %get3A_4 {offsets = [0], sizes = [1], strides = [1]} : vector<16xi32> to vector<1xi32>
    %squeeze3A = vector.extract %slice3A[0] : i32 from vector<1xi32>
    %slice3A_5 = vector.extract_strided_slice %get3A_4 {offsets = [1], sizes = [1], strides = [1]} : vector<16xi32> to vector<1xi32>
    %squeeze3A_6 = vector.extract %slice3A_5[0] : i32 from vector<1xi32>
    %slice3A_7 = vector.extract_strided_slice %get3A_4 {offsets = [2], sizes = [1], strides = [1]} : vector<16xi32> to vector<1xi32>
    %squeeze3A_8 = vector.extract %slice3A_7[0] : i32 from vector<1xi32>
    %slice3A_9 = vector.extract_strided_slice %get3A_4 {offsets = [3], sizes = [1], strides = [1]} : vector<16xi32> to vector<1xi32>
    %squeeze3A_10 = vector.extract %slice3A_9[0] : i32 from vector<1xi32>
    %slice3A_11 = vector.extract_strided_slice %get3A_4 {offsets = [4], sizes = [1], strides = [1]} : vector<16xi32> to vector<1xi32>
    %squeeze3A_12 = vector.extract %slice3A_11[0] : i32 from vector<1xi32>
    %mul3A_13 = arith.constant 50000 : i32
    %mul3A_14 = arith.muli %arg0, %mul3A_13 : i32
    %iota3A = tpu.iota {dimensions = array<i32: 0>} : vector<16xi32>
    %and3A = arith.constant 15 : i32
    %and3A_15 = vector.broadcast %and3A : i32 to vector<16xi32>
    %and3A_16 = arith.andi %iota3A, %and3A_15 : vector<16xi32>
    %add3A_17 = arith.constant 50000 : i32
    %add3A_18 = vector.broadcast %add3A_17 : i32 to vector<16xi32>
    %add3A_19 = arith.addi %add3A_18, %and3A_16 : vector<16xi32>
    %mul3A_20 = arith.constant 0 : i32
    %mul3A_21 = arith.constant 128 : i32
    %mul3A_22 = arith.muli %mul3A_20, %mul3A_21 : i32
    %add3A_23 = arith.addi %squeeze3A_8, %mul3A_22 : i32
    %min3A = arith.constant 1599872 : i32
    %min3A_24 = arith.minsi %add3A_23, %min3A : i32
    %multiple_of3A = tpu.assume_multiple %min3A_24, 8 : i32
    %dma_start3A = arith.constant 0 : i32
    %dma_start3A_25 = arith.constant 0 : i32
    %dma_start3A_26 = arith.constant 0 : i32
    %dma_start3A_27 = tpu.memref_slice %arg7[%dma_start3A_25, %dma_start3A_26] : memref<384x32xf32, #tpu.memory_space<vmem>> -> memref<128x32xf32, #tpu.memory_space<vmem>>
    %dma_start3A_28 = arith.constant 0 : i32
    %dma_start3A_29 = tpu.memref_slice %arg2[%multiple_of3A, %dma_start3A_28] : memref<1600000x32xf32, #tpu.memory_space<hbm>> -> memref<128x32xf32, #tpu.memory_space<hbm>>
    %dma_start3A_30 = tpu.memref_slice %arg12[%dma_start3A] : memref<3x!tpu.dma_semaphore, #tpu.memory_space<semaphore_mem>> -> memref<1x!tpu.dma_semaphore, #tpu.memory_space<semaphore_mem>>
    %dma_start3A_31 = tpu.memref_squeeze %dma_start3A_30 : memref<1x!tpu.dma_semaphore, #tpu.memory_space<semaphore_mem>> -> memref<!tpu.dma_semaphore, #tpu.memory_space<semaphore_mem>>
    %dma_start3A_32 = arith.constant 0 : i32
    %dma_start3A_33 = arith.constant 0 : i32
    %dma_start3A_34 = tpu.memref_slice %arg7[%dma_start3A_32, %dma_start3A_33] : memref<384x32xf32, #tpu.memory_space<vmem>> -> memref<128x32xf32, #tpu.memory_space<vmem>>
    %dma_start3A_35 = arith.constant 0 : i32
    %dma_start3A_36 = tpu.memref_slice %arg2[%multiple_of3A, %dma_start3A_35] : memref<1600000x32xf32, #tpu.memory_space<hbm>> -> memref<128x32xf32, #tpu.memory_space<hbm>>
    tpu.enqueue_dma source(%dma_start3A_36 : memref<128x32xf32, #tpu.memory_space<hbm>>) target(%dma_start3A_34 : memref<128x32xf32, #tpu.memory_space<vmem>>) target_semaphore(%dma_start3A_31 : memref<!tpu.dma_semaphore, #tpu.memory_space<semaphore_mem>>)
    %dma_start3A_37 = arith.constant 0 : i32
    %dma_start3A_38 = arith.constant 0 : i32
    %dma_start3A_39 = tpu.memref_slice %arg8[%dma_start3A_38] : memref<384xi32, #tpu.memory_space<vmem>> -> memref<128xi32, #tpu.memory_space<vmem>>
    %dma_start3A_40 = tpu.memref_slice %arg3[%multiple_of3A] : memref<1600000xi32, #tpu.memory_space<hbm>> -> memref<128xi32, #tpu.memory_space<hbm>>
    %dma_start3A_41 = tpu.memref_slice %arg13[%dma_start3A_37] : memref<3x!tpu.dma_semaphore, #tpu.memory_space<semaphore_mem>> -> memref<1x!tpu.dma_semaphore, #tpu.memory_space<semaphore_mem>>
    %dma_start3A_42 = tpu.memref_squeeze %dma_start3A_41 : memref<1x!tpu.dma_semaphore, #tpu.memory_space<semaphore_mem>> -> memref<!tpu.dma_semaphore, #tpu.memory_space<semaphore_mem>>
    %dma_start3A_43 = arith.constant 0 : i32
    %dma_start3A_44 = tpu.memref_slice %arg8[%dma_start3A_43] : memref<384xi32, #tpu.memory_space<vmem>> -> memref<128xi32, #tpu.memory_space<vmem>>
    %dma_start3A_45 = tpu.memref_slice %arg3[%multiple_of3A] : memref<1600000xi32, #tpu.memory_space<hbm>> -> memref<128xi32, #tpu.memory_space<hbm>>
    tpu.enqueue_dma source(%dma_start3A_45 : memref<128xi32, #tpu.memory_space<hbm>>) target(%dma_start3A_44 : memref<128xi32, #tpu.memory_space<vmem>>) target_semaphore(%dma_start3A_42 : memref<!tpu.dma_semaphore, #tpu.memory_space<semaphore_mem>>)
    %mul3A_46 = arith.constant 1 : i32
    %mul3A_47 = arith.constant 128 : i32
    %mul3A_48 = arith.muli %mul3A_46, %mul3A_47 : i32
    %add3A_49 = arith.addi %squeeze3A_8, %mul3A_48 : i32
    %min3A_50 = arith.constant 1599872 : i32
    %min3A_51 = arith.minsi %add3A_49, %min3A_50 : i32
    %multiple_of3A_52 = tpu.assume_multiple %min3A_51, 8 : i32
    %dma_start3A_53 = arith.constant 1 : i32
    %dma_start3A_54 = arith.constant 128 : i32
    %dma_start3A_55 = arith.constant 0 : i32
    %dma_start3A_56 = tpu.memref_slice %arg7[%dma_start3A_54, %dma_start3A_55] : memref<384x32xf32, #tpu.memory_space<vmem>> -> memref<128x32xf32, #tpu.memory_space<vmem>>
    %dma_start3A_57 = arith.constant 0 : i32
    %dma_start3A_58 = tpu.memref_slice %arg2[%multiple_of3A_52, %dma_start3A_57] : memref<1600000x32xf32, #tpu.memory_space<hbm>> -> memref<128x32xf32, #tpu.memory_space<hbm>>
    %dma_start3A_59 = tpu.memref_slice %arg12[%dma_start3A_53] : memref<3x!tpu.dma_semaphore, #tpu.memory_space<semaphore_mem>> -> memref<1x!tpu.dma_semaphore, #tpu.memory_space<semaphore_mem>>
    %dma_start3A_60 = tpu.memref_squeeze %dma_start3A_59 : memref<1x!tpu.dma_semaphore, #tpu.memory_space<semaphore_mem>> -> memref<!tpu.dma_semaphore, #tpu.memory_space<semaphore_mem>>
    %dma_start3A_61 = arith.constant 128 : i32
    %dma_start3A_62 = arith.constant 0 : i32
    %dma_start3A_63 = tpu.memref_slice %arg7[%dma_start3A_61, %dma_start3A_62] : memref<384x32xf32, #tpu.memory_space<vmem>> -> memref<128x32xf32, #tpu.memory_space<vmem>>
    %dma_start3A_64 = arith.constant 0 : i32
    %dma_start3A_65 = tpu.memref_slice %arg2[%multiple_of3A_52, %dma_start3A_64] : memref<1600000x32xf32, #tpu.memory_space<hbm>> -> memref<128x32xf32, #tpu.memory_space<hbm>>
    tpu.enqueue_dma source(%dma_start3A_65 : memref<128x32xf32, #tpu.memory_space<hbm>>) target(%dma_start3A_63 : memref<128x32xf32, #tpu.memory_space<vmem>>) target_semaphore(%dma_start3A_60 : memref<!tpu.dma_semaphore, #tpu.memory_space<semaphore_mem>>)
    %dma_start3A_66 = arith.constant 1 : i32
    %dma_start3A_67 = arith.constant 128 : i32
    %dma_start3A_68 = tpu.memref_slice %arg8[%dma_start3A_67] : memref<384xi32, #tpu.memory_space<vmem>> -> memref<128xi32, #tpu.memory_space<vmem>>
    %dma_start3A_69 = tpu.memref_slice %arg3[%multiple_of3A_52] : memref<1600000xi32, #tpu.memory_space<hbm>> -> memref<128xi32, #tpu.memory_space<hbm>>
    %dma_start3A_70 = tpu.memref_slice %arg13[%dma_start3A_66] : memref<3x!tpu.dma_semaphore, #tpu.memory_space<semaphore_mem>> -> memref<1x!tpu.dma_semaphore, #tpu.memory_space<semaphore_mem>>
    %dma_start3A_71 = tpu.memref_squeeze %dma_start3A_70 : memref<1x!tpu.dma_semaphore, #tpu.memory_space<semaphore_mem>> -> memref<!tpu.dma_semaphore, #tpu.memory_space<semaphore_mem>>
    %dma_start3A_72 = arith.constant 128 : i32
    %dma_start3A_73 = tpu.memref_slice %arg8[%dma_start3A_72] : memref<384xi32, #tpu.memory_space<vmem>> -> memref<128xi32, #tpu.memory_space<vmem>>
    %dma_start3A_74 = tpu.memref_slice %arg3[%multiple_of3A_52] : memref<1600000xi32, #tpu.memory_space<hbm>> -> memref<128xi32, #tpu.memory_space<hbm>>
    tpu.enqueue_dma source(%dma_start3A_74 : memref<128xi32, #tpu.memory_space<hbm>>) target(%dma_start3A_73 : memref<128xi32, #tpu.memory_space<vmem>>) target_semaphore(%dma_start3A_71 : memref<!tpu.dma_semaphore, #tpu.memory_space<semaphore_mem>>)
    %mul3A_75 = arith.constant 2 : i32
    %mul3A_76 = arith.constant 128 : i32
    %mul3A_77 = arith.muli %mul3A_75, %mul3A_76 : i32
    %add3A_78 = arith.addi %squeeze3A_8, %mul3A_77 : i32
    %min3A_79 = arith.constant 1599872 : i32
    %min3A_80 = arith.minsi %add3A_78, %min3A_79 : i32
    %multiple_of3A_81 = tpu.assume_multiple %min3A_80, 8 : i32
    %dma_start3A_82 = arith.constant 2 : i32
    %dma_start3A_83 = arith.constant 256 : i32
    %dma_start3A_84 = arith.constant 0 : i32
    %dma_start3A_85 = tpu.memref_slice %arg7[%dma_start3A_83, %dma_start3A_84] : memref<384x32xf32, #tpu.memory_space<vmem>> -> memref<128x32xf32, #tpu.memory_space<vmem>>
    %dma_start3A_86 = arith.constant 0 : i32
    %dma_start3A_87 = tpu.memref_slice %arg2[%multiple_of3A_81, %dma_start3A_86] : memref<1600000x32xf32, #tpu.memory_space<hbm>> -> memref<128x32xf32, #tpu.memory_space<hbm>>
    %dma_start3A_88 = tpu.memref_slice %arg12[%dma_start3A_82] : memref<3x!tpu.dma_semaphore, #tpu.memory_space<semaphore_mem>> -> memref<1x!tpu.dma_semaphore, #tpu.memory_space<semaphore_mem>>
    %dma_start3A_89 = tpu.memref_squeeze %dma_start3A_88 : memref<1x!tpu.dma_semaphore, #tpu.memory_space<semaphore_mem>> -> memref<!tpu.dma_semaphore, #tpu.memory_space<semaphore_mem>>
    %dma_start3A_90 = arith.constant 256 : i32
    %dma_start3A_91 = arith.constant 0 : i32
    %dma_start3A_92 = tpu.memref_slice %arg7[%dma_start3A_90, %dma_start3A_91] : memref<384x32xf32, #tpu.memory_space<vmem>> -> memref<128x32xf32, #tpu.memory_space<vmem>>
    %dma_start3A_93 = arith.constant 0 : i32
    %dma_start3A_94 = tpu.memref_slice %arg2[%multiple_of3A_81, %dma_start3A_93] : memref<1600000x32xf32, #tpu.memory_space<hbm>> -> memref<128x32xf32, #tpu.memory_space<hbm>>
    tpu.enqueue_dma source(%dma_start3A_94 : memref<128x32xf32, #tpu.memory_space<hbm>>) target(%dma_start3A_92 : memref<128x32xf32, #tpu.memory_space<vmem>>) target_semaphore(%dma_start3A_89 : memref<!tpu.dma_semaphore, #tpu.memory_space<semaphore_mem>>)
    %dma_start3A_95 = arith.constant 2 : i32
    %dma_start3A_96 = arith.constant 256 : i32
    %dma_start3A_97 = tpu.memref_slice %arg8[%dma_start3A_96] : memref<384xi32, #tpu.memory_space<vmem>> -> memref<128xi32, #tpu.memory_space<vmem>>
    %dma_start3A_98 = tpu.memref_slice %arg3[%multiple_of3A_81] : memref<1600000xi32, #tpu.memory_space<hbm>> -> memref<128xi32, #tpu.memory_space<hbm>>
    %dma_start3A_99 = tpu.memref_slice %arg13[%dma_start3A_95] : memref<3x!tpu.dma_semaphore, #tpu.memory_space<semaphore_mem>> -> memref<1x!tpu.dma_semaphore, #tpu.memory_space<semaphore_mem>>
    %dma_start3A_100 = tpu.memref_squeeze %dma_start3A_99 : memref<1x!tpu.dma_semaphore, #tpu.memory_space<semaphore_mem>> -> memref<!tpu.dma_semaphore, #tpu.memory_space<semaphore_mem>>
    %dma_start3A_101 = arith.constant 256 : i32
    %dma_start3A_102 = tpu.memref_slice %arg8[%dma_start3A_101] : memref<384xi32, #tpu.memory_space<vmem>> -> memref<128xi32, #tpu.memory_space<vmem>>
    %dma_start3A_103 = tpu.memref_slice %arg3[%multiple_of3A_81] : memref<1600000xi32, #tpu.memory_space<hbm>> -> memref<128xi32, #tpu.memory_space<hbm>>
    tpu.enqueue_dma source(%dma_start3A_103 : memref<128xi32, #tpu.memory_space<hbm>>) target(%dma_start3A_102 : memref<128xi32, #tpu.memory_space<vmem>>) target_semaphore(%dma_start3A_100 : memref<!tpu.dma_semaphore, #tpu.memory_space<semaphore_mem>>)
    %mul3A_104 = arith.constant 3128 : i32
    %mul3A_105 = arith.muli %arg1, %mul3A_104 : i32
    "tpu.region"() ({
      %run_scoped3A = tpu.sem_alloc : memref<!tpu.dma_semaphore, #tpu.memory_space<semaphore_mem>>
      %dma_start3A_196 = arith.constant 0 : i32
      %dma_start3A_197 = tpu.memref_slice %arg11[%mul3A_105, %dma_start3A_196] : memref<50048x32xf32, #tpu.memory_space<vmem_shared>> -> memref<3128x32xf32, #tpu.memory_space<vmem_shared>>
      tpu.enqueue_dma source(%arg5 : memref<3128x32xf32, #tpu.memory_space<hbm>>) target(%dma_start3A_197 : memref<3128x32xf32, #tpu.memory_space<vmem_shared>>) target_semaphore(%run_scoped3A : memref<!tpu.dma_semaphore, #tpu.memory_space<semaphore_mem>>)
      %dma_wait3A_198 = arith.constant 0 : i32
      %dma_wait3A_199 = tpu.memref_slice %arg11[%mul3A_105, %dma_wait3A_198] : memref<50048x32xf32, #tpu.memory_space<vmem_shared>> -> memref<3128x32xf32, #tpu.memory_space<vmem_shared>>
      tpu.wait_dma2 semaphore(%run_scoped3A : memref<!tpu.dma_semaphore, #tpu.memory_space<semaphore_mem>>) src(%arg5 : memref<3128x32xf32, #tpu.memory_space<hbm>>) dst(%dma_wait3A_199 : memref<3128x32xf32, #tpu.memory_space<vmem_shared>>)
      tpu.yield
    }) : () -> ()
    %barrier3A = arith.constant 0 : index
    tpu.barrier barrier_id(%barrier3A)
    %while3A = arith.constant 0 : i32
    %while3A_106 = arith.constant 0 : i32
    %while3A_107 = arith.subi %squeeze3A_10, %while3A_106 : i32
    %while3A_108 = arith.addi %while3A_106, %while3A_107 : i32
    %while3A_109 = arith.constant 1 : i32
    %while3A_110 = arith.divsi %while3A_107, %while3A_109 : i32
    %while3A_111 = arith.muli %while3A_110, %while3A_109 : i32
    %while3A_112 = arith.addi %while3A_106, %while3A_111 : i32
    %while3A_113 = arith.constant 1 : i32
    scf.for %while3A_196 = %while3A_106 to %while3A_112 step %while3A_113  : i32 {
      %mul3A_197 = arith.constant 3 : i32
      %mul3A_198 = arith.muli %while3A_196, %mul3A_197 : i32
      %add3A_199 = arith.constant 0 : i32
      %add3A_200 = arith.addi %mul3A_198, %add3A_199 : i32
      %mul3A_201 = arith.constant 128 : i32
      %mul3A_202 = arith.muli %add3A_200, %mul3A_201 : i32
      %add3A_203 = arith.addi %squeeze3A_8, %mul3A_202 : i32
      %min3A_204 = arith.constant 1599872 : i32
      %min3A_205 = arith.minsi %add3A_203, %min3A_204 : i32
      %multiple_of3A_206 = tpu.assume_multiple %min3A_205, 8 : i32
      %dma_wait3A_207 = arith.constant 0 : i32
      %dma_wait3A_208 = arith.constant 0 : i32
      %dma_wait3A_209 = arith.constant 0 : i32
      %dma_wait3A_210 = tpu.memref_slice %arg7[%dma_wait3A_208, %dma_wait3A_209] : memref<384x32xf32, #tpu.memory_space<vmem>> -> memref<128x32xf32, #tpu.memory_space<vmem>>
      %dma_wait3A_211 = arith.constant 0 : i32
      %dma_wait3A_212 = arith.constant 0 : i32
      %dma_wait3A_213 = tpu.memref_slice %arg2[%dma_wait3A_211, %dma_wait3A_212] : memref<1600000x32xf32, #tpu.memory_space<hbm>> -> memref<128x32xf32, #tpu.memory_space<hbm>>
      %dma_wait3A_214 = tpu.memref_slice %arg12[%dma_wait3A_207] : memref<3x!tpu.dma_semaphore, #tpu.memory_space<semaphore_mem>> -> memref<1x!tpu.dma_semaphore, #tpu.memory_space<semaphore_mem>>
      %dma_wait3A_215 = tpu.memref_squeeze %dma_wait3A_214 : memref<1x!tpu.dma_semaphore, #tpu.memory_space<semaphore_mem>> -> memref<!tpu.dma_semaphore, #tpu.memory_space<semaphore_mem>>
      %dma_wait3A_216 = arith.constant 0 : i32
      %dma_wait3A_217 = arith.constant 0 : i32
      %dma_wait3A_218 = tpu.memref_slice %arg7[%dma_wait3A_216, %dma_wait3A_217] : memref<384x32xf32, #tpu.memory_space<vmem>> -> memref<128x32xf32, #tpu.memory_space<vmem>>
      %dma_wait3A_219 = arith.constant 0 : i32
      %dma_wait3A_220 = arith.constant 0 : i32
      %dma_wait3A_221 = tpu.memref_slice %arg2[%dma_wait3A_219, %dma_wait3A_220] : memref<1600000x32xf32, #tpu.memory_space<hbm>> -> memref<128x32xf32, #tpu.memory_space<hbm>>
      tpu.wait_dma2 semaphore(%dma_wait3A_215 : memref<!tpu.dma_semaphore, #tpu.memory_space<semaphore_mem>>) src(%dma_wait3A_221 : memref<128x32xf32, #tpu.memory_space<hbm>>) dst(%dma_wait3A_218 : memref<128x32xf32, #tpu.memory_space<vmem>>)
      %dma_wait3A_222 = arith.constant 0 : i32
      %dma_wait3A_223 = arith.constant 0 : i32
      %dma_wait3A_224 = tpu.memref_slice %arg8[%dma_wait3A_223] : memref<384xi32, #tpu.memory_space<vmem>> -> memref<128xi32, #tpu.memory_space<vmem>>
      %dma_wait3A_225 = arith.constant 0 : i32
      %dma_wait3A_226 = tpu.memref_slice %arg3[%dma_wait3A_225] : memref<1600000xi32, #tpu.memory_space<hbm>> -> memref<128xi32, #tpu.memory_space<hbm>>
      %dma_wait3A_227 = tpu.memref_slice %arg13[%dma_wait3A_222] : memref<3x!tpu.dma_semaphore, #tpu.memory_space<semaphore_mem>> -> memref<1x!tpu.dma_semaphore, #tpu.memory_space<semaphore_mem>>
      %dma_wait3A_228 = tpu.memref_squeeze %dma_wait3A_227 : memref<1x!tpu.dma_semaphore, #tpu.memory_space<semaphore_mem>> -> memref<!tpu.dma_semaphore, #tpu.memory_space<semaphore_mem>>
      %dma_wait3A_229 = arith.constant 0 : i32
      %dma_wait3A_230 = tpu.memref_slice %arg8[%dma_wait3A_229] : memref<384xi32, #tpu.memory_space<vmem>> -> memref<128xi32, #tpu.memory_space<vmem>>
      %dma_wait3A_231 = arith.constant 0 : i32
      %dma_wait3A_232 = tpu.memref_slice %arg3[%dma_wait3A_231] : memref<1600000xi32, #tpu.memory_space<hbm>> -> memref<128xi32, #tpu.memory_space<hbm>>
      tpu.wait_dma2 semaphore(%dma_wait3A_228 : memref<!tpu.dma_semaphore, #tpu.memory_space<semaphore_mem>>) src(%dma_wait3A_232 : memref<128xi32, #tpu.memory_space<hbm>>) dst(%dma_wait3A_230 : memref<128xi32, #tpu.memory_space<vmem>>)
      %max3A = arith.maxsi %squeeze3A, %add3A_203 : i32
      %add3A_233 = arith.constant 0 : i32
      %add3A_234 = arith.addi %multiple_of3A_206, %add3A_233 : i32
      %add3A_235 = vector.broadcast %add3A_234 : i32 to vector<16xi32>
      %add3A_236 = arith.addi %iota3A, %add3A_235 : vector<16xi32>
      %get3A_237 = arith.constant 0 : index
      %get3A_238 = tpu.vector_load %arg8[%get3A_237] {strides = array<i32>} : memref<384xi32, #tpu.memory_space<vmem>>, vector<16xi32>,
      %get3A_239 = vector.shape_cast %get3A_238 : vector<16xi32> to vector<16xi32>
      %ge3A = vector.broadcast %max3A : i32 to vector<16xi32>
      %ge3A_240 = arith.cmpi sge, %add3A_236, %ge3A : vector<16xi32>
      %lt3A_241 = vector.broadcast %squeeze3A_6 : i32 to vector<16xi32>
      %lt3A_242 = arith.cmpi slt, %add3A_236, %lt3A_241 : vector<16xi32>
      %and3A_243 = arith.andi %ge3A_240, %lt3A_242 : vector<16xi1>
      %sub3A = vector.broadcast %mul3A_14 : i32 to vector<16xi32>
      %sub3A_244 = arith.subi %get3A_239, %sub3A : vector<16xi32>
      %select_n3A = arith.select %and3A_243, %sub3A_244, %add3A_19 : vector<16xi1>, vector<16xi32>
      %swap3A = arith.constant 0 : index
      %swap3A_245 = tpu.vector_load %arg9[%swap3A] {strides = array<i32>} : memref<384xi32, #tpu.memory_space<vmem>>, vector<16xi32>,
      %swap3A_246 = vector.shape_cast %swap3A_245 : vector<16xi32> to vector<16xi32>
      %swap3A_247 = vector.shape_cast %select_n3A : vector<16xi32> to vector<16xi32>
      tpu.vector_store %arg9[%swap3A], %swap3A_247 {strides = array<i32>} : memref<384xi32, #tpu.memory_space<vmem>>, vector<16xi32>,
      %add3A_248 = arith.constant 16 : i32
      %add3A_249 = arith.addi %multiple_of3A_206, %add3A_248 : i32
      %add3A_250 = vector.broadcast %add3A_249 : i32 to vector<16xi32>
      %add3A_251 = arith.addi %iota3A, %add3A_250 : vector<16xi32>
      %get3A_252 = arith.constant 16 : index
      %get3A_253 = tpu.vector_load %arg8[%get3A_252] {strides = array<i32>} : memref<384xi32, #tpu.memory_space<vmem>>, vector<16xi32>,
      %get3A_254 = vector.shape_cast %get3A_253 : vector<16xi32> to vector<16xi32>
      %ge3A_255 = vector.broadcast %max3A : i32 to vector<16xi32>
      %ge3A_256 = arith.cmpi sge, %add3A_251, %ge3A_255 : vector<16xi32>
      %lt3A_257 = vector.broadcast %squeeze3A_6 : i32 to vector<16xi32>
      %lt3A_258 = arith.cmpi slt, %add3A_251, %lt3A_257 : vector<16xi32>
      %and3A_259 = arith.andi %ge3A_256, %lt3A_258 : vector<16xi1>
      %sub3A_260 = vector.broadcast %mul3A_14 : i32 to vector<16xi32>
      %sub3A_261 = arith.subi %get3A_254, %sub3A_260 : vector<16xi32>
      %select_n3A_262 = arith.select %and3A_259, %sub3A_261, %add3A_19 : vector<16xi1>, vector<16xi32>
      %swap3A_263 = arith.constant 16 : index
      %swap3A_264 = tpu.vector_load %arg9[%swap3A_263] {strides = array<i32>} : memref<384xi32, #tpu.memory_space<vmem>>, vector<16xi32>,
      %swap3A_265 = vector.shape_cast %swap3A_264 : vector<16xi32> to vector<16xi32>
      %swap3A_266 = vector.shape_cast %select_n3A_262 : vector<16xi32> to vector<16xi32>
      tpu.vector_store %arg9[%swap3A_263], %swap3A_266 {strides = array<i32>} : memref<384xi32, #tpu.memory_space<vmem>>, vector<16xi32>,
      %add3A_267 = arith.constant 32 : i32
      %add3A_268 = arith.addi %multiple_of3A_206, %add3A_267 : i32
      %add3A_269 = vector.broadcast %add3A_268 : i32 to vector<16xi32>
      %add3A_270 = arith.addi %iota3A, %add3A_269 : vector<16xi32>
      %get3A_271 = arith.constant 32 : index
      %get3A_272 = tpu.vector_load %arg8[%get3A_271] {strides = array<i32>} : memref<384xi32, #tpu.memory_space<vmem>>, vector<16xi32>,
      %get3A_273 = vector.shape_cast %get3A_272 : vector<16xi32> to vector<16xi32>
      %ge3A_274 = vector.broadcast %max3A : i32 to vector<16xi32>
      %ge3A_275 = arith.cmpi sge, %add3A_270, %ge3A_274 : vector<16xi32>
      %lt3A_276 = vector.broadcast %squeeze3A_6 : i32 to vector<16xi32>
      %lt3A_277 = arith.cmpi slt, %add3A_270, %lt3A_276 : vector<16xi32>
      %and3A_278 = arith.andi %ge3A_275, %lt3A_277 : vector<16xi1>
      %sub3A_279 = vector.broadcast %mul3A_14 : i32 to vector<16xi32>
      %sub3A_280 = arith.subi %get3A_273, %sub3A_279 : vector<16xi32>
      %select_n3A_281 = arith.select %and3A_278, %sub3A_280, %add3A_19 : vector<16xi1>, vector<16xi32>
      %swap3A_282 = arith.constant 32 : index
      %swap3A_283 = tpu.vector_load %arg9[%swap3A_282] {strides = array<i32>} : memref<384xi32, #tpu.memory_space<vmem>>, vector<16xi32>,
      %swap3A_284 = vector.shape_cast %swap3A_283 : vector<16xi32> to vector<16xi32>
      %swap3A_285 = vector.shape_cast %select_n3A_281 : vector<16xi32> to vector<16xi32>
      tpu.vector_store %arg9[%swap3A_282], %swap3A_285 {strides = array<i32>} : memref<384xi32, #tpu.memory_space<vmem>>, vector<16xi32>,
      %add3A_286 = arith.constant 48 : i32
      %add3A_287 = arith.addi %multiple_of3A_206, %add3A_286 : i32
      %add3A_288 = vector.broadcast %add3A_287 : i32 to vector<16xi32>
      %add3A_289 = arith.addi %iota3A, %add3A_288 : vector<16xi32>
      %get3A_290 = arith.constant 48 : index
      %get3A_291 = tpu.vector_load %arg8[%get3A_290] {strides = array<i32>} : memref<384xi32, #tpu.memory_space<vmem>>, vector<16xi32>,
      %get3A_292 = vector.shape_cast %get3A_291 : vector<16xi32> to vector<16xi32>
      %ge3A_293 = vector.broadcast %max3A : i32 to vector<16xi32>
      %ge3A_294 = arith.cmpi sge, %add3A_289, %ge3A_293 : vector<16xi32>
      %lt3A_295 = vector.broadcast %squeeze3A_6 : i32 to vector<16xi32>
      %lt3A_296 = arith.cmpi slt, %add3A_289, %lt3A_295 : vector<16xi32>
      %and3A_297 = arith.andi %ge3A_294, %lt3A_296 : vector<16xi1>
      %sub3A_298 = vector.broadcast %mul3A_14 : i32 to vector<16xi32>
      %sub3A_299 = arith.subi %get3A_292, %sub3A_298 : vector<16xi32>
      %select_n3A_300 = arith.select %and3A_297, %sub3A_299, %add3A_19 : vector<16xi1>, vector<16xi32>
      %swap3A_301 = arith.constant 48 : index
      %swap3A_302 = tpu.vector_load %arg9[%swap3A_301] {strides = array<i32>} : memref<384xi32, #tpu.memory_space<vmem>>, vector<16xi32>,
      %swap3A_303 = vector.shape_cast %swap3A_302 : vector<16xi32> to vector<16xi32>
      %swap3A_304 = vector.shape_cast %select_n3A_300 : vector<16xi32> to vector<16xi32>
      tpu.vector_store %arg9[%swap3A_301], %swap3A_304 {strides = array<i32>} : memref<384xi32, #tpu.memory_space<vmem>>, vector<16xi32>,
      %add3A_305 = arith.constant 64 : i32
      %add3A_306 = arith.addi %multiple_of3A_206, %add3A_305 : i32
      %add3A_307 = vector.broadcast %add3A_306 : i32 to vector<16xi32>
      %add3A_308 = arith.addi %iota3A, %add3A_307 : vector<16xi32>
      %get3A_309 = arith.constant 64 : index
      %get3A_310 = tpu.vector_load %arg8[%get3A_309] {strides = array<i32>} : memref<384xi32, #tpu.memory_space<vmem>>, vector<16xi32>,
      %get3A_311 = vector.shape_cast %get3A_310 : vector<16xi32> to vector<16xi32>
      %ge3A_312 = vector.broadcast %max3A : i32 to vector<16xi32>
      %ge3A_313 = arith.cmpi sge, %add3A_308, %ge3A_312 : vector<16xi32>
      %lt3A_314 = vector.broadcast %squeeze3A_6 : i32 to vector<16xi32>
      %lt3A_315 = arith.cmpi slt, %add3A_308, %lt3A_314 : vector<16xi32>
      %and3A_316 = arith.andi %ge3A_313, %lt3A_315 : vector<16xi1>
      %sub3A_317 = vector.broadcast %mul3A_14 : i32 to vector<16xi32>
      %sub3A_318 = arith.subi %get3A_311, %sub3A_317 : vector<16xi32>
      %select_n3A_319 = arith.select %and3A_316, %sub3A_318, %add3A_19 : vector<16xi1>, vector<16xi32>
      %swap3A_320 = arith.constant 64 : index
      %swap3A_321 = tpu.vector_load %arg9[%swap3A_320] {strides = array<i32>} : memref<384xi32, #tpu.memory_space<vmem>>, vector<16xi32>,
      %swap3A_322 = vector.shape_cast %swap3A_321 : vector<16xi32> to vector<16xi32>
      %swap3A_323 = vector.shape_cast %select_n3A_319 : vector<16xi32> to vector<16xi32>
      tpu.vector_store %arg9[%swap3A_320], %swap3A_323 {strides = array<i32>} : memref<384xi32, #tpu.memory_space<vmem>>, vector<16xi32>,
      %add3A_324 = arith.constant 80 : i32
      %add3A_325 = arith.addi %multiple_of3A_206, %add3A_324 : i32
      %add3A_326 = vector.broadcast %add3A_325 : i32 to vector<16xi32>
      %add3A_327 = arith.addi %iota3A, %add3A_326 : vector<16xi32>
      %get3A_328 = arith.constant 80 : index
      %get3A_329 = tpu.vector_load %arg8[%get3A_328] {strides = array<i32>} : memref<384xi32, #tpu.memory_space<vmem>>, vector<16xi32>,
      %get3A_330 = vector.shape_cast %get3A_329 : vector<16xi32> to vector<16xi32>
      %ge3A_331 = vector.broadcast %max3A : i32 to vector<16xi32>
      %ge3A_332 = arith.cmpi sge, %add3A_327, %ge3A_331 : vector<16xi32>
      %lt3A_333 = vector.broadcast %squeeze3A_6 : i32 to vector<16xi32>
      %lt3A_334 = arith.cmpi slt, %add3A_327, %lt3A_333 : vector<16xi32>
      %and3A_335 = arith.andi %ge3A_332, %lt3A_334 : vector<16xi1>
      %sub3A_336 = vector.broadcast %mul3A_14 : i32 to vector<16xi32>
      %sub3A_337 = arith.subi %get3A_330, %sub3A_336 : vector<16xi32>
      %select_n3A_338 = arith.select %and3A_335, %sub3A_337, %add3A_19 : vector<16xi1>, vector<16xi32>
      %swap3A_339 = arith.constant 80 : index
      %swap3A_340 = tpu.vector_load %arg9[%swap3A_339] {strides = array<i32>} : memref<384xi32, #tpu.memory_space<vmem>>, vector<16xi32>,
      %swap3A_341 = vector.shape_cast %swap3A_340 : vector<16xi32> to vector<16xi32>
      %swap3A_342 = vector.shape_cast %select_n3A_338 : vector<16xi32> to vector<16xi32>
      tpu.vector_store %arg9[%swap3A_339], %swap3A_342 {strides = array<i32>} : memref<384xi32, #tpu.memory_space<vmem>>, vector<16xi32>,
      %add3A_343 = arith.constant 96 : i32
      %add3A_344 = arith.addi %multiple_of3A_206, %add3A_343 : i32
      %add3A_345 = vector.broadcast %add3A_344 : i32 to vector<16xi32>
      %add3A_346 = arith.addi %iota3A, %add3A_345 : vector<16xi32>
      %get3A_347 = arith.constant 96 : index
      %get3A_348 = tpu.vector_load %arg8[%get3A_347] {strides = array<i32>} : memref<384xi32, #tpu.memory_space<vmem>>, vector<16xi32>,
      %get3A_349 = vector.shape_cast %get3A_348 : vector<16xi32> to vector<16xi32>
      %ge3A_350 = vector.broadcast %max3A : i32 to vector<16xi32>
      %ge3A_351 = arith.cmpi sge, %add3A_346, %ge3A_350 : vector<16xi32>
      %lt3A_352 = vector.broadcast %squeeze3A_6 : i32 to vector<16xi32>
      %lt3A_353 = arith.cmpi slt, %add3A_346, %lt3A_352 : vector<16xi32>
      %and3A_354 = arith.andi %ge3A_351, %lt3A_353 : vector<16xi1>
      %sub3A_355 = vector.broadcast %mul3A_14 : i32 to vector<16xi32>
      %sub3A_356 = arith.subi %get3A_349, %sub3A_355 : vector<16xi32>
      %select_n3A_357 = arith.select %and3A_354, %sub3A_356, %add3A_19 : vector<16xi1>, vector<16xi32>
      %swap3A_358 = arith.constant 96 : index
      %swap3A_359 = tpu.vector_load %arg9[%swap3A_358] {strides = array<i32>} : memref<384xi32, #tpu.memory_space<vmem>>, vector<16xi32>,
      %swap3A_360 = vector.shape_cast %swap3A_359 : vector<16xi32> to vector<16xi32>
      %swap3A_361 = vector.shape_cast %select_n3A_357 : vector<16xi32> to vector<16xi32>
      tpu.vector_store %arg9[%swap3A_358], %swap3A_361 {strides = array<i32>} : memref<384xi32, #tpu.memory_space<vmem>>, vector<16xi32>,
      %add3A_362 = arith.constant 112 : i32
      %add3A_363 = arith.addi %multiple_of3A_206, %add3A_362 : i32
      %add3A_364 = vector.broadcast %add3A_363 : i32 to vector<16xi32>
      %add3A_365 = arith.addi %iota3A, %add3A_364 : vector<16xi32>
      %get3A_366 = arith.constant 112 : index
      %get3A_367 = tpu.vector_load %arg8[%get3A_366] {strides = array<i32>} : memref<384xi32, #tpu.memory_space<vmem>>, vector<16xi32>,
      %get3A_368 = vector.shape_cast %get3A_367 : vector<16xi32> to vector<16xi32>
      %ge3A_369 = vector.broadcast %max3A : i32 to vector<16xi32>
      %ge3A_370 = arith.cmpi sge, %add3A_365, %ge3A_369 : vector<16xi32>
      %lt3A_371 = vector.broadcast %squeeze3A_6 : i32 to vector<16xi32>
      %lt3A_372 = arith.cmpi slt, %add3A_365, %lt3A_371 : vector<16xi32>
      %and3A_373 = arith.andi %ge3A_370, %lt3A_372 : vector<16xi1>
      %sub3A_374 = vector.broadcast %mul3A_14 : i32 to vector<16xi32>
      %sub3A_375 = arith.subi %get3A_368, %sub3A_374 : vector<16xi32>
      %select_n3A_376 = arith.select %and3A_373, %sub3A_375, %add3A_19 : vector<16xi1>, vector<16xi32>
      %swap3A_377 = arith.constant 112 : index
      %swap3A_378 = tpu.vector_load %arg9[%swap3A_377] {strides = array<i32>} : memref<384xi32, #tpu.memory_space<vmem>>, vector<16xi32>,
      %swap3A_379 = vector.shape_cast %swap3A_378 : vector<16xi32> to vector<16xi32>
      %swap3A_380 = vector.shape_cast %select_n3A_376 : vector<16xi32> to vector<16xi32>
      tpu.vector_store %arg9[%swap3A_377], %swap3A_380 {strides = array<i32>} : memref<384xi32, #tpu.memory_space<vmem>>, vector<16xi32>,
      "tpu.region"() ({
        %run_scoped3A = tpu.sem_alloc : memref<!tpu.dma_semaphore, #tpu.memory_space<semaphore_mem>>
        %dma_start3A_849 = arith.constant 0 : i32
        %dma_start3A_850 = arith.constant 0 : i32
        %dma_start3A_851 = tpu.memref_slice %arg7[%dma_start3A_849, %dma_start3A_850] : memref<384x32xf32, #tpu.memory_space<vmem>> -> memref<128x32xf32, #tpu.memory_space<vmem>>
        %dma_start3A_852 = arith.constant 0 : i32
        %dma_start3A_853 = tpu.memref_slice %arg9[%dma_start3A_852] : memref<384xi32, #tpu.memory_space<vmem>> -> memref<128xi32, #tpu.memory_space<vmem>>
        %dma_start3A_854 = arith.constant 0 : i32
        %dma_start3A_855 = arith.constant 0 : i32
        %dma_start3A_856 = tpu.memref_slice %arg11[%dma_start3A_854, %dma_start3A_855] : memref<50048x32xf32, #tpu.memory_space<vmem_shared>> -> memref<50048x32xf32, #tpu.memory_space<vmem_shared>>
        tpu.enqueue_indirect_dma source(%dma_start3A_851 : memref<128x32xf32, #tpu.memory_space<vmem>>) target(%dma_start3A_856 : memref<50048x32xf32, #tpu.memory_space<vmem_shared>>) offsets(%dma_start3A_853 : memref<128xi32, #tpu.memory_space<vmem>>) semaphore(%run_scoped3A : memref<!tpu.dma_semaphore, #tpu.memory_space<semaphore_mem>>) {add = true}
        %dma_wait3A_857 = arith.constant 0 : i32
        %dma_wait3A_858 = arith.constant 0 : i32
        %dma_wait3A_859 = tpu.memref_slice %arg7[%dma_wait3A_857, %dma_wait3A_858] : memref<384x32xf32, #tpu.memory_space<vmem>> -> memref<128x32xf32, #tpu.memory_space<vmem>>
        %dma_wait3A_860 = arith.constant 0 : i32
        %dma_wait3A_861 = tpu.memref_slice %arg9[%dma_wait3A_860] : memref<384xi32, #tpu.memory_space<vmem>> -> memref<128xi32, #tpu.memory_space<vmem>>
        %dma_wait3A_862 = arith.constant 0 : i32
        %dma_wait3A_863 = arith.constant 0 : i32
        %dma_wait3A_864 = tpu.memref_slice %arg11[%dma_wait3A_862, %dma_wait3A_863] : memref<50048x32xf32, #tpu.memory_space<vmem_shared>> -> memref<50048x32xf32, #tpu.memory_space<vmem_shared>>
        tpu.wait_indirect_dma semaphore(%run_scoped3A : memref<!tpu.dma_semaphore, #tpu.memory_space<semaphore_mem>>) src(%dma_wait3A_859 : memref<128x32xf32, #tpu.memory_space<vmem>>) dst(%dma_wait3A_864 : memref<50048x32xf32, #tpu.memory_space<vmem_shared>>)
        tpu.yield
      }) : () -> ()
      %add3A_381 = arith.constant 3 : i32
      %add3A_382 = arith.addi %add3A_200, %add3A_381 : i32
      %mul3A_383 = arith.constant 128 : i32
      %mul3A_384 = arith.muli %add3A_382, %mul3A_383 : i32
      %add3A_385 = arith.addi %squeeze3A_8, %mul3A_384 : i32
      %min3A_386 = arith.constant 1599872 : i32
      %min3A_387 = arith.minsi %add3A_385, %min3A_386 : i32
      %multiple_of3A_388 = tpu.assume_multiple %min3A_387, 8 : i32
      %dma_start3A_389 = arith.constant 0 : i32
      %dma_start3A_390 = arith.constant 0 : i32
      %dma_start3A_391 = arith.constant 0 : i32
      %dma_start3A_392 = tpu.memref_slice %arg7[%dma_start3A_390, %dma_start3A_391] : memref<384x32xf32, #tpu.memory_space<vmem>> -> memref<128x32xf32, #tpu.memory_space<vmem>>
      %dma_start3A_393 = arith.constant 0 : i32
      %dma_start3A_394 = tpu.memref_slice %arg2[%multiple_of3A_388, %dma_start3A_393] : memref<1600000x32xf32, #tpu.memory_space<hbm>> -> memref<128x32xf32, #tpu.memory_space<hbm>>
      %dma_start3A_395 = tpu.memref_slice %arg12[%dma_start3A_389] : memref<3x!tpu.dma_semaphore, #tpu.memory_space<semaphore_mem>> -> memref<1x!tpu.dma_semaphore, #tpu.memory_space<semaphore_mem>>
      %dma_start3A_396 = tpu.memref_squeeze %dma_start3A_395 : memref<1x!tpu.dma_semaphore, #tpu.memory_space<semaphore_mem>> -> memref<!tpu.dma_semaphore, #tpu.memory_space<semaphore_mem>>
      %dma_start3A_397 = arith.constant 0 : i32
      %dma_start3A_398 = arith.constant 0 : i32
      %dma_start3A_399 = tpu.memref_slice %arg7[%dma_start3A_397, %dma_start3A_398] : memref<384x32xf32, #tpu.memory_space<vmem>> -> memref<128x32xf32, #tpu.memory_space<vmem>>
      %dma_start3A_400 = arith.constant 0 : i32
      %dma_start3A_401 = tpu.memref_slice %arg2[%multiple_of3A_388, %dma_start3A_400] : memref<1600000x32xf32, #tpu.memory_space<hbm>> -> memref<128x32xf32, #tpu.memory_space<hbm>>
      tpu.enqueue_dma source(%dma_start3A_401 : memref<128x32xf32, #tpu.memory_space<hbm>>) target(%dma_start3A_399 : memref<128x32xf32, #tpu.memory_space<vmem>>) target_semaphore(%dma_start3A_396 : memref<!tpu.dma_semaphore, #tpu.memory_space<semaphore_mem>>)
      %dma_start3A_402 = arith.constant 0 : i32
      %dma_start3A_403 = arith.constant 0 : i32
      %dma_start3A_404 = tpu.memref_slice %arg8[%dma_start3A_403] : memref<384xi32, #tpu.memory_space<vmem>> -> memref<128xi32, #tpu.memory_space<vmem>>
      %dma_start3A_405 = tpu.memref_slice %arg3[%multiple_of3A_388] : memref<1600000xi32, #tpu.memory_space<hbm>> -> memref<128xi32, #tpu.memory_space<hbm>>
      %dma_start3A_406 = tpu.memref_slice %arg13[%dma_start3A_402] : memref<3x!tpu.dma_semaphore, #tpu.memory_space<semaphore_mem>> -> memref<1x!tpu.dma_semaphore, #tpu.memory_space<semaphore_mem>>
      %dma_start3A_407 = tpu.memref_squeeze %dma_start3A_406 : memref<1x!tpu.dma_semaphore, #tpu.memory_space<semaphore_mem>> -> memref<!tpu.dma_semaphore, #tpu.memory_space<semaphore_mem>>
      %dma_start3A_408 = arith.constant 0 : i32
      %dma_start3A_409 = tpu.memref_slice %arg8[%dma_start3A_408] : memref<384xi32, #tpu.memory_space<vmem>> -> memref<128xi32, #tpu.memory_space<vmem>>
      %dma_start3A_410 = tpu.memref_slice %arg3[%multiple_of3A_388] : memref<1600000xi32, #tpu.memory_space<hbm>> -> memref<128xi32, #tpu.memory_space<hbm>>
      tpu.enqueue_dma source(%dma_start3A_410 : memref<128xi32, #tpu.memory_space<hbm>>) target(%dma_start3A_409 : memref<128xi32, #tpu.memory_space<vmem>>) target_semaphore(%dma_start3A_407 : memref<!tpu.dma_semaphore, #tpu.memory_space<semaphore_mem>>)
      %mul3A_411 = arith.constant 3 : i32
      %mul3A_412 = arith.muli %while3A_196, %mul3A_411 : i32
      %add3A_413 = arith.constant 1 : i32
      %add3A_414 = arith.addi %mul3A_412, %add3A_413 : i32
      %mul3A_415 = arith.constant 128 : i32
      %mul3A_416 = arith.muli %add3A_414, %mul3A_415 : i32
      %add3A_417 = arith.addi %squeeze3A_8, %mul3A_416 : i32
      %min3A_418 = arith.constant 1599872 : i32
      %min3A_419 = arith.minsi %add3A_417, %min3A_418 : i32
      %multiple_of3A_420 = tpu.assume_multiple %min3A_419, 8 : i32
      %dma_wait3A_421 = arith.constant 1 : i32
      %dma_wait3A_422 = arith.constant 128 : i32
      %dma_wait3A_423 = arith.constant 0 : i32
      %dma_wait3A_424 = tpu.memref_slice %arg7[%dma_wait3A_422, %dma_wait3A_423] : memref<384x32xf32, #tpu.memory_space<vmem>> -> memref<128x32xf32, #tpu.memory_space<vmem>>
      %dma_wait3A_425 = arith.constant 0 : i32
      %dma_wait3A_426 = arith.constant 0 : i32
      %dma_wait3A_427 = tpu.memref_slice %arg2[%dma_wait3A_425, %dma_wait3A_426] : memref<1600000x32xf32, #tpu.memory_space<hbm>> -> memref<128x32xf32, #tpu.memory_space<hbm>>
      %dma_wait3A_428 = tpu.memref_slice %arg12[%dma_wait3A_421] : memref<3x!tpu.dma_semaphore, #tpu.memory_space<semaphore_mem>> -> memref<1x!tpu.dma_semaphore, #tpu.memory_space<semaphore_mem>>
      %dma_wait3A_429 = tpu.memref_squeeze %dma_wait3A_428 : memref<1x!tpu.dma_semaphore, #tpu.memory_space<semaphore_mem>> -> memref<!tpu.dma_semaphore, #tpu.memory_space<semaphore_mem>>
      %dma_wait3A_430 = arith.constant 128 : i32
      %dma_wait3A_431 = arith.constant 0 : i32
      %dma_wait3A_432 = tpu.memref_slice %arg7[%dma_wait3A_430, %dma_wait3A_431] : memref<384x32xf32, #tpu.memory_space<vmem>> -> memref<128x32xf32, #tpu.memory_space<vmem>>
      %dma_wait3A_433 = arith.constant 0 : i32
      %dma_wait3A_434 = arith.constant 0 : i32
      %dma_wait3A_435 = tpu.memref_slice %arg2[%dma_wait3A_433, %dma_wait3A_434] : memref<1600000x32xf32, #tpu.memory_space<hbm>> -> memref<128x32xf32, #tpu.memory_space<hbm>>
      tpu.wait_dma2 semaphore(%dma_wait3A_429 : memref<!tpu.dma_semaphore, #tpu.memory_space<semaphore_mem>>) src(%dma_wait3A_435 : memref<128x32xf32, #tpu.memory_space<hbm>>) dst(%dma_wait3A_432 : memref<128x32xf32, #tpu.memory_space<vmem>>)
      %dma_wait3A_436 = arith.constant 1 : i32
      %dma_wait3A_437 = arith.constant 128 : i32
      %dma_wait3A_438 = tpu.memref_slice %arg8[%dma_wait3A_437] : memref<384xi32, #tpu.memory_space<vmem>> -> memref<128xi32, #tpu.memory_space<vmem>>
      %dma_wait3A_439 = arith.constant 0 : i32
      %dma_wait3A_440 = tpu.memref_slice %arg3[%dma_wait3A_439] : memref<1600000xi32, #tpu.memory_space<hbm>> -> memref<128xi32, #tpu.memory_space<hbm>>
      %dma_wait3A_441 = tpu.memref_slice %arg13[%dma_wait3A_436] : memref<3x!tpu.dma_semaphore, #tpu.memory_space<semaphore_mem>> -> memref<1x!tpu.dma_semaphore, #tpu.memory_space<semaphore_mem>>
      %dma_wait3A_442 = tpu.memref_squeeze %dma_wait3A_441 : memref<1x!tpu.dma_semaphore, #tpu.memory_space<semaphore_mem>> -> memref<!tpu.dma_semaphore, #tpu.memory_space<semaphore_mem>>
      %dma_wait3A_443 = arith.constant 128 : i32
      %dma_wait3A_444 = tpu.memref_slice %arg8[%dma_wait3A_443] : memref<384xi32, #tpu.memory_space<vmem>> -> memref<128xi32, #tpu.memory_space<vmem>>
      %dma_wait3A_445 = arith.constant 0 : i32
      %dma_wait3A_446 = tpu.memref_slice %arg3[%dma_wait3A_445] : memref<1600000xi32, #tpu.memory_space<hbm>> -> memref<128xi32, #tpu.memory_space<hbm>>
      tpu.wait_dma2 semaphore(%dma_wait3A_442 : memref<!tpu.dma_semaphore, #tpu.memory_space<semaphore_mem>>) src(%dma_wait3A_446 : memref<128xi32, #tpu.memory_space<hbm>>) dst(%dma_wait3A_444 : memref<128xi32, #tpu.memory_space<vmem>>)
      %max3A_447 = arith.maxsi %squeeze3A, %add3A_417 : i32
      %add3A_448 = arith.constant 0 : i32
      %add3A_449 = arith.addi %multiple_of3A_420, %add3A_448 : i32
      %add3A_450 = vector.broadcast %add3A_449 : i32 to vector<16xi32>
      %add3A_451 = arith.addi %iota3A, %add3A_450 : vector<16xi32>
      %get3A_452 = arith.constant 128 : index
      %get3A_453 = tpu.vector_load %arg8[%get3A_452] {strides = array<i32>} : memref<384xi32, #tpu.memory_space<vmem>>, vector<16xi32>,
      %get3A_454 = vector.shape_cast %get3A_453 : vector<16xi32> to vector<16xi32>
      %ge3A_455 = vector.broadcast %max3A_447 : i32 to vector<16xi32>
      %ge3A_456 = arith.cmpi sge, %add3A_451, %ge3A_455 : vector<16xi32>
      %lt3A_457 = vector.broadcast %squeeze3A_6 : i32 to vector<16xi32>
      %lt3A_458 = arith.cmpi slt, %add3A_451, %lt3A_457 : vector<16xi32>
      %and3A_459 = arith.andi %ge3A_456, %lt3A_458 : vector<16xi1>
      %sub3A_460 = vector.broadcast %mul3A_14 : i32 to vector<16xi32>
      %sub3A_461 = arith.subi %get3A_454, %sub3A_460 : vector<16xi32>
      %select_n3A_462 = arith.select %and3A_459, %sub3A_461, %add3A_19 : vector<16xi1>, vector<16xi32>
      %swap3A_463 = arith.constant 128 : index
      %swap3A_464 = tpu.vector_load %arg9[%swap3A_463] {strides = array<i32>} : memref<384xi32, #tpu.memory_space<vmem>>, vector<16xi32>,
      %swap3A_465 = vector.shape_cast %swap3A_464 : vector<16xi32> to vector<16xi32>
      %swap3A_466 = vector.shape_cast %select_n3A_462 : vector<16xi32> to vector<16xi32>
      tpu.vector_store %arg9[%swap3A_463], %swap3A_466 {strides = array<i32>} : memref<384xi32, #tpu.memory_space<vmem>>, vector<16xi32>,
      %add3A_467 = arith.constant 16 : i32
      %add3A_468 = arith.addi %multiple_of3A_420, %add3A_467 : i32
      %add3A_469 = vector.broadcast %add3A_468 : i32 to vector<16xi32>
      %add3A_470 = arith.addi %iota3A, %add3A_469 : vector<16xi32>
      %get3A_471 = arith.constant 144 : index
      %get3A_472 = tpu.vector_load %arg8[%get3A_471] {strides = array<i32>} : memref<384xi32, #tpu.memory_space<vmem>>, vector<16xi32>,
      %get3A_473 = vector.shape_cast %get3A_472 : vector<16xi32> to vector<16xi32>
      %ge3A_474 = vector.broadcast %max3A_447 : i32 to vector<16xi32>
      %ge3A_475 = arith.cmpi sge, %add3A_470, %ge3A_474 : vector<16xi32>
      %lt3A_476 = vector.broadcast %squeeze3A_6 : i32 to vector<16xi32>
      %lt3A_477 = arith.cmpi slt, %add3A_470, %lt3A_476 : vector<16xi32>
      %and3A_478 = arith.andi %ge3A_475, %lt3A_477 : vector<16xi1>
      %sub3A_479 = vector.broadcast %mul3A_14 : i32 to vector<16xi32>
      %sub3A_480 = arith.subi %get3A_473, %sub3A_479 : vector<16xi32>
      %select_n3A_481 = arith.select %and3A_478, %sub3A_480, %add3A_19 : vector<16xi1>, vector<16xi32>
      %swap3A_482 = arith.constant 144 : index
      %swap3A_483 = tpu.vector_load %arg9[%swap3A_482] {strides = array<i32>} : memref<384xi32, #tpu.memory_space<vmem>>, vector<16xi32>,
      %swap3A_484 = vector.shape_cast %swap3A_483 : vector<16xi32> to vector<16xi32>
      %swap3A_485 = vector.shape_cast %select_n3A_481 : vector<16xi32> to vector<16xi32>
      tpu.vector_store %arg9[%swap3A_482], %swap3A_485 {strides = array<i32>} : memref<384xi32, #tpu.memory_space<vmem>>, vector<16xi32>,
      %add3A_486 = arith.constant 32 : i32
      %add3A_487 = arith.addi %multiple_of3A_420, %add3A_486 : i32
      %add3A_488 = vector.broadcast %add3A_487 : i32 to vector<16xi32>
      %add3A_489 = arith.addi %iota3A, %add3A_488 : vector<16xi32>
      %get3A_490 = arith.constant 160 : index
      %get3A_491 = tpu.vector_load %arg8[%get3A_490] {strides = array<i32>} : memref<384xi32, #tpu.memory_space<vmem>>, vector<16xi32>,
      %get3A_492 = vector.shape_cast %get3A_491 : vector<16xi32> to vector<16xi32>
      %ge3A_493 = vector.broadcast %max3A_447 : i32 to vector<16xi32>
      %ge3A_494 = arith.cmpi sge, %add3A_489, %ge3A_493 : vector<16xi32>
      %lt3A_495 = vector.broadcast %squeeze3A_6 : i32 to vector<16xi32>
      %lt3A_496 = arith.cmpi slt, %add3A_489, %lt3A_495 : vector<16xi32>
      %and3A_497 = arith.andi %ge3A_494, %lt3A_496 : vector<16xi1>
      %sub3A_498 = vector.broadcast %mul3A_14 : i32 to vector<16xi32>
      %sub3A_499 = arith.subi %get3A_492, %sub3A_498 : vector<16xi32>
      %select_n3A_500 = arith.select %and3A_497, %sub3A_499, %add3A_19 : vector<16xi1>, vector<16xi32>
      %swap3A_501 = arith.constant 160 : index
      %swap3A_502 = tpu.vector_load %arg9[%swap3A_501] {strides = array<i32>} : memref<384xi32, #tpu.memory_space<vmem>>, vector<16xi32>,
      %swap3A_503 = vector.shape_cast %swap3A_502 : vector<16xi32> to vector<16xi32>
      %swap3A_504 = vector.shape_cast %select_n3A_500 : vector<16xi32> to vector<16xi32>
      tpu.vector_store %arg9[%swap3A_501], %swap3A_504 {strides = array<i32>} : memref<384xi32, #tpu.memory_space<vmem>>, vector<16xi32>,
      %add3A_505 = arith.constant 48 : i32
      %add3A_506 = arith.addi %multiple_of3A_420, %add3A_505 : i32
      %add3A_507 = vector.broadcast %add3A_506 : i32 to vector<16xi32>
      %add3A_508 = arith.addi %iota3A, %add3A_507 : vector<16xi32>
      %get3A_509 = arith.constant 176 : index
      %get3A_510 = tpu.vector_load %arg8[%get3A_509] {strides = array<i32>} : memref<384xi32, #tpu.memory_space<vmem>>, vector<16xi32>,
      %get3A_511 = vector.shape_cast %get3A_510 : vector<16xi32> to vector<16xi32>
      %ge3A_512 = vector.broadcast %max3A_447 : i32 to vector<16xi32>
      %ge3A_513 = arith.cmpi sge, %add3A_508, %ge3A_512 : vector<16xi32>
      %lt3A_514 = vector.broadcast %squeeze3A_6 : i32 to vector<16xi32>
      %lt3A_515 = arith.cmpi slt, %add3A_508, %lt3A_514 : vector<16xi32>
      %and3A_516 = arith.andi %ge3A_513, %lt3A_515 : vector<16xi1>
      %sub3A_517 = vector.broadcast %mul3A_14 : i32 to vector<16xi32>
      %sub3A_518 = arith.subi %get3A_511, %sub3A_517 : vector<16xi32>
      %select_n3A_519 = arith.select %and3A_516, %sub3A_518, %add3A_19 : vector<16xi1>, vector<16xi32>
      %swap3A_520 = arith.constant 176 : index
      %swap3A_521 = tpu.vector_load %arg9[%swap3A_520] {strides = array<i32>} : memref<384xi32, #tpu.memory_space<vmem>>, vector<16xi32>,
      %swap3A_522 = vector.shape_cast %swap3A_521 : vector<16xi32> to vector<16xi32>
      %swap3A_523 = vector.shape_cast %select_n3A_519 : vector<16xi32> to vector<16xi32>
      tpu.vector_store %arg9[%swap3A_520], %swap3A_523 {strides = array<i32>} : memref<384xi32, #tpu.memory_space<vmem>>, vector<16xi32>,
      %add3A_524 = arith.constant 64 : i32
      %add3A_525 = arith.addi %multiple_of3A_420, %add3A_524 : i32
      %add3A_526 = vector.broadcast %add3A_525 : i32 to vector<16xi32>
      %add3A_527 = arith.addi %iota3A, %add3A_526 : vector<16xi32>
      %get3A_528 = arith.constant 192 : index
      %get3A_529 = tpu.vector_load %arg8[%get3A_528] {strides = array<i32>} : memref<384xi32, #tpu.memory_space<vmem>>, vector<16xi32>,
      %get3A_530 = vector.shape_cast %get3A_529 : vector<16xi32> to vector<16xi32>
      %ge3A_531 = vector.broadcast %max3A_447 : i32 to vector<16xi32>
      %ge3A_532 = arith.cmpi sge, %add3A_527, %ge3A_531 : vector<16xi32>
      %lt3A_533 = vector.broadcast %squeeze3A_6 : i32 to vector<16xi32>
      %lt3A_534 = arith.cmpi slt, %add3A_527, %lt3A_533 : vector<16xi32>
      %and3A_535 = arith.andi %ge3A_532, %lt3A_534 : vector<16xi1>
      %sub3A_536 = vector.broadcast %mul3A_14 : i32 to vector<16xi32>
      %sub3A_537 = arith.subi %get3A_530, %sub3A_536 : vector<16xi32>
      %select_n3A_538 = arith.select %and3A_535, %sub3A_537, %add3A_19 : vector<16xi1>, vector<16xi32>
      %swap3A_539 = arith.constant 192 : index
      %swap3A_540 = tpu.vector_load %arg9[%swap3A_539] {strides = array<i32>} : memref<384xi32, #tpu.memory_space<vmem>>, vector<16xi32>,
      %swap3A_541 = vector.shape_cast %swap3A_540 : vector<16xi32> to vector<16xi32>
      %swap3A_542 = vector.shape_cast %select_n3A_538 : vector<16xi32> to vector<16xi32>
      tpu.vector_store %arg9[%swap3A_539], %swap3A_542 {strides = array<i32>} : memref<384xi32, #tpu.memory_space<vmem>>, vector<16xi32>,
      %add3A_543 = arith.constant 80 : i32
      %add3A_544 = arith.addi %multiple_of3A_420, %add3A_543 : i32
      %add3A_545 = vector.broadcast %add3A_544 : i32 to vector<16xi32>
      %add3A_546 = arith.addi %iota3A, %add3A_545 : vector<16xi32>
      %get3A_547 = arith.constant 208 : index
      %get3A_548 = tpu.vector_load %arg8[%get3A_547] {strides = array<i32>} : memref<384xi32, #tpu.memory_space<vmem>>, vector<16xi32>,
      %get3A_549 = vector.shape_cast %get3A_548 : vector<16xi32> to vector<16xi32>
      %ge3A_550 = vector.broadcast %max3A_447 : i32 to vector<16xi32>
      %ge3A_551 = arith.cmpi sge, %add3A_546, %ge3A_550 : vector<16xi32>
      %lt3A_552 = vector.broadcast %squeeze3A_6 : i32 to vector<16xi32>
      %lt3A_553 = arith.cmpi slt, %add3A_546, %lt3A_552 : vector<16xi32>
      %and3A_554 = arith.andi %ge3A_551, %lt3A_553 : vector<16xi1>
      %sub3A_555 = vector.broadcast %mul3A_14 : i32 to vector<16xi32>
      %sub3A_556 = arith.subi %get3A_549, %sub3A_555 : vector<16xi32>
      %select_n3A_557 = arith.select %and3A_554, %sub3A_556, %add3A_19 : vector<16xi1>, vector<16xi32>
      %swap3A_558 = arith.constant 208 : index
      %swap3A_559 = tpu.vector_load %arg9[%swap3A_558] {strides = array<i32>} : memref<384xi32, #tpu.memory_space<vmem>>, vector<16xi32>,
      %swap3A_560 = vector.shape_cast %swap3A_559 : vector<16xi32> to vector<16xi32>
      %swap3A_561 = vector.shape_cast %select_n3A_557 : vector<16xi32> to vector<16xi32>
      tpu.vector_store %arg9[%swap3A_558], %swap3A_561 {strides = array<i32>} : memref<384xi32, #tpu.memory_space<vmem>>, vector<16xi32>,
      %add3A_562 = arith.constant 96 : i32
      %add3A_563 = arith.addi %multiple_of3A_420, %add3A_562 : i32
      %add3A_564 = vector.broadcast %add3A_563 : i32 to vector<16xi32>
      %add3A_565 = arith.addi %iota3A, %add3A_564 : vector<16xi32>
      %get3A_566 = arith.constant 224 : index
      %get3A_567 = tpu.vector_load %arg8[%get3A_566] {strides = array<i32>} : memref<384xi32, #tpu.memory_space<vmem>>, vector<16xi32>,
      %get3A_568 = vector.shape_cast %get3A_567 : vector<16xi32> to vector<16xi32>
      %ge3A_569 = vector.broadcast %max3A_447 : i32 to vector<16xi32>
      %ge3A_570 = arith.cmpi sge, %add3A_565, %ge3A_569 : vector<16xi32>
      %lt3A_571 = vector.broadcast %squeeze3A_6 : i32 to vector<16xi32>
      %lt3A_572 = arith.cmpi slt, %add3A_565, %lt3A_571 : vector<16xi32>
      %and3A_573 = arith.andi %ge3A_570, %lt3A_572 : vector<16xi1>
      %sub3A_574 = vector.broadcast %mul3A_14 : i32 to vector<16xi32>
      %sub3A_575 = arith.subi %get3A_568, %sub3A_574 : vector<16xi32>
      %select_n3A_576 = arith.select %and3A_573, %sub3A_575, %add3A_19 : vector<16xi1>, vector<16xi32>
      %swap3A_577 = arith.constant 224 : index
      %swap3A_578 = tpu.vector_load %arg9[%swap3A_577] {strides = array<i32>} : memref<384xi32, #tpu.memory_space<vmem>>, vector<16xi32>,
      %swap3A_579 = vector.shape_cast %swap3A_578 : vector<16xi32> to vector<16xi32>
      %swap3A_580 = vector.shape_cast %select_n3A_576 : vector<16xi32> to vector<16xi32>
      tpu.vector_store %arg9[%swap3A_577], %swap3A_580 {strides = array<i32>} : memref<384xi32, #tpu.memory_space<vmem>>, vector<16xi32>,
      %add3A_581 = arith.constant 112 : i32
      %add3A_582 = arith.addi %multiple_of3A_420, %add3A_581 : i32
      %add3A_583 = vector.broadcast %add3A_582 : i32 to vector<16xi32>
      %add3A_584 = arith.addi %iota3A, %add3A_583 : vector<16xi32>
      %get3A_585 = arith.constant 240 : index
      %get3A_586 = tpu.vector_load %arg8[%get3A_585] {strides = array<i32>} : memref<384xi32, #tpu.memory_space<vmem>>, vector<16xi32>,
      %get3A_587 = vector.shape_cast %get3A_586 : vector<16xi32> to vector<16xi32>
      %ge3A_588 = vector.broadcast %max3A_447 : i32 to vector<16xi32>
      %ge3A_589 = arith.cmpi sge, %add3A_584, %ge3A_588 : vector<16xi32>
      %lt3A_590 = vector.broadcast %squeeze3A_6 : i32 to vector<16xi32>
      %lt3A_591 = arith.cmpi slt, %add3A_584, %lt3A_590 : vector<16xi32>
      %and3A_592 = arith.andi %ge3A_589, %lt3A_591 : vector<16xi1>
      %sub3A_593 = vector.broadcast %mul3A_14 : i32 to vector<16xi32>
      %sub3A_594 = arith.subi %get3A_587, %sub3A_593 : vector<16xi32>
      %select_n3A_595 = arith.select %and3A_592, %sub3A_594, %add3A_19 : vector<16xi1>, vector<16xi32>
      %swap3A_596 = arith.constant 240 : index
      %swap3A_597 = tpu.vector_load %arg9[%swap3A_596] {strides = array<i32>} : memref<384xi32, #tpu.memory_space<vmem>>, vector<16xi32>,
      %swap3A_598 = vector.shape_cast %swap3A_597 : vector<16xi32> to vector<16xi32>
      %swap3A_599 = vector.shape_cast %select_n3A_595 : vector<16xi32> to vector<16xi32>
      tpu.vector_store %arg9[%swap3A_596], %swap3A_599 {strides = array<i32>} : memref<384xi32, #tpu.memory_space<vmem>>, vector<16xi32>,
      "tpu.region"() ({
        %run_scoped3A = tpu.sem_alloc : memref<!tpu.dma_semaphore, #tpu.memory_space<semaphore_mem>>
        %dma_start3A_849 = arith.constant 128 : i32
        %dma_start3A_850 = arith.constant 0 : i32
        %dma_start3A_851 = tpu.memref_slice %arg7[%dma_start3A_849, %dma_start3A_850] : memref<384x32xf32, #tpu.memory_space<vmem>> -> memref<128x32xf32, #tpu.memory_space<vmem>>
        %dma_start3A_852 = arith.constant 128 : i32
        %dma_start3A_853 = tpu.memref_slice %arg9[%dma_start3A_852] : memref<384xi32, #tpu.memory_space<vmem>> -> memref<128xi32, #tpu.memory_space<vmem>>
        %dma_start3A_854 = arith.constant 0 : i32
        %dma_start3A_855 = arith.constant 0 : i32
        %dma_start3A_856 = tpu.memref_slice %arg11[%dma_start3A_854, %dma_start3A_855] : memref<50048x32xf32, #tpu.memory_space<vmem_shared>> -> memref<50048x32xf32, #tpu.memory_space<vmem_shared>>
        tpu.enqueue_indirect_dma source(%dma_start3A_851 : memref<128x32xf32, #tpu.memory_space<vmem>>) target(%dma_start3A_856 : memref<50048x32xf32, #tpu.memory_space<vmem_shared>>) offsets(%dma_start3A_853 : memref<128xi32, #tpu.memory_space<vmem>>) semaphore(%run_scoped3A : memref<!tpu.dma_semaphore, #tpu.memory_space<semaphore_mem>>) {add = true}
        %dma_wait3A_857 = arith.constant 128 : i32
        %dma_wait3A_858 = arith.constant 0 : i32
        %dma_wait3A_859 = tpu.memref_slice %arg7[%dma_wait3A_857, %dma_wait3A_858] : memref<384x32xf32, #tpu.memory_space<vmem>> -> memref<128x32xf32, #tpu.memory_space<vmem>>
        %dma_wait3A_860 = arith.constant 128 : i32
        %dma_wait3A_861 = tpu.memref_slice %arg9[%dma_wait3A_860] : memref<384xi32, #tpu.memory_space<vmem>> -> memref<128xi32, #tpu.memory_space<vmem>>
        %dma_wait3A_862 = arith.constant 0 : i32
        %dma_wait3A_863 = arith.constant 0 : i32
        %dma_wait3A_864 = tpu.memref_slice %arg11[%dma_wait3A_862, %dma_wait3A_863] : memref<50048x32xf32, #tpu.memory_space<vmem_shared>> -> memref<50048x32xf32, #tpu.memory_space<vmem_shared>>
        tpu.wait_indirect_dma semaphore(%run_scoped3A : memref<!tpu.dma_semaphore, #tpu.memory_space<semaphore_mem>>) src(%dma_wait3A_859 : memref<128x32xf32, #tpu.memory_space<vmem>>) dst(%dma_wait3A_864 : memref<50048x32xf32, #tpu.memory_space<vmem_shared>>)
        tpu.yield
      }) : () -> ()
      %add3A_600 = arith.constant 3 : i32
      %add3A_601 = arith.addi %add3A_414, %add3A_600 : i32
      %mul3A_602 = arith.constant 128 : i32
      %mul3A_603 = arith.muli %add3A_601, %mul3A_602 : i32
      %add3A_604 = arith.addi %squeeze3A_8, %mul3A_603 : i32
      %min3A_605 = arith.constant 1599872 : i32
      %min3A_606 = arith.minsi %add3A_604, %min3A_605 : i32
      %multiple_of3A_607 = tpu.assume_multiple %min3A_606, 8 : i32
      %dma_start3A_608 = arith.constant 1 : i32
      %dma_start3A_609 = arith.constant 128 : i32
      %dma_start3A_610 = arith.constant 0 : i32
      %dma_start3A_611 = tpu.memref_slice %arg7[%dma_start3A_609, %dma_start3A_610] : memref<384x32xf32, #tpu.memory_space<vmem>> -> memref<128x32xf32, #tpu.memory_space<vmem>>
      %dma_start3A_612 = arith.constant 0 : i32
      %dma_start3A_613 = tpu.memref_slice %arg2[%multiple_of3A_607, %dma_start3A_612] : memref<1600000x32xf32, #tpu.memory_space<hbm>> -> memref<128x32xf32, #tpu.memory_space<hbm>>
      %dma_start3A_614 = tpu.memref_slice %arg12[%dma_start3A_608] : memref<3x!tpu.dma_semaphore, #tpu.memory_space<semaphore_mem>> -> memref<1x!tpu.dma_semaphore, #tpu.memory_space<semaphore_mem>>
      %dma_start3A_615 = tpu.memref_squeeze %dma_start3A_614 : memref<1x!tpu.dma_semaphore, #tpu.memory_space<semaphore_mem>> -> memref<!tpu.dma_semaphore, #tpu.memory_space<semaphore_mem>>
      %dma_start3A_616 = arith.constant 128 : i32
      %dma_start3A_617 = arith.constant 0 : i32
      %dma_start3A_618 = tpu.memref_slice %arg7[%dma_start3A_616, %dma_start3A_617] : memref<384x32xf32, #tpu.memory_space<vmem>> -> memref<128x32xf32, #tpu.memory_space<vmem>>
      %dma_start3A_619 = arith.constant 0 : i32
      %dma_start3A_620 = tpu.memref_slice %arg2[%multiple_of3A_607, %dma_start3A_619] : memref<1600000x32xf32, #tpu.memory_space<hbm>> -> memref<128x32xf32, #tpu.memory_space<hbm>>
      tpu.enqueue_dma source(%dma_start3A_620 : memref<128x32xf32, #tpu.memory_space<hbm>>) target(%dma_start3A_618 : memref<128x32xf32, #tpu.memory_space<vmem>>) target_semaphore(%dma_start3A_615 : memref<!tpu.dma_semaphore, #tpu.memory_space<semaphore_mem>>)
      %dma_start3A_621 = arith.constant 1 : i32
      %dma_start3A_622 = arith.constant 128 : i32
      %dma_start3A_623 = tpu.memref_slice %arg8[%dma_start3A_622] : memref<384xi32, #tpu.memory_space<vmem>> -> memref<128xi32, #tpu.memory_space<vmem>>
      %dma_start3A_624 = tpu.memref_slice %arg3[%multiple_of3A_607] : memref<1600000xi32, #tpu.memory_space<hbm>> -> memref<128xi32, #tpu.memory_space<hbm>>
      %dma_start3A_625 = tpu.memref_slice %arg13[%dma_start3A_621] : memref<3x!tpu.dma_semaphore, #tpu.memory_space<semaphore_mem>> -> memref<1x!tpu.dma_semaphore, #tpu.memory_space<semaphore_mem>>
      %dma_start3A_626 = tpu.memref_squeeze %dma_start3A_625 : memref<1x!tpu.dma_semaphore, #tpu.memory_space<semaphore_mem>> -> memref<!tpu.dma_semaphore, #tpu.memory_space<semaphore_mem>>
      %dma_start3A_627 = arith.constant 128 : i32
      %dma_start3A_628 = tpu.memref_slice %arg8[%dma_start3A_627] : memref<384xi32, #tpu.memory_space<vmem>> -> memref<128xi32, #tpu.memory_space<vmem>>
      %dma_start3A_629 = tpu.memref_slice %arg3[%multiple_of3A_607] : memref<1600000xi32, #tpu.memory_space<hbm>> -> memref<128xi32, #tpu.memory_space<hbm>>
      tpu.enqueue_dma source(%dma_start3A_629 : memref<128xi32, #tpu.memory_space<hbm>>) target(%dma_start3A_628 : memref<128xi32, #tpu.memory_space<vmem>>) target_semaphore(%dma_start3A_626 : memref<!tpu.dma_semaphore, #tpu.memory_space<semaphore_mem>>)
      %mul3A_630 = arith.constant 3 : i32
      %mul3A_631 = arith.muli %while3A_196, %mul3A_630 : i32
      %add3A_632 = arith.constant 2 : i32
      %add3A_633 = arith.addi %mul3A_631, %add3A_632 : i32
      %mul3A_634 = arith.constant 128 : i32
      %mul3A_635 = arith.muli %add3A_633, %mul3A_634 : i32
      %add3A_636 = arith.addi %squeeze3A_8, %mul3A_635 : i32
      %min3A_637 = arith.constant 1599872 : i32
      %min3A_638 = arith.minsi %add3A_636, %min3A_637 : i32
      %multiple_of3A_639 = tpu.assume_multiple %min3A_638, 8 : i32
      %dma_wait3A_640 = arith.constant 2 : i32
      %dma_wait3A_641 = arith.constant 256 : i32
      %dma_wait3A_642 = arith.constant 0 : i32
      %dma_wait3A_643 = tpu.memref_slice %arg7[%dma_wait3A_641, %dma_wait3A_642] : memref<384x32xf32, #tpu.memory_space<vmem>> -> memref<128x32xf32, #tpu.memory_space<vmem>>
      %dma_wait3A_644 = arith.constant 0 : i32
      %dma_wait3A_645 = arith.constant 0 : i32
      %dma_wait3A_646 = tpu.memref_slice %arg2[%dma_wait3A_644, %dma_wait3A_645] : memref<1600000x32xf32, #tpu.memory_space<hbm>> -> memref<128x32xf32, #tpu.memory_space<hbm>>
      %dma_wait3A_647 = tpu.memref_slice %arg12[%dma_wait3A_640] : memref<3x!tpu.dma_semaphore, #tpu.memory_space<semaphore_mem>> -> memref<1x!tpu.dma_semaphore, #tpu.memory_space<semaphore_mem>>
      %dma_wait3A_648 = tpu.memref_squeeze %dma_wait3A_647 : memref<1x!tpu.dma_semaphore, #tpu.memory_space<semaphore_mem>> -> memref<!tpu.dma_semaphore, #tpu.memory_space<semaphore_mem>>
      %dma_wait3A_649 = arith.constant 256 : i32
      %dma_wait3A_650 = arith.constant 0 : i32
      %dma_wait3A_651 = tpu.memref_slice %arg7[%dma_wait3A_649, %dma_wait3A_650] : memref<384x32xf32, #tpu.memory_space<vmem>> -> memref<128x32xf32, #tpu.memory_space<vmem>>
      %dma_wait3A_652 = arith.constant 0 : i32
      %dma_wait3A_653 = arith.constant 0 : i32
      %dma_wait3A_654 = tpu.memref_slice %arg2[%dma_wait3A_652, %dma_wait3A_653] : memref<1600000x32xf32, #tpu.memory_space<hbm>> -> memref<128x32xf32, #tpu.memory_space<hbm>>
      tpu.wait_dma2 semaphore(%dma_wait3A_648 : memref<!tpu.dma_semaphore, #tpu.memory_space<semaphore_mem>>) src(%dma_wait3A_654 : memref<128x32xf32, #tpu.memory_space<hbm>>) dst(%dma_wait3A_651 : memref<128x32xf32, #tpu.memory_space<vmem>>)
      %dma_wait3A_655 = arith.constant 2 : i32
      %dma_wait3A_656 = arith.constant 256 : i32
      %dma_wait3A_657 = tpu.memref_slice %arg8[%dma_wait3A_656] : memref<384xi32, #tpu.memory_space<vmem>> -> memref<128xi32, #tpu.memory_space<vmem>>
      %dma_wait3A_658 = arith.constant 0 : i32
      %dma_wait3A_659 = tpu.memref_slice %arg3[%dma_wait3A_658] : memref<1600000xi32, #tpu.memory_space<hbm>> -> memref<128xi32, #tpu.memory_space<hbm>>
      %dma_wait3A_660 = tpu.memref_slice %arg13[%dma_wait3A_655] : memref<3x!tpu.dma_semaphore, #tpu.memory_space<semaphore_mem>> -> memref<1x!tpu.dma_semaphore, #tpu.memory_space<semaphore_mem>>
      %dma_wait3A_661 = tpu.memref_squeeze %dma_wait3A_660 : memref<1x!tpu.dma_semaphore, #tpu.memory_space<semaphore_mem>> -> memref<!tpu.dma_semaphore, #tpu.memory_space<semaphore_mem>>
      %dma_wait3A_662 = arith.constant 256 : i32
      %dma_wait3A_663 = tpu.memref_slice %arg8[%dma_wait3A_662] : memref<384xi32, #tpu.memory_space<vmem>> -> memref<128xi32, #tpu.memory_space<vmem>>
      %dma_wait3A_664 = arith.constant 0 : i32
      %dma_wait3A_665 = tpu.memref_slice %arg3[%dma_wait3A_664] : memref<1600000xi32, #tpu.memory_space<hbm>> -> memref<128xi32, #tpu.memory_space<hbm>>
      tpu.wait_dma2 semaphore(%dma_wait3A_661 : memref<!tpu.dma_semaphore, #tpu.memory_space<semaphore_mem>>) src(%dma_wait3A_665 : memref<128xi32, #tpu.memory_space<hbm>>) dst(%dma_wait3A_663 : memref<128xi32, #tpu.memory_space<vmem>>)
      %max3A_666 = arith.maxsi %squeeze3A, %add3A_636 : i32
      %add3A_667 = arith.constant 0 : i32
      %add3A_668 = arith.addi %multiple_of3A_639, %add3A_667 : i32
      %add3A_669 = vector.broadcast %add3A_668 : i32 to vector<16xi32>
      %add3A_670 = arith.addi %iota3A, %add3A_669 : vector<16xi32>
      %get3A_671 = arith.constant 256 : index
      %get3A_672 = tpu.vector_load %arg8[%get3A_671] {strides = array<i32>} : memref<384xi32, #tpu.memory_space<vmem>>, vector<16xi32>,
      %get3A_673 = vector.shape_cast %get3A_672 : vector<16xi32> to vector<16xi32>
      %ge3A_674 = vector.broadcast %max3A_666 : i32 to vector<16xi32>
      %ge3A_675 = arith.cmpi sge, %add3A_670, %ge3A_674 : vector<16xi32>
      %lt3A_676 = vector.broadcast %squeeze3A_6 : i32 to vector<16xi32>
      %lt3A_677 = arith.cmpi slt, %add3A_670, %lt3A_676 : vector<16xi32>
      %and3A_678 = arith.andi %ge3A_675, %lt3A_677 : vector<16xi1>
      %sub3A_679 = vector.broadcast %mul3A_14 : i32 to vector<16xi32>
      %sub3A_680 = arith.subi %get3A_673, %sub3A_679 : vector<16xi32>
      %select_n3A_681 = arith.select %and3A_678, %sub3A_680, %add3A_19 : vector<16xi1>, vector<16xi32>
      %swap3A_682 = arith.constant 256 : index
      %swap3A_683 = tpu.vector_load %arg9[%swap3A_682] {strides = array<i32>} : memref<384xi32, #tpu.memory_space<vmem>>, vector<16xi32>,
      %swap3A_684 = vector.shape_cast %swap3A_683 : vector<16xi32> to vector<16xi32>
      %swap3A_685 = vector.shape_cast %select_n3A_681 : vector<16xi32> to vector<16xi32>
      tpu.vector_store %arg9[%swap3A_682], %swap3A_685 {strides = array<i32>} : memref<384xi32, #tpu.memory_space<vmem>>, vector<16xi32>,
      %add3A_686 = arith.constant 16 : i32
      %add3A_687 = arith.addi %multiple_of3A_639, %add3A_686 : i32
      %add3A_688 = vector.broadcast %add3A_687 : i32 to vector<16xi32>
      %add3A_689 = arith.addi %iota3A, %add3A_688 : vector<16xi32>
      %get3A_690 = arith.constant 272 : index
      %get3A_691 = tpu.vector_load %arg8[%get3A_690] {strides = array<i32>} : memref<384xi32, #tpu.memory_space<vmem>>, vector<16xi32>,
      %get3A_692 = vector.shape_cast %get3A_691 : vector<16xi32> to vector<16xi32>
      %ge3A_693 = vector.broadcast %max3A_666 : i32 to vector<16xi32>
      %ge3A_694 = arith.cmpi sge, %add3A_689, %ge3A_693 : vector<16xi32>
      %lt3A_695 = vector.broadcast %squeeze3A_6 : i32 to vector<16xi32>
      %lt3A_696 = arith.cmpi slt, %add3A_689, %lt3A_695 : vector<16xi32>
      %and3A_697 = arith.andi %ge3A_694, %lt3A_696 : vector<16xi1>
      %sub3A_698 = vector.broadcast %mul3A_14 : i32 to vector<16xi32>
      %sub3A_699 = arith.subi %get3A_692, %sub3A_698 : vector<16xi32>
      %select_n3A_700 = arith.select %and3A_697, %sub3A_699, %add3A_19 : vector<16xi1>, vector<16xi32>
      %swap3A_701 = arith.constant 272 : index
      %swap3A_702 = tpu.vector_load %arg9[%swap3A_701] {strides = array<i32>} : memref<384xi32, #tpu.memory_space<vmem>>, vector<16xi32>,
      %swap3A_703 = vector.shape_cast %swap3A_702 : vector<16xi32> to vector<16xi32>
      %swap3A_704 = vector.shape_cast %select_n3A_700 : vector<16xi32> to vector<16xi32>
      tpu.vector_store %arg9[%swap3A_701], %swap3A_704 {strides = array<i32>} : memref<384xi32, #tpu.memory_space<vmem>>, vector<16xi32>,
      %add3A_705 = arith.constant 32 : i32
      %add3A_706 = arith.addi %multiple_of3A_639, %add3A_705 : i32
      %add3A_707 = vector.broadcast %add3A_706 : i32 to vector<16xi32>
      %add3A_708 = arith.addi %iota3A, %add3A_707 : vector<16xi32>
      %get3A_709 = arith.constant 288 : index
      %get3A_710 = tpu.vector_load %arg8[%get3A_709] {strides = array<i32>} : memref<384xi32, #tpu.memory_space<vmem>>, vector<16xi32>,
      %get3A_711 = vector.shape_cast %get3A_710 : vector<16xi32> to vector<16xi32>
      %ge3A_712 = vector.broadcast %max3A_666 : i32 to vector<16xi32>
      %ge3A_713 = arith.cmpi sge, %add3A_708, %ge3A_712 : vector<16xi32>
      %lt3A_714 = vector.broadcast %squeeze3A_6 : i32 to vector<16xi32>
      %lt3A_715 = arith.cmpi slt, %add3A_708, %lt3A_714 : vector<16xi32>
      %and3A_716 = arith.andi %ge3A_713, %lt3A_715 : vector<16xi1>
      %sub3A_717 = vector.broadcast %mul3A_14 : i32 to vector<16xi32>
      %sub3A_718 = arith.subi %get3A_711, %sub3A_717 : vector<16xi32>
      %select_n3A_719 = arith.select %and3A_716, %sub3A_718, %add3A_19 : vector<16xi1>, vector<16xi32>
      %swap3A_720 = arith.constant 288 : index
      %swap3A_721 = tpu.vector_load %arg9[%swap3A_720] {strides = array<i32>} : memref<384xi32, #tpu.memory_space<vmem>>, vector<16xi32>,
      %swap3A_722 = vector.shape_cast %swap3A_721 : vector<16xi32> to vector<16xi32>
      %swap3A_723 = vector.shape_cast %select_n3A_719 : vector<16xi32> to vector<16xi32>
      tpu.vector_store %arg9[%swap3A_720], %swap3A_723 {strides = array<i32>} : memref<384xi32, #tpu.memory_space<vmem>>, vector<16xi32>,
      %add3A_724 = arith.constant 48 : i32
      %add3A_725 = arith.addi %multiple_of3A_639, %add3A_724 : i32
      %add3A_726 = vector.broadcast %add3A_725 : i32 to vector<16xi32>
      %add3A_727 = arith.addi %iota3A, %add3A_726 : vector<16xi32>
      %get3A_728 = arith.constant 304 : index
      %get3A_729 = tpu.vector_load %arg8[%get3A_728] {strides = array<i32>} : memref<384xi32, #tpu.memory_space<vmem>>, vector<16xi32>,
      %get3A_730 = vector.shape_cast %get3A_729 : vector<16xi32> to vector<16xi32>
      %ge3A_731 = vector.broadcast %max3A_666 : i32 to vector<16xi32>
      %ge3A_732 = arith.cmpi sge, %add3A_727, %ge3A_731 : vector<16xi32>
      %lt3A_733 = vector.broadcast %squeeze3A_6 : i32 to vector<16xi32>
      %lt3A_734 = arith.cmpi slt, %add3A_727, %lt3A_733 : vector<16xi32>
      %and3A_735 = arith.andi %ge3A_732, %lt3A_734 : vector<16xi1>
      %sub3A_736 = vector.broadcast %mul3A_14 : i32 to vector<16xi32>
      %sub3A_737 = arith.subi %get3A_730, %sub3A_736 : vector<16xi32>
      %select_n3A_738 = arith.select %and3A_735, %sub3A_737, %add3A_19 : vector<16xi1>, vector<16xi32>
      %swap3A_739 = arith.constant 304 : index
      %swap3A_740 = tpu.vector_load %arg9[%swap3A_739] {strides = array<i32>} : memref<384xi32, #tpu.memory_space<vmem>>, vector<16xi32>,
      %swap3A_741 = vector.shape_cast %swap3A_740 : vector<16xi32> to vector<16xi32>
      %swap3A_742 = vector.shape_cast %select_n3A_738 : vector<16xi32> to vector<16xi32>
      tpu.vector_store %arg9[%swap3A_739], %swap3A_742 {strides = array<i32>} : memref<384xi32, #tpu.memory_space<vmem>>, vector<16xi32>,
      %add3A_743 = arith.constant 64 : i32
      %add3A_744 = arith.addi %multiple_of3A_639, %add3A_743 : i32
      %add3A_745 = vector.broadcast %add3A_744 : i32 to vector<16xi32>
      %add3A_746 = arith.addi %iota3A, %add3A_745 : vector<16xi32>
      %get3A_747 = arith.constant 320 : index
      %get3A_748 = tpu.vector_load %arg8[%get3A_747] {strides = array<i32>} : memref<384xi32, #tpu.memory_space<vmem>>, vector<16xi32>,
      %get3A_749 = vector.shape_cast %get3A_748 : vector<16xi32> to vector<16xi32>
      %ge3A_750 = vector.broadcast %max3A_666 : i32 to vector<16xi32>
      %ge3A_751 = arith.cmpi sge, %add3A_746, %ge3A_750 : vector<16xi32>
      %lt3A_752 = vector.broadcast %squeeze3A_6 : i32 to vector<16xi32>
      %lt3A_753 = arith.cmpi slt, %add3A_746, %lt3A_752 : vector<16xi32>
      %and3A_754 = arith.andi %ge3A_751, %lt3A_753 : vector<16xi1>
      %sub3A_755 = vector.broadcast %mul3A_14 : i32 to vector<16xi32>
      %sub3A_756 = arith.subi %get3A_749, %sub3A_755 : vector<16xi32>
      %select_n3A_757 = arith.select %and3A_754, %sub3A_756, %add3A_19 : vector<16xi1>, vector<16xi32>
      %swap3A_758 = arith.constant 320 : index
      %swap3A_759 = tpu.vector_load %arg9[%swap3A_758] {strides = array<i32>} : memref<384xi32, #tpu.memory_space<vmem>>, vector<16xi32>,
      %swap3A_760 = vector.shape_cast %swap3A_759 : vector<16xi32> to vector<16xi32>
      %swap3A_761 = vector.shape_cast %select_n3A_757 : vector<16xi32> to vector<16xi32>
      tpu.vector_store %arg9[%swap3A_758], %swap3A_761 {strides = array<i32>} : memref<384xi32, #tpu.memory_space<vmem>>, vector<16xi32>,
      %add3A_762 = arith.constant 80 : i32
      %add3A_763 = arith.addi %multiple_of3A_639, %add3A_762 : i32
      %add3A_764 = vector.broadcast %add3A_763 : i32 to vector<16xi32>
      %add3A_765 = arith.addi %iota3A, %add3A_764 : vector<16xi32>
      %get3A_766 = arith.constant 336 : index
      %get3A_767 = tpu.vector_load %arg8[%get3A_766] {strides = array<i32>} : memref<384xi32, #tpu.memory_space<vmem>>, vector<16xi32>,
      %get3A_768 = vector.shape_cast %get3A_767 : vector<16xi32> to vector<16xi32>
      %ge3A_769 = vector.broadcast %max3A_666 : i32 to vector<16xi32>
      %ge3A_770 = arith.cmpi sge, %add3A_765, %ge3A_769 : vector<16xi32>
      %lt3A_771 = vector.broadcast %squeeze3A_6 : i32 to vector<16xi32>
      %lt3A_772 = arith.cmpi slt, %add3A_765, %lt3A_771 : vector<16xi32>
      %and3A_773 = arith.andi %ge3A_770, %lt3A_772 : vector<16xi1>
      %sub3A_774 = vector.broadcast %mul3A_14 : i32 to vector<16xi32>
      %sub3A_775 = arith.subi %get3A_768, %sub3A_774 : vector<16xi32>
      %select_n3A_776 = arith.select %and3A_773, %sub3A_775, %add3A_19 : vector<16xi1>, vector<16xi32>
      %swap3A_777 = arith.constant 336 : index
      %swap3A_778 = tpu.vector_load %arg9[%swap3A_777] {strides = array<i32>} : memref<384xi32, #tpu.memory_space<vmem>>, vector<16xi32>,
      %swap3A_779 = vector.shape_cast %swap3A_778 : vector<16xi32> to vector<16xi32>
      %swap3A_780 = vector.shape_cast %select_n3A_776 : vector<16xi32> to vector<16xi32>
      tpu.vector_store %arg9[%swap3A_777], %swap3A_780 {strides = array<i32>} : memref<384xi32, #tpu.memory_space<vmem>>, vector<16xi32>,
      %add3A_781 = arith.constant 96 : i32
      %add3A_782 = arith.addi %multiple_of3A_639, %add3A_781 : i32
      %add3A_783 = vector.broadcast %add3A_782 : i32 to vector<16xi32>
      %add3A_784 = arith.addi %iota3A, %add3A_783 : vector<16xi32>
      %get3A_785 = arith.constant 352 : index
      %get3A_786 = tpu.vector_load %arg8[%get3A_785] {strides = array<i32>} : memref<384xi32, #tpu.memory_space<vmem>>, vector<16xi32>,
      %get3A_787 = vector.shape_cast %get3A_786 : vector<16xi32> to vector<16xi32>
      %ge3A_788 = vector.broadcast %max3A_666 : i32 to vector<16xi32>
      %ge3A_789 = arith.cmpi sge, %add3A_784, %ge3A_788 : vector<16xi32>
      %lt3A_790 = vector.broadcast %squeeze3A_6 : i32 to vector<16xi32>
      %lt3A_791 = arith.cmpi slt, %add3A_784, %lt3A_790 : vector<16xi32>
      %and3A_792 = arith.andi %ge3A_789, %lt3A_791 : vector<16xi1>
      %sub3A_793 = vector.broadcast %mul3A_14 : i32 to vector<16xi32>
      %sub3A_794 = arith.subi %get3A_787, %sub3A_793 : vector<16xi32>
      %select_n3A_795 = arith.select %and3A_792, %sub3A_794, %add3A_19 : vector<16xi1>, vector<16xi32>
      %swap3A_796 = arith.constant 352 : index
      %swap3A_797 = tpu.vector_load %arg9[%swap3A_796] {strides = array<i32>} : memref<384xi32, #tpu.memory_space<vmem>>, vector<16xi32>,
      %swap3A_798 = vector.shape_cast %swap3A_797 : vector<16xi32> to vector<16xi32>
      %swap3A_799 = vector.shape_cast %select_n3A_795 : vector<16xi32> to vector<16xi32>
      tpu.vector_store %arg9[%swap3A_796], %swap3A_799 {strides = array<i32>} : memref<384xi32, #tpu.memory_space<vmem>>, vector<16xi32>,
      %add3A_800 = arith.constant 112 : i32
      %add3A_801 = arith.addi %multiple_of3A_639, %add3A_800 : i32
      %add3A_802 = vector.broadcast %add3A_801 : i32 to vector<16xi32>
      %add3A_803 = arith.addi %iota3A, %add3A_802 : vector<16xi32>
      %get3A_804 = arith.constant 368 : index
      %get3A_805 = tpu.vector_load %arg8[%get3A_804] {strides = array<i32>} : memref<384xi32, #tpu.memory_space<vmem>>, vector<16xi32>,
      %get3A_806 = vector.shape_cast %get3A_805 : vector<16xi32> to vector<16xi32>
      %ge3A_807 = vector.broadcast %max3A_666 : i32 to vector<16xi32>
      %ge3A_808 = arith.cmpi sge, %add3A_803, %ge3A_807 : vector<16xi32>
      %lt3A_809 = vector.broadcast %squeeze3A_6 : i32 to vector<16xi32>
      %lt3A_810 = arith.cmpi slt, %add3A_803, %lt3A_809 : vector<16xi32>
      %and3A_811 = arith.andi %ge3A_808, %lt3A_810 : vector<16xi1>
      %sub3A_812 = vector.broadcast %mul3A_14 : i32 to vector<16xi32>
      %sub3A_813 = arith.subi %get3A_806, %sub3A_812 : vector<16xi32>
      %select_n3A_814 = arith.select %and3A_811, %sub3A_813, %add3A_19 : vector<16xi1>, vector<16xi32>
      %swap3A_815 = arith.constant 368 : index
      %swap3A_816 = tpu.vector_load %arg9[%swap3A_815] {strides = array<i32>} : memref<384xi32, #tpu.memory_space<vmem>>, vector<16xi32>,
      %swap3A_817 = vector.shape_cast %swap3A_816 : vector<16xi32> to vector<16xi32>
      %swap3A_818 = vector.shape_cast %select_n3A_814 : vector<16xi32> to vector<16xi32>
      tpu.vector_store %arg9[%swap3A_815], %swap3A_818 {strides = array<i32>} : memref<384xi32, #tpu.memory_space<vmem>>, vector<16xi32>,
      "tpu.region"() ({
        %run_scoped3A = tpu.sem_alloc : memref<!tpu.dma_semaphore, #tpu.memory_space<semaphore_mem>>
        %dma_start3A_849 = arith.constant 256 : i32
        %dma_start3A_850 = arith.constant 0 : i32
        %dma_start3A_851 = tpu.memref_slice %arg7[%dma_start3A_849, %dma_start3A_850] : memref<384x32xf32, #tpu.memory_space<vmem>> -> memref<128x32xf32, #tpu.memory_space<vmem>>
        %dma_start3A_852 = arith.constant 256 : i32
        %dma_start3A_853 = tpu.memref_slice %arg9[%dma_start3A_852] : memref<384xi32, #tpu.memory_space<vmem>> -> memref<128xi32, #tpu.memory_space<vmem>>
        %dma_start3A_854 = arith.constant 0 : i32
        %dma_start3A_855 = arith.constant 0 : i32
        %dma_start3A_856 = tpu.memref_slice %arg11[%dma_start3A_854, %dma_start3A_855] : memref<50048x32xf32, #tpu.memory_space<vmem_shared>> -> memref<50048x32xf32, #tpu.memory_space<vmem_shared>>
        tpu.enqueue_indirect_dma source(%dma_start3A_851 : memref<128x32xf32, #tpu.memory_space<vmem>>) target(%dma_start3A_856 : memref<50048x32xf32, #tpu.memory_space<vmem_shared>>) offsets(%dma_start3A_853 : memref<128xi32, #tpu.memory_space<vmem>>) semaphore(%run_scoped3A : memref<!tpu.dma_semaphore, #tpu.memory_space<semaphore_mem>>) {add = true}
        %dma_wait3A_857 = arith.constant 256 : i32
        %dma_wait3A_858 = arith.constant 0 : i32
        %dma_wait3A_859 = tpu.memref_slice %arg7[%dma_wait3A_857, %dma_wait3A_858] : memref<384x32xf32, #tpu.memory_space<vmem>> -> memref<128x32xf32, #tpu.memory_space<vmem>>
        %dma_wait3A_860 = arith.constant 256 : i32
        %dma_wait3A_861 = tpu.memref_slice %arg9[%dma_wait3A_860] : memref<384xi32, #tpu.memory_space<vmem>> -> memref<128xi32, #tpu.memory_space<vmem>>
        %dma_wait3A_862 = arith.constant 0 : i32
        %dma_wait3A_863 = arith.constant 0 : i32
        %dma_wait3A_864 = tpu.memref_slice %arg11[%dma_wait3A_862, %dma_wait3A_863] : memref<50048x32xf32, #tpu.memory_space<vmem_shared>> -> memref<50048x32xf32, #tpu.memory_space<vmem_shared>>
        tpu.wait_indirect_dma semaphore(%run_scoped3A : memref<!tpu.dma_semaphore, #tpu.memory_space<semaphore_mem>>) src(%dma_wait3A_859 : memref<128x32xf32, #tpu.memory_space<vmem>>) dst(%dma_wait3A_864 : memref<50048x32xf32, #tpu.memory_space<vmem_shared>>)
        tpu.yield
      }) : () -> ()
      %add3A_819 = arith.constant 3 : i32
      %add3A_820 = arith.addi %add3A_633, %add3A_819 : i32
      %mul3A_821 = arith.constant 128 : i32
      %mul3A_822 = arith.muli %add3A_820, %mul3A_821 : i32
      %add3A_823 = arith.addi %squeeze3A_8, %mul3A_822 : i32
      %min3A_824 = arith.constant 1599872 : i32
      %min3A_825 = arith.minsi %add3A_823, %min3A_824 : i32
      %multiple_of3A_826 = tpu.assume_multiple %min3A_825, 8 : i32
      %dma_start3A_827 = arith.constant 2 : i32
      %dma_start3A_828 = arith.constant 256 : i32
      %dma_start3A_829 = arith.constant 0 : i32
      %dma_start3A_830 = tpu.memref_slice %arg7[%dma_start3A_828, %dma_start3A_829] : memref<384x32xf32, #tpu.memory_space<vmem>> -> memref<128x32xf32, #tpu.memory_space<vmem>>
      %dma_start3A_831 = arith.constant 0 : i32
      %dma_start3A_832 = tpu.memref_slice %arg2[%multiple_of3A_826, %dma_start3A_831] : memref<1600000x32xf32, #tpu.memory_space<hbm>> -> memref<128x32xf32, #tpu.memory_space<hbm>>
      %dma_start3A_833 = tpu.memref_slice %arg12[%dma_start3A_827] : memref<3x!tpu.dma_semaphore, #tpu.memory_space<semaphore_mem>> -> memref<1x!tpu.dma_semaphore, #tpu.memory_space<semaphore_mem>>
      %dma_start3A_834 = tpu.memref_squeeze %dma_start3A_833 : memref<1x!tpu.dma_semaphore, #tpu.memory_space<semaphore_mem>> -> memref<!tpu.dma_semaphore, #tpu.memory_space<semaphore_mem>>
      %dma_start3A_835 = arith.constant 256 : i32
      %dma_start3A_836 = arith.constant 0 : i32
      %dma_start3A_837 = tpu.memref_slice %arg7[%dma_start3A_835, %dma_start3A_836] : memref<384x32xf32, #tpu.memory_space<vmem>> -> memref<128x32xf32, #tpu.memory_space<vmem>>
      %dma_start3A_838 = arith.constant 0 : i32
      %dma_start3A_839 = tpu.memref_slice %arg2[%multiple_of3A_826, %dma_start3A_838] : memref<1600000x32xf32, #tpu.memory_space<hbm>> -> memref<128x32xf32, #tpu.memory_space<hbm>>
      tpu.enqueue_dma source(%dma_start3A_839 : memref<128x32xf32, #tpu.memory_space<hbm>>) target(%dma_start3A_837 : memref<128x32xf32, #tpu.memory_space<vmem>>) target_semaphore(%dma_start3A_834 : memref<!tpu.dma_semaphore, #tpu.memory_space<semaphore_mem>>)
      %dma_start3A_840 = arith.constant 2 : i32
      %dma_start3A_841 = arith.constant 256 : i32
      %dma_start3A_842 = tpu.memref_slice %arg8[%dma_start3A_841] : memref<384xi32, #tpu.memory_space<vmem>> -> memref<128xi32, #tpu.memory_space<vmem>>
      %dma_start3A_843 = tpu.memref_slice %arg3[%multiple_of3A_826] : memref<1600000xi32, #tpu.memory_space<hbm>> -> memref<128xi32, #tpu.memory_space<hbm>>
      %dma_start3A_844 = tpu.memref_slice %arg13[%dma_start3A_840] : memref<3x!tpu.dma_semaphore, #tpu.memory_space<semaphore_mem>> -> memref<1x!tpu.dma_semaphore, #tpu.memory_space<semaphore_mem>>
      %dma_start3A_845 = tpu.memref_squeeze %dma_start3A_844 : memref<1x!tpu.dma_semaphore, #tpu.memory_space<semaphore_mem>> -> memref<!tpu.dma_semaphore, #tpu.memory_space<semaphore_mem>>
      %dma_start3A_846 = arith.constant 256 : i32
      %dma_start3A_847 = tpu.memref_slice %arg8[%dma_start3A_846] : memref<384xi32, #tpu.memory_space<vmem>> -> memref<128xi32, #tpu.memory_space<vmem>>
      %dma_start3A_848 = tpu.memref_slice %arg3[%multiple_of3A_826] : memref<1600000xi32, #tpu.memory_space<hbm>> -> memref<128xi32, #tpu.memory_space<hbm>>
      tpu.enqueue_dma source(%dma_start3A_848 : memref<128xi32, #tpu.memory_space<hbm>>) target(%dma_start3A_847 : memref<128xi32, #tpu.memory_space<vmem>>) target_semaphore(%dma_start3A_845 : memref<!tpu.dma_semaphore, #tpu.memory_space<semaphore_mem>>)
    }
    %while3A_114 = arith.constant 1 : i32
    scf.for %while3A_196 = %while3A_112 to %while3A_108 step %while3A_114  : i32 {
      %mul3A_197 = arith.constant 3 : i32
      %mul3A_198 = arith.muli %while3A_196, %mul3A_197 : i32
      %add3A_199 = arith.constant 0 : i32
      %add3A_200 = arith.addi %mul3A_198, %add3A_199 : i32
      %mul3A_201 = arith.constant 128 : i32
      %mul3A_202 = arith.muli %add3A_200, %mul3A_201 : i32
      %add3A_203 = arith.addi %squeeze3A_8, %mul3A_202 : i32
      %min3A_204 = arith.constant 1599872 : i32
      %min3A_205 = arith.minsi %add3A_203, %min3A_204 : i32
      %multiple_of3A_206 = tpu.assume_multiple %min3A_205, 8 : i32
      %dma_wait3A_207 = arith.constant 0 : i32
      %dma_wait3A_208 = arith.constant 0 : i32
      %dma_wait3A_209 = arith.constant 0 : i32
      %dma_wait3A_210 = tpu.memref_slice %arg7[%dma_wait3A_208, %dma_wait3A_209] : memref<384x32xf32, #tpu.memory_space<vmem>> -> memref<128x32xf32, #tpu.memory_space<vmem>>
      %dma_wait3A_211 = arith.constant 0 : i32
      %dma_wait3A_212 = arith.constant 0 : i32
      %dma_wait3A_213 = tpu.memref_slice %arg2[%dma_wait3A_211, %dma_wait3A_212] : memref<1600000x32xf32, #tpu.memory_space<hbm>> -> memref<128x32xf32, #tpu.memory_space<hbm>>
      %dma_wait3A_214 = tpu.memref_slice %arg12[%dma_wait3A_207] : memref<3x!tpu.dma_semaphore, #tpu.memory_space<semaphore_mem>> -> memref<1x!tpu.dma_semaphore, #tpu.memory_space<semaphore_mem>>
      %dma_wait3A_215 = tpu.memref_squeeze %dma_wait3A_214 : memref<1x!tpu.dma_semaphore, #tpu.memory_space<semaphore_mem>> -> memref<!tpu.dma_semaphore, #tpu.memory_space<semaphore_mem>>
      %dma_wait3A_216 = arith.constant 0 : i32
      %dma_wait3A_217 = arith.constant 0 : i32
      %dma_wait3A_218 = tpu.memref_slice %arg7[%dma_wait3A_216, %dma_wait3A_217] : memref<384x32xf32, #tpu.memory_space<vmem>> -> memref<128x32xf32, #tpu.memory_space<vmem>>
      %dma_wait3A_219 = arith.constant 0 : i32
      %dma_wait3A_220 = arith.constant 0 : i32
      %dma_wait3A_221 = tpu.memref_slice %arg2[%dma_wait3A_219, %dma_wait3A_220] : memref<1600000x32xf32, #tpu.memory_space<hbm>> -> memref<128x32xf32, #tpu.memory_space<hbm>>
      tpu.wait_dma2 semaphore(%dma_wait3A_215 : memref<!tpu.dma_semaphore, #tpu.memory_space<semaphore_mem>>) src(%dma_wait3A_221 : memref<128x32xf32, #tpu.memory_space<hbm>>) dst(%dma_wait3A_218 : memref<128x32xf32, #tpu.memory_space<vmem>>)
      %dma_wait3A_222 = arith.constant 0 : i32
      %dma_wait3A_223 = arith.constant 0 : i32
      %dma_wait3A_224 = tpu.memref_slice %arg8[%dma_wait3A_223] : memref<384xi32, #tpu.memory_space<vmem>> -> memref<128xi32, #tpu.memory_space<vmem>>
      %dma_wait3A_225 = arith.constant 0 : i32
      %dma_wait3A_226 = tpu.memref_slice %arg3[%dma_wait3A_225] : memref<1600000xi32, #tpu.memory_space<hbm>> -> memref<128xi32, #tpu.memory_space<hbm>>
      %dma_wait3A_227 = tpu.memref_slice %arg13[%dma_wait3A_222] : memref<3x!tpu.dma_semaphore, #tpu.memory_space<semaphore_mem>> -> memref<1x!tpu.dma_semaphore, #tpu.memory_space<semaphore_mem>>
      %dma_wait3A_228 = tpu.memref_squeeze %dma_wait3A_227 : memref<1x!tpu.dma_semaphore, #tpu.memory_space<semaphore_mem>> -> memref<!tpu.dma_semaphore, #tpu.memory_space<semaphore_mem>>
      %dma_wait3A_229 = arith.constant 0 : i32
      %dma_wait3A_230 = tpu.memref_slice %arg8[%dma_wait3A_229] : memref<384xi32, #tpu.memory_space<vmem>> -> memref<128xi32, #tpu.memory_space<vmem>>
      %dma_wait3A_231 = arith.constant 0 : i32
      %dma_wait3A_232 = tpu.memref_slice %arg3[%dma_wait3A_231] : memref<1600000xi32, #tpu.memory_space<hbm>> -> memref<128xi32, #tpu.memory_space<hbm>>
      tpu.wait_dma2 semaphore(%dma_wait3A_228 : memref<!tpu.dma_semaphore, #tpu.memory_space<semaphore_mem>>) src(%dma_wait3A_232 : memref<128xi32, #tpu.memory_space<hbm>>) dst(%dma_wait3A_230 : memref<128xi32, #tpu.memory_space<vmem>>)
      %max3A = arith.maxsi %squeeze3A, %add3A_203 : i32
      %add3A_233 = arith.constant 0 : i32
      %add3A_234 = arith.addi %multiple_of3A_206, %add3A_233 : i32
      %add3A_235 = vector.broadcast %add3A_234 : i32 to vector<16xi32>
      %add3A_236 = arith.addi %iota3A, %add3A_235 : vector<16xi32>
      %get3A_237 = arith.constant 0 : index
      %get3A_238 = tpu.vector_load %arg8[%get3A_237] {strides = array<i32>} : memref<384xi32, #tpu.memory_space<vmem>>, vector<16xi32>,
      %get3A_239 = vector.shape_cast %get3A_238 : vector<16xi32> to vector<16xi32>
      %ge3A = vector.broadcast %max3A : i32 to vector<16xi32>
      %ge3A_240 = arith.cmpi sge, %add3A_236, %ge3A : vector<16xi32>
      %lt3A_241 = vector.broadcast %squeeze3A_6 : i32 to vector<16xi32>
      %lt3A_242 = arith.cmpi slt, %add3A_236, %lt3A_241 : vector<16xi32>
      %and3A_243 = arith.andi %ge3A_240, %lt3A_242 : vector<16xi1>
      %sub3A = vector.broadcast %mul3A_14 : i32 to vector<16xi32>
      %sub3A_244 = arith.subi %get3A_239, %sub3A : vector<16xi32>
      %select_n3A = arith.select %and3A_243, %sub3A_244, %add3A_19 : vector<16xi1>, vector<16xi32>
      %swap3A = arith.constant 0 : index
      %swap3A_245 = tpu.vector_load %arg9[%swap3A] {strides = array<i32>} : memref<384xi32, #tpu.memory_space<vmem>>, vector<16xi32>,
      %swap3A_246 = vector.shape_cast %swap3A_245 : vector<16xi32> to vector<16xi32>
      %swap3A_247 = vector.shape_cast %select_n3A : vector<16xi32> to vector<16xi32>
      tpu.vector_store %arg9[%swap3A], %swap3A_247 {strides = array<i32>} : memref<384xi32, #tpu.memory_space<vmem>>, vector<16xi32>,
      %add3A_248 = arith.constant 16 : i32
      %add3A_249 = arith.addi %multiple_of3A_206, %add3A_248 : i32
      %add3A_250 = vector.broadcast %add3A_249 : i32 to vector<16xi32>
      %add3A_251 = arith.addi %iota3A, %add3A_250 : vector<16xi32>
      %get3A_252 = arith.constant 16 : index
      %get3A_253 = tpu.vector_load %arg8[%get3A_252] {strides = array<i32>} : memref<384xi32, #tpu.memory_space<vmem>>, vector<16xi32>,
      %get3A_254 = vector.shape_cast %get3A_253 : vector<16xi32> to vector<16xi32>
      %ge3A_255 = vector.broadcast %max3A : i32 to vector<16xi32>
      %ge3A_256 = arith.cmpi sge, %add3A_251, %ge3A_255 : vector<16xi32>
      %lt3A_257 = vector.broadcast %squeeze3A_6 : i32 to vector<16xi32>
      %lt3A_258 = arith.cmpi slt, %add3A_251, %lt3A_257 : vector<16xi32>
      %and3A_259 = arith.andi %ge3A_256, %lt3A_258 : vector<16xi1>
      %sub3A_260 = vector.broadcast %mul3A_14 : i32 to vector<16xi32>
      %sub3A_261 = arith.subi %get3A_254, %sub3A_260 : vector<16xi32>
      %select_n3A_262 = arith.select %and3A_259, %sub3A_261, %add3A_19 : vector<16xi1>, vector<16xi32>
      %swap3A_263 = arith.constant 16 : index
      %swap3A_264 = tpu.vector_load %arg9[%swap3A_263] {strides = array<i32>} : memref<384xi32, #tpu.memory_space<vmem>>, vector<16xi32>,
      %swap3A_265 = vector.shape_cast %swap3A_264 : vector<16xi32> to vector<16xi32>
      %swap3A_266 = vector.shape_cast %select_n3A_262 : vector<16xi32> to vector<16xi32>
      tpu.vector_store %arg9[%swap3A_263], %swap3A_266 {strides = array<i32>} : memref<384xi32, #tpu.memory_space<vmem>>, vector<16xi32>,
      %add3A_267 = arith.constant 32 : i32
      %add3A_268 = arith.addi %multiple_of3A_206, %add3A_267 : i32
      %add3A_269 = vector.broadcast %add3A_268 : i32 to vector<16xi32>
      %add3A_270 = arith.addi %iota3A, %add3A_269 : vector<16xi32>
      %get3A_271 = arith.constant 32 : index
      %get3A_272 = tpu.vector_load %arg8[%get3A_271] {strides = array<i32>} : memref<384xi32, #tpu.memory_space<vmem>>, vector<16xi32>,
      %get3A_273 = vector.shape_cast %get3A_272 : vector<16xi32> to vector<16xi32>
      %ge3A_274 = vector.broadcast %max3A : i32 to vector<16xi32>
      %ge3A_275 = arith.cmpi sge, %add3A_270, %ge3A_274 : vector<16xi32>
      %lt3A_276 = vector.broadcast %squeeze3A_6 : i32 to vector<16xi32>
      %lt3A_277 = arith.cmpi slt, %add3A_270, %lt3A_276 : vector<16xi32>
      %and3A_278 = arith.andi %ge3A_275, %lt3A_277 : vector<16xi1>
      %sub3A_279 = vector.broadcast %mul3A_14 : i32 to vector<16xi32>
      %sub3A_280 = arith.subi %get3A_273, %sub3A_279 : vector<16xi32>
      %select_n3A_281 = arith.select %and3A_278, %sub3A_280, %add3A_19 : vector<16xi1>, vector<16xi32>
      %swap3A_282 = arith.constant 32 : index
      %swap3A_283 = tpu.vector_load %arg9[%swap3A_282] {strides = array<i32>} : memref<384xi32, #tpu.memory_space<vmem>>, vector<16xi32>,
      %swap3A_284 = vector.shape_cast %swap3A_283 : vector<16xi32> to vector<16xi32>
      %swap3A_285 = vector.shape_cast %select_n3A_281 : vector<16xi32> to vector<16xi32>
      tpu.vector_store %arg9[%swap3A_282], %swap3A_285 {strides = array<i32>} : memref<384xi32, #tpu.memory_space<vmem>>, vector<16xi32>,
      %add3A_286 = arith.constant 48 : i32
      %add3A_287 = arith.addi %multiple_of3A_206, %add3A_286 : i32
      %add3A_288 = vector.broadcast %add3A_287 : i32 to vector<16xi32>
      %add3A_289 = arith.addi %iota3A, %add3A_288 : vector<16xi32>
      %get3A_290 = arith.constant 48 : index
      %get3A_291 = tpu.vector_load %arg8[%get3A_290] {strides = array<i32>} : memref<384xi32, #tpu.memory_space<vmem>>, vector<16xi32>,
      %get3A_292 = vector.shape_cast %get3A_291 : vector<16xi32> to vector<16xi32>
      %ge3A_293 = vector.broadcast %max3A : i32 to vector<16xi32>
      %ge3A_294 = arith.cmpi sge, %add3A_289, %ge3A_293 : vector<16xi32>
      %lt3A_295 = vector.broadcast %squeeze3A_6 : i32 to vector<16xi32>
      %lt3A_296 = arith.cmpi slt, %add3A_289, %lt3A_295 : vector<16xi32>
      %and3A_297 = arith.andi %ge3A_294, %lt3A_296 : vector<16xi1>
      %sub3A_298 = vector.broadcast %mul3A_14 : i32 to vector<16xi32>
      %sub3A_299 = arith.subi %get3A_292, %sub3A_298 : vector<16xi32>
      %select_n3A_300 = arith.select %and3A_297, %sub3A_299, %add3A_19 : vector<16xi1>, vector<16xi32>
      %swap3A_301 = arith.constant 48 : index
      %swap3A_302 = tpu.vector_load %arg9[%swap3A_301] {strides = array<i32>} : memref<384xi32, #tpu.memory_space<vmem>>, vector<16xi32>,
      %swap3A_303 = vector.shape_cast %swap3A_302 : vector<16xi32> to vector<16xi32>
      %swap3A_304 = vector.shape_cast %select_n3A_300 : vector<16xi32> to vector<16xi32>
      tpu.vector_store %arg9[%swap3A_301], %swap3A_304 {strides = array<i32>} : memref<384xi32, #tpu.memory_space<vmem>>, vector<16xi32>,
      %add3A_305 = arith.constant 64 : i32
      %add3A_306 = arith.addi %multiple_of3A_206, %add3A_305 : i32
      %add3A_307 = vector.broadcast %add3A_306 : i32 to vector<16xi32>
      %add3A_308 = arith.addi %iota3A, %add3A_307 : vector<16xi32>
      %get3A_309 = arith.constant 64 : index
      %get3A_310 = tpu.vector_load %arg8[%get3A_309] {strides = array<i32>} : memref<384xi32, #tpu.memory_space<vmem>>, vector<16xi32>,
      %get3A_311 = vector.shape_cast %get3A_310 : vector<16xi32> to vector<16xi32>
      %ge3A_312 = vector.broadcast %max3A : i32 to vector<16xi32>
      %ge3A_313 = arith.cmpi sge, %add3A_308, %ge3A_312 : vector<16xi32>
      %lt3A_314 = vector.broadcast %squeeze3A_6 : i32 to vector<16xi32>
      %lt3A_315 = arith.cmpi slt, %add3A_308, %lt3A_314 : vector<16xi32>
      %and3A_316 = arith.andi %ge3A_313, %lt3A_315 : vector<16xi1>
      %sub3A_317 = vector.broadcast %mul3A_14 : i32 to vector<16xi32>
      %sub3A_318 = arith.subi %get3A_311, %sub3A_317 : vector<16xi32>
      %select_n3A_319 = arith.select %and3A_316, %sub3A_318, %add3A_19 : vector<16xi1>, vector<16xi32>
      %swap3A_320 = arith.constant 64 : index
      %swap3A_321 = tpu.vector_load %arg9[%swap3A_320] {strides = array<i32>} : memref<384xi32, #tpu.memory_space<vmem>>, vector<16xi32>,
      %swap3A_322 = vector.shape_cast %swap3A_321 : vector<16xi32> to vector<16xi32>
      %swap3A_323 = vector.shape_cast %select_n3A_319 : vector<16xi32> to vector<16xi32>
      tpu.vector_store %arg9[%swap3A_320], %swap3A_323 {strides = array<i32>} : memref<384xi32, #tpu.memory_space<vmem>>, vector<16xi32>,
      %add3A_324 = arith.constant 80 : i32
      %add3A_325 = arith.addi %multiple_of3A_206, %add3A_324 : i32
      %add3A_326 = vector.broadcast %add3A_325 : i32 to vector<16xi32>
      %add3A_327 = arith.addi %iota3A, %add3A_326 : vector<16xi32>
      %get3A_328 = arith.constant 80 : index
      %get3A_329 = tpu.vector_load %arg8[%get3A_328] {strides = array<i32>} : memref<384xi32, #tpu.memory_space<vmem>>, vector<16xi32>,
      %get3A_330 = vector.shape_cast %get3A_329 : vector<16xi32> to vector<16xi32>
      %ge3A_331 = vector.broadcast %max3A : i32 to vector<16xi32>
      %ge3A_332 = arith.cmpi sge, %add3A_327, %ge3A_331 : vector<16xi32>
      %lt3A_333 = vector.broadcast %squeeze3A_6 : i32 to vector<16xi32>
      %lt3A_334 = arith.cmpi slt, %add3A_327, %lt3A_333 : vector<16xi32>
      %and3A_335 = arith.andi %ge3A_332, %lt3A_334 : vector<16xi1>
      %sub3A_336 = vector.broadcast %mul3A_14 : i32 to vector<16xi32>
      %sub3A_337 = arith.subi %get3A_330, %sub3A_336 : vector<16xi32>
      %select_n3A_338 = arith.select %and3A_335, %sub3A_337, %add3A_19 : vector<16xi1>, vector<16xi32>
      %swap3A_339 = arith.constant 80 : index
      %swap3A_340 = tpu.vector_load %arg9[%swap3A_339] {strides = array<i32>} : memref<384xi32, #tpu.memory_space<vmem>>, vector<16xi32>,
      %swap3A_341 = vector.shape_cast %swap3A_340 : vector<16xi32> to vector<16xi32>
      %swap3A_342 = vector.shape_cast %select_n3A_338 : vector<16xi32> to vector<16xi32>
      tpu.vector_store %arg9[%swap3A_339], %swap3A_342 {strides = array<i32>} : memref<384xi32, #tpu.memory_space<vmem>>, vector<16xi32>,
      %add3A_343 = arith.constant 96 : i32
      %add3A_344 = arith.addi %multiple_of3A_206, %add3A_343 : i32
      %add3A_345 = vector.broadcast %add3A_344 : i32 to vector<16xi32>
      %add3A_346 = arith.addi %iota3A, %add3A_345 : vector<16xi32>
      %get3A_347 = arith.constant 96 : index
      %get3A_348 = tpu.vector_load %arg8[%get3A_347] {strides = array<i32>} : memref<384xi32, #tpu.memory_space<vmem>>, vector<16xi32>,
      %get3A_349 = vector.shape_cast %get3A_348 : vector<16xi32> to vector<16xi32>
      %ge3A_350 = vector.broadcast %max3A : i32 to vector<16xi32>
      %ge3A_351 = arith.cmpi sge, %add3A_346, %ge3A_350 : vector<16xi32>
      %lt3A_352 = vector.broadcast %squeeze3A_6 : i32 to vector<16xi32>
      %lt3A_353 = arith.cmpi slt, %add3A_346, %lt3A_352 : vector<16xi32>
      %and3A_354 = arith.andi %ge3A_351, %lt3A_353 : vector<16xi1>
      %sub3A_355 = vector.broadcast %mul3A_14 : i32 to vector<16xi32>
      %sub3A_356 = arith.subi %get3A_349, %sub3A_355 : vector<16xi32>
      %select_n3A_357 = arith.select %and3A_354, %sub3A_356, %add3A_19 : vector<16xi1>, vector<16xi32>
      %swap3A_358 = arith.constant 96 : index
      %swap3A_359 = tpu.vector_load %arg9[%swap3A_358] {strides = array<i32>} : memref<384xi32, #tpu.memory_space<vmem>>, vector<16xi32>,
      %swap3A_360 = vector.shape_cast %swap3A_359 : vector<16xi32> to vector<16xi32>
      %swap3A_361 = vector.shape_cast %select_n3A_357 : vector<16xi32> to vector<16xi32>
      tpu.vector_store %arg9[%swap3A_358], %swap3A_361 {strides = array<i32>} : memref<384xi32, #tpu.memory_space<vmem>>, vector<16xi32>,
      %add3A_362 = arith.constant 112 : i32
      %add3A_363 = arith.addi %multiple_of3A_206, %add3A_362 : i32
      %add3A_364 = vector.broadcast %add3A_363 : i32 to vector<16xi32>
      %add3A_365 = arith.addi %iota3A, %add3A_364 : vector<16xi32>
      %get3A_366 = arith.constant 112 : index
      %get3A_367 = tpu.vector_load %arg8[%get3A_366] {strides = array<i32>} : memref<384xi32, #tpu.memory_space<vmem>>, vector<16xi32>,
      %get3A_368 = vector.shape_cast %get3A_367 : vector<16xi32> to vector<16xi32>
      %ge3A_369 = vector.broadcast %max3A : i32 to vector<16xi32>
      %ge3A_370 = arith.cmpi sge, %add3A_365, %ge3A_369 : vector<16xi32>
      %lt3A_371 = vector.broadcast %squeeze3A_6 : i32 to vector<16xi32>
      %lt3A_372 = arith.cmpi slt, %add3A_365, %lt3A_371 : vector<16xi32>
      %and3A_373 = arith.andi %ge3A_370, %lt3A_372 : vector<16xi1>
      %sub3A_374 = vector.broadcast %mul3A_14 : i32 to vector<16xi32>
      %sub3A_375 = arith.subi %get3A_368, %sub3A_374 : vector<16xi32>
      %select_n3A_376 = arith.select %and3A_373, %sub3A_375, %add3A_19 : vector<16xi1>, vector<16xi32>
      %swap3A_377 = arith.constant 112 : index
      %swap3A_378 = tpu.vector_load %arg9[%swap3A_377] {strides = array<i32>} : memref<384xi32, #tpu.memory_space<vmem>>, vector<16xi32>,
      %swap3A_379 = vector.shape_cast %swap3A_378 : vector<16xi32> to vector<16xi32>
      %swap3A_380 = vector.shape_cast %select_n3A_376 : vector<16xi32> to vector<16xi32>
      tpu.vector_store %arg9[%swap3A_377], %swap3A_380 {strides = array<i32>} : memref<384xi32, #tpu.memory_space<vmem>>, vector<16xi32>,
      "tpu.region"() ({
        %run_scoped3A = tpu.sem_alloc : memref<!tpu.dma_semaphore, #tpu.memory_space<semaphore_mem>>
        %dma_start3A_849 = arith.constant 0 : i32
        %dma_start3A_850 = arith.constant 0 : i32
        %dma_start3A_851 = tpu.memref_slice %arg7[%dma_start3A_849, %dma_start3A_850] : memref<384x32xf32, #tpu.memory_space<vmem>> -> memref<128x32xf32, #tpu.memory_space<vmem>>
        %dma_start3A_852 = arith.constant 0 : i32
        %dma_start3A_853 = tpu.memref_slice %arg9[%dma_start3A_852] : memref<384xi32, #tpu.memory_space<vmem>> -> memref<128xi32, #tpu.memory_space<vmem>>
        %dma_start3A_854 = arith.constant 0 : i32
        %dma_start3A_855 = arith.constant 0 : i32
        %dma_start3A_856 = tpu.memref_slice %arg11[%dma_start3A_854, %dma_start3A_855] : memref<50048x32xf32, #tpu.memory_space<vmem_shared>> -> memref<50048x32xf32, #tpu.memory_space<vmem_shared>>
        tpu.enqueue_indirect_dma source(%dma_start3A_851 : memref<128x32xf32, #tpu.memory_space<vmem>>) target(%dma_start3A_856 : memref<50048x32xf32, #tpu.memory_space<vmem_shared>>) offsets(%dma_start3A_853 : memref<128xi32, #tpu.memory_space<vmem>>) semaphore(%run_scoped3A : memref<!tpu.dma_semaphore, #tpu.memory_space<semaphore_mem>>) {add = true}
        %dma_wait3A_857 = arith.constant 0 : i32
        %dma_wait3A_858 = arith.constant 0 : i32
        %dma_wait3A_859 = tpu.memref_slice %arg7[%dma_wait3A_857, %dma_wait3A_858] : memref<384x32xf32, #tpu.memory_space<vmem>> -> memref<128x32xf32, #tpu.memory_space<vmem>>
        %dma_wait3A_860 = arith.constant 0 : i32
        %dma_wait3A_861 = tpu.memref_slice %arg9[%dma_wait3A_860] : memref<384xi32, #tpu.memory_space<vmem>> -> memref<128xi32, #tpu.memory_space<vmem>>
        %dma_wait3A_862 = arith.constant 0 : i32
        %dma_wait3A_863 = arith.constant 0 : i32
        %dma_wait3A_864 = tpu.memref_slice %arg11[%dma_wait3A_862, %dma_wait3A_863] : memref<50048x32xf32, #tpu.memory_space<vmem_shared>> -> memref<50048x32xf32, #tpu.memory_space<vmem_shared>>
        tpu.wait_indirect_dma semaphore(%run_scoped3A : memref<!tpu.dma_semaphore, #tpu.memory_space<semaphore_mem>>) src(%dma_wait3A_859 : memref<128x32xf32, #tpu.memory_space<vmem>>) dst(%dma_wait3A_864 : memref<50048x32xf32, #tpu.memory_space<vmem_shared>>)
        tpu.yield
      }) : () -> ()
      %add3A_381 = arith.constant 3 : i32
      %add3A_382 = arith.addi %add3A_200, %add3A_381 : i32
      %mul3A_383 = arith.constant 128 : i32
      %mul3A_384 = arith.muli %add3A_382, %mul3A_383 : i32
      %add3A_385 = arith.addi %squeeze3A_8, %mul3A_384 : i32
      %min3A_386 = arith.constant 1599872 : i32
      %min3A_387 = arith.minsi %add3A_385, %min3A_386 : i32
      %multiple_of3A_388 = tpu.assume_multiple %min3A_387, 8 : i32
      %dma_start3A_389 = arith.constant 0 : i32
      %dma_start3A_390 = arith.constant 0 : i32
      %dma_start3A_391 = arith.constant 0 : i32
      %dma_start3A_392 = tpu.memref_slice %arg7[%dma_start3A_390, %dma_start3A_391] : memref<384x32xf32, #tpu.memory_space<vmem>> -> memref<128x32xf32, #tpu.memory_space<vmem>>
      %dma_start3A_393 = arith.constant 0 : i32
      %dma_start3A_394 = tpu.memref_slice %arg2[%multiple_of3A_388, %dma_start3A_393] : memref<1600000x32xf32, #tpu.memory_space<hbm>> -> memref<128x32xf32, #tpu.memory_space<hbm>>
      %dma_start3A_395 = tpu.memref_slice %arg12[%dma_start3A_389] : memref<3x!tpu.dma_semaphore, #tpu.memory_space<semaphore_mem>> -> memref<1x!tpu.dma_semaphore, #tpu.memory_space<semaphore_mem>>
      %dma_start3A_396 = tpu.memref_squeeze %dma_start3A_395 : memref<1x!tpu.dma_semaphore, #tpu.memory_space<semaphore_mem>> -> memref<!tpu.dma_semaphore, #tpu.memory_space<semaphore_mem>>
      %dma_start3A_397 = arith.constant 0 : i32
      %dma_start3A_398 = arith.constant 0 : i32
      %dma_start3A_399 = tpu.memref_slice %arg7[%dma_start3A_397, %dma_start3A_398] : memref<384x32xf32, #tpu.memory_space<vmem>> -> memref<128x32xf32, #tpu.memory_space<vmem>>
      %dma_start3A_400 = arith.constant 0 : i32
      %dma_start3A_401 = tpu.memref_slice %arg2[%multiple_of3A_388, %dma_start3A_400] : memref<1600000x32xf32, #tpu.memory_space<hbm>> -> memref<128x32xf32, #tpu.memory_space<hbm>>
      tpu.enqueue_dma source(%dma_start3A_401 : memref<128x32xf32, #tpu.memory_space<hbm>>) target(%dma_start3A_399 : memref<128x32xf32, #tpu.memory_space<vmem>>) target_semaphore(%dma_start3A_396 : memref<!tpu.dma_semaphore, #tpu.memory_space<semaphore_mem>>)
      %dma_start3A_402 = arith.constant 0 : i32
      %dma_start3A_403 = arith.constant 0 : i32
      %dma_start3A_404 = tpu.memref_slice %arg8[%dma_start3A_403] : memref<384xi32, #tpu.memory_space<vmem>> -> memref<128xi32, #tpu.memory_space<vmem>>
      %dma_start3A_405 = tpu.memref_slice %arg3[%multiple_of3A_388] : memref<1600000xi32, #tpu.memory_space<hbm>> -> memref<128xi32, #tpu.memory_space<hbm>>
      %dma_start3A_406 = tpu.memref_slice %arg13[%dma_start3A_402] : memref<3x!tpu.dma_semaphore, #tpu.memory_space<semaphore_mem>> -> memref<1x!tpu.dma_semaphore, #tpu.memory_space<semaphore_mem>>
      %dma_start3A_407 = tpu.memref_squeeze %dma_start3A_406 : memref<1x!tpu.dma_semaphore, #tpu.memory_space<semaphore_mem>> -> memref<!tpu.dma_semaphore, #tpu.memory_space<semaphore_mem>>
      %dma_start3A_408 = arith.constant 0 : i32
      %dma_start3A_409 = tpu.memref_slice %arg8[%dma_start3A_408] : memref<384xi32, #tpu.memory_space<vmem>> -> memref<128xi32, #tpu.memory_space<vmem>>
      %dma_start3A_410 = tpu.memref_slice %arg3[%multiple_of3A_388] : memref<1600000xi32, #tpu.memory_space<hbm>> -> memref<128xi32, #tpu.memory_space<hbm>>
      tpu.enqueue_dma source(%dma_start3A_410 : memref<128xi32, #tpu.memory_space<hbm>>) target(%dma_start3A_409 : memref<128xi32, #tpu.memory_space<vmem>>) target_semaphore(%dma_start3A_407 : memref<!tpu.dma_semaphore, #tpu.memory_space<semaphore_mem>>)
      %mul3A_411 = arith.constant 3 : i32
      %mul3A_412 = arith.muli %while3A_196, %mul3A_411 : i32
      %add3A_413 = arith.constant 1 : i32
      %add3A_414 = arith.addi %mul3A_412, %add3A_413 : i32
      %mul3A_415 = arith.constant 128 : i32
      %mul3A_416 = arith.muli %add3A_414, %mul3A_415 : i32
      %add3A_417 = arith.addi %squeeze3A_8, %mul3A_416 : i32
      %min3A_418 = arith.constant 1599872 : i32
      %min3A_419 = arith.minsi %add3A_417, %min3A_418 : i32
      %multiple_of3A_420 = tpu.assume_multiple %min3A_419, 8 : i32
      %dma_wait3A_421 = arith.constant 1 : i32
      %dma_wait3A_422 = arith.constant 128 : i32
      %dma_wait3A_423 = arith.constant 0 : i32
      %dma_wait3A_424 = tpu.memref_slice %arg7[%dma_wait3A_422, %dma_wait3A_423] : memref<384x32xf32, #tpu.memory_space<vmem>> -> memref<128x32xf32, #tpu.memory_space<vmem>>
      %dma_wait3A_425 = arith.constant 0 : i32
      %dma_wait3A_426 = arith.constant 0 : i32
      %dma_wait3A_427 = tpu.memref_slice %arg2[%dma_wait3A_425, %dma_wait3A_426] : memref<1600000x32xf32, #tpu.memory_space<hbm>> -> memref<128x32xf32, #tpu.memory_space<hbm>>
      %dma_wait3A_428 = tpu.memref_slice %arg12[%dma_wait3A_421] : memref<3x!tpu.dma_semaphore, #tpu.memory_space<semaphore_mem>> -> memref<1x!tpu.dma_semaphore, #tpu.memory_space<semaphore_mem>>
      %dma_wait3A_429 = tpu.memref_squeeze %dma_wait3A_428 : memref<1x!tpu.dma_semaphore, #tpu.memory_space<semaphore_mem>> -> memref<!tpu.dma_semaphore, #tpu.memory_space<semaphore_mem>>
      %dma_wait3A_430 = arith.constant 128 : i32
      %dma_wait3A_431 = arith.constant 0 : i32
      %dma_wait3A_432 = tpu.memref_slice %arg7[%dma_wait3A_430, %dma_wait3A_431] : memref<384x32xf32, #tpu.memory_space<vmem>> -> memref<128x32xf32, #tpu.memory_space<vmem>>
      %dma_wait3A_433 = arith.constant 0 : i32
      %dma_wait3A_434 = arith.constant 0 : i32
      %dma_wait3A_435 = tpu.memref_slice %arg2[%dma_wait3A_433, %dma_wait3A_434] : memref<1600000x32xf32, #tpu.memory_space<hbm>> -> memref<128x32xf32, #tpu.memory_space<hbm>>
      tpu.wait_dma2 semaphore(%dma_wait3A_429 : memref<!tpu.dma_semaphore, #tpu.memory_space<semaphore_mem>>) src(%dma_wait3A_435 : memref<128x32xf32, #tpu.memory_space<hbm>>) dst(%dma_wait3A_432 : memref<128x32xf32, #tpu.memory_space<vmem>>)
      %dma_wait3A_436 = arith.constant 1 : i32
      %dma_wait3A_437 = arith.constant 128 : i32
      %dma_wait3A_438 = tpu.memref_slice %arg8[%dma_wait3A_437] : memref<384xi32, #tpu.memory_space<vmem>> -> memref<128xi32, #tpu.memory_space<vmem>>
      %dma_wait3A_439 = arith.constant 0 : i32
      %dma_wait3A_440 = tpu.memref_slice %arg3[%dma_wait3A_439] : memref<1600000xi32, #tpu.memory_space<hbm>> -> memref<128xi32, #tpu.memory_space<hbm>>
      %dma_wait3A_441 = tpu.memref_slice %arg13[%dma_wait3A_436] : memref<3x!tpu.dma_semaphore, #tpu.memory_space<semaphore_mem>> -> memref<1x!tpu.dma_semaphore, #tpu.memory_space<semaphore_mem>>
      %dma_wait3A_442 = tpu.memref_squeeze %dma_wait3A_441 : memref<1x!tpu.dma_semaphore, #tpu.memory_space<semaphore_mem>> -> memref<!tpu.dma_semaphore, #tpu.memory_space<semaphore_mem>>
      %dma_wait3A_443 = arith.constant 128 : i32
      %dma_wait3A_444 = tpu.memref_slice %arg8[%dma_wait3A_443] : memref<384xi32, #tpu.memory_space<vmem>> -> memref<128xi32, #tpu.memory_space<vmem>>
      %dma_wait3A_445 = arith.constant 0 : i32
      %dma_wait3A_446 = tpu.memref_slice %arg3[%dma_wait3A_445] : memref<1600000xi32, #tpu.memory_space<hbm>> -> memref<128xi32, #tpu.memory_space<hbm>>
      tpu.wait_dma2 semaphore(%dma_wait3A_442 : memref<!tpu.dma_semaphore, #tpu.memory_space<semaphore_mem>>) src(%dma_wait3A_446 : memref<128xi32, #tpu.memory_space<hbm>>) dst(%dma_wait3A_444 : memref<128xi32, #tpu.memory_space<vmem>>)
      %max3A_447 = arith.maxsi %squeeze3A, %add3A_417 : i32
      %add3A_448 = arith.constant 0 : i32
      %add3A_449 = arith.addi %multiple_of3A_420, %add3A_448 : i32
      %add3A_450 = vector.broadcast %add3A_449 : i32 to vector<16xi32>
      %add3A_451 = arith.addi %iota3A, %add3A_450 : vector<16xi32>
      %get3A_452 = arith.constant 128 : index
      %get3A_453 = tpu.vector_load %arg8[%get3A_452] {strides = array<i32>} : memref<384xi32, #tpu.memory_space<vmem>>, vector<16xi32>,
      %get3A_454 = vector.shape_cast %get3A_453 : vector<16xi32> to vector<16xi32>
      %ge3A_455 = vector.broadcast %max3A_447 : i32 to vector<16xi32>
      %ge3A_456 = arith.cmpi sge, %add3A_451, %ge3A_455 : vector<16xi32>
      %lt3A_457 = vector.broadcast %squeeze3A_6 : i32 to vector<16xi32>
      %lt3A_458 = arith.cmpi slt, %add3A_451, %lt3A_457 : vector<16xi32>
      %and3A_459 = arith.andi %ge3A_456, %lt3A_458 : vector<16xi1>
      %sub3A_460 = vector.broadcast %mul3A_14 : i32 to vector<16xi32>
      %sub3A_461 = arith.subi %get3A_454, %sub3A_460 : vector<16xi32>
      %select_n3A_462 = arith.select %and3A_459, %sub3A_461, %add3A_19 : vector<16xi1>, vector<16xi32>
      %swap3A_463 = arith.constant 128 : index
      %swap3A_464 = tpu.vector_load %arg9[%swap3A_463] {strides = array<i32>} : memref<384xi32, #tpu.memory_space<vmem>>, vector<16xi32>,
      %swap3A_465 = vector.shape_cast %swap3A_464 : vector<16xi32> to vector<16xi32>
      %swap3A_466 = vector.shape_cast %select_n3A_462 : vector<16xi32> to vector<16xi32>
      tpu.vector_store %arg9[%swap3A_463], %swap3A_466 {strides = array<i32>} : memref<384xi32, #tpu.memory_space<vmem>>, vector<16xi32>,
      %add3A_467 = arith.constant 16 : i32
      %add3A_468 = arith.addi %multiple_of3A_420, %add3A_467 : i32
      %add3A_469 = vector.broadcast %add3A_468 : i32 to vector<16xi32>
      %add3A_470 = arith.addi %iota3A, %add3A_469 : vector<16xi32>
      %get3A_471 = arith.constant 144 : index
      %get3A_472 = tpu.vector_load %arg8[%get3A_471] {strides = array<i32>} : memref<384xi32, #tpu.memory_space<vmem>>, vector<16xi32>,
      %get3A_473 = vector.shape_cast %get3A_472 : vector<16xi32> to vector<16xi32>
      %ge3A_474 = vector.broadcast %max3A_447 : i32 to vector<16xi32>
      %ge3A_475 = arith.cmpi sge, %add3A_470, %ge3A_474 : vector<16xi32>
      %lt3A_476 = vector.broadcast %squeeze3A_6 : i32 to vector<16xi32>
      %lt3A_477 = arith.cmpi slt, %add3A_470, %lt3A_476 : vector<16xi32>
      %and3A_478 = arith.andi %ge3A_475, %lt3A_477 : vector<16xi1>
      %sub3A_479 = vector.broadcast %mul3A_14 : i32 to vector<16xi32>
      %sub3A_480 = arith.subi %get3A_473, %sub3A_479 : vector<16xi32>
      %select_n3A_481 = arith.select %and3A_478, %sub3A_480, %add3A_19 : vector<16xi1>, vector<16xi32>
      %swap3A_482 = arith.constant 144 : index
      %swap3A_483 = tpu.vector_load %arg9[%swap3A_482] {strides = array<i32>} : memref<384xi32, #tpu.memory_space<vmem>>, vector<16xi32>,
      %swap3A_484 = vector.shape_cast %swap3A_483 : vector<16xi32> to vector<16xi32>
      %swap3A_485 = vector.shape_cast %select_n3A_481 : vector<16xi32> to vector<16xi32>
      tpu.vector_store %arg9[%swap3A_482], %swap3A_485 {strides = array<i32>} : memref<384xi32, #tpu.memory_space<vmem>>, vector<16xi32>,
      %add3A_486 = arith.constant 32 : i32
      %add3A_487 = arith.addi %multiple_of3A_420, %add3A_486 : i32
      %add3A_488 = vector.broadcast %add3A_487 : i32 to vector<16xi32>
      %add3A_489 = arith.addi %iota3A, %add3A_488 : vector<16xi32>
      %get3A_490 = arith.constant 160 : index
      %get3A_491 = tpu.vector_load %arg8[%get3A_490] {strides = array<i32>} : memref<384xi32, #tpu.memory_space<vmem>>, vector<16xi32>,
      %get3A_492 = vector.shape_cast %get3A_491 : vector<16xi32> to vector<16xi32>
      %ge3A_493 = vector.broadcast %max3A_447 : i32 to vector<16xi32>
      %ge3A_494 = arith.cmpi sge, %add3A_489, %ge3A_493 : vector<16xi32>
      %lt3A_495 = vector.broadcast %squeeze3A_6 : i32 to vector<16xi32>
      %lt3A_496 = arith.cmpi slt, %add3A_489, %lt3A_495 : vector<16xi32>
      %and3A_497 = arith.andi %ge3A_494, %lt3A_496 : vector<16xi1>
      %sub3A_498 = vector.broadcast %mul3A_14 : i32 to vector<16xi32>
      %sub3A_499 = arith.subi %get3A_492, %sub3A_498 : vector<16xi32>
      %select_n3A_500 = arith.select %and3A_497, %sub3A_499, %add3A_19 : vector<16xi1>, vector<16xi32>
      %swap3A_501 = arith.constant 160 : index
      %swap3A_502 = tpu.vector_load %arg9[%swap3A_501] {strides = array<i32>} : memref<384xi32, #tpu.memory_space<vmem>>, vector<16xi32>,
      %swap3A_503 = vector.shape_cast %swap3A_502 : vector<16xi32> to vector<16xi32>
      %swap3A_504 = vector.shape_cast %select_n3A_500 : vector<16xi32> to vector<16xi32>
      tpu.vector_store %arg9[%swap3A_501], %swap3A_504 {strides = array<i32>} : memref<384xi32, #tpu.memory_space<vmem>>, vector<16xi32>,
      %add3A_505 = arith.constant 48 : i32
      %add3A_506 = arith.addi %multiple_of3A_420, %add3A_505 : i32
      %add3A_507 = vector.broadcast %add3A_506 : i32 to vector<16xi32>
      %add3A_508 = arith.addi %iota3A, %add3A_507 : vector<16xi32>
      %get3A_509 = arith.constant 176 : index
      %get3A_510 = tpu.vector_load %arg8[%get3A_509] {strides = array<i32>} : memref<384xi32, #tpu.memory_space<vmem>>, vector<16xi32>,
      %get3A_511 = vector.shape_cast %get3A_510 : vector<16xi32> to vector<16xi32>
      %ge3A_512 = vector.broadcast %max3A_447 : i32 to vector<16xi32>
      %ge3A_513 = arith.cmpi sge, %add3A_508, %ge3A_512 : vector<16xi32>
      %lt3A_514 = vector.broadcast %squeeze3A_6 : i32 to vector<16xi32>
      %lt3A_515 = arith.cmpi slt, %add3A_508, %lt3A_514 : vector<16xi32>
      %and3A_516 = arith.andi %ge3A_513, %lt3A_515 : vector<16xi1>
      %sub3A_517 = vector.broadcast %mul3A_14 : i32 to vector<16xi32>
      %sub3A_518 = arith.subi %get3A_511, %sub3A_517 : vector<16xi32>
      %select_n3A_519 = arith.select %and3A_516, %sub3A_518, %add3A_19 : vector<16xi1>, vector<16xi32>
      %swap3A_520 = arith.constant 176 : index
      %swap3A_521 = tpu.vector_load %arg9[%swap3A_520] {strides = array<i32>} : memref<384xi32, #tpu.memory_space<vmem>>, vector<16xi32>,
      %swap3A_522 = vector.shape_cast %swap3A_521 : vector<16xi32> to vector<16xi32>
      %swap3A_523 = vector.shape_cast %select_n3A_519 : vector<16xi32> to vector<16xi32>
      tpu.vector_store %arg9[%swap3A_520], %swap3A_523 {strides = array<i32>} : memref<384xi32, #tpu.memory_space<vmem>>, vector<16xi32>,
      %add3A_524 = arith.constant 64 : i32
      %add3A_525 = arith.addi %multiple_of3A_420, %add3A_524 : i32
      %add3A_526 = vector.broadcast %add3A_525 : i32 to vector<16xi32>
      %add3A_527 = arith.addi %iota3A, %add3A_526 : vector<16xi32>
      %get3A_528 = arith.constant 192 : index
      %get3A_529 = tpu.vector_load %arg8[%get3A_528] {strides = array<i32>} : memref<384xi32, #tpu.memory_space<vmem>>, vector<16xi32>,
      %get3A_530 = vector.shape_cast %get3A_529 : vector<16xi32> to vector<16xi32>
      %ge3A_531 = vector.broadcast %max3A_447 : i32 to vector<16xi32>
      %ge3A_532 = arith.cmpi sge, %add3A_527, %ge3A_531 : vector<16xi32>
      %lt3A_533 = vector.broadcast %squeeze3A_6 : i32 to vector<16xi32>
      %lt3A_534 = arith.cmpi slt, %add3A_527, %lt3A_533 : vector<16xi32>
      %and3A_535 = arith.andi %ge3A_532, %lt3A_534 : vector<16xi1>
      %sub3A_536 = vector.broadcast %mul3A_14 : i32 to vector<16xi32>
      %sub3A_537 = arith.subi %get3A_530, %sub3A_536 : vector<16xi32>
      %select_n3A_538 = arith.select %and3A_535, %sub3A_537, %add3A_19 : vector<16xi1>, vector<16xi32>
      %swap3A_539 = arith.constant 192 : index
      %swap3A_540 = tpu.vector_load %arg9[%swap3A_539] {strides = array<i32>} : memref<384xi32, #tpu.memory_space<vmem>>, vector<16xi32>,
      %swap3A_541 = vector.shape_cast %swap3A_540 : vector<16xi32> to vector<16xi32>
      %swap3A_542 = vector.shape_cast %select_n3A_538 : vector<16xi32> to vector<16xi32>
      tpu.vector_store %arg9[%swap3A_539], %swap3A_542 {strides = array<i32>} : memref<384xi32, #tpu.memory_space<vmem>>, vector<16xi32>,
      %add3A_543 = arith.constant 80 : i32
      %add3A_544 = arith.addi %multiple_of3A_420, %add3A_543 : i32
      %add3A_545 = vector.broadcast %add3A_544 : i32 to vector<16xi32>
      %add3A_546 = arith.addi %iota3A, %add3A_545 : vector<16xi32>
      %get3A_547 = arith.constant 208 : index
      %get3A_548 = tpu.vector_load %arg8[%get3A_547] {strides = array<i32>} : memref<384xi32, #tpu.memory_space<vmem>>, vector<16xi32>,
      %get3A_549 = vector.shape_cast %get3A_548 : vector<16xi32> to vector<16xi32>
      %ge3A_550 = vector.broadcast %max3A_447 : i32 to vector<16xi32>
      %ge3A_551 = arith.cmpi sge, %add3A_546, %ge3A_550 : vector<16xi32>
      %lt3A_552 = vector.broadcast %squeeze3A_6 : i32 to vector<16xi32>
      %lt3A_553 = arith.cmpi slt, %add3A_546, %lt3A_552 : vector<16xi32>
      %and3A_554 = arith.andi %ge3A_551, %lt3A_553 : vector<16xi1>
      %sub3A_555 = vector.broadcast %mul3A_14 : i32 to vector<16xi32>
      %sub3A_556 = arith.subi %get3A_549, %sub3A_555 : vector<16xi32>
      %select_n3A_557 = arith.select %and3A_554, %sub3A_556, %add3A_19 : vector<16xi1>, vector<16xi32>
      %swap3A_558 = arith.constant 208 : index
      %swap3A_559 = tpu.vector_load %arg9[%swap3A_558] {strides = array<i32>} : memref<384xi32, #tpu.memory_space<vmem>>, vector<16xi32>,
      %swap3A_560 = vector.shape_cast %swap3A_559 : vector<16xi32> to vector<16xi32>
      %swap3A_561 = vector.shape_cast %select_n3A_557 : vector<16xi32> to vector<16xi32>
      tpu.vector_store %arg9[%swap3A_558], %swap3A_561 {strides = array<i32>} : memref<384xi32, #tpu.memory_space<vmem>>, vector<16xi32>,
      %add3A_562 = arith.constant 96 : i32
      %add3A_563 = arith.addi %multiple_of3A_420, %add3A_562 : i32
      %add3A_564 = vector.broadcast %add3A_563 : i32 to vector<16xi32>
      %add3A_565 = arith.addi %iota3A, %add3A_564 : vector<16xi32>
      %get3A_566 = arith.constant 224 : index
      %get3A_567 = tpu.vector_load %arg8[%get3A_566] {strides = array<i32>} : memref<384xi32, #tpu.memory_space<vmem>>, vector<16xi32>,
      %get3A_568 = vector.shape_cast %get3A_567 : vector<16xi32> to vector<16xi32>
      %ge3A_569 = vector.broadcast %max3A_447 : i32 to vector<16xi32>
      %ge3A_570 = arith.cmpi sge, %add3A_565, %ge3A_569 : vector<16xi32>
      %lt3A_571 = vector.broadcast %squeeze3A_6 : i32 to vector<16xi32>
      %lt3A_572 = arith.cmpi slt, %add3A_565, %lt3A_571 : vector<16xi32>
      %and3A_573 = arith.andi %ge3A_570, %lt3A_572 : vector<16xi1>
      %sub3A_574 = vector.broadcast %mul3A_14 : i32 to vector<16xi32>
      %sub3A_575 = arith.subi %get3A_568, %sub3A_574 : vector<16xi32>
      %select_n3A_576 = arith.select %and3A_573, %sub3A_575, %add3A_19 : vector<16xi1>, vector<16xi32>
      %swap3A_577 = arith.constant 224 : index
      %swap3A_578 = tpu.vector_load %arg9[%swap3A_577] {strides = array<i32>} : memref<384xi32, #tpu.memory_space<vmem>>, vector<16xi32>,
      %swap3A_579 = vector.shape_cast %swap3A_578 : vector<16xi32> to vector<16xi32>
      %swap3A_580 = vector.shape_cast %select_n3A_576 : vector<16xi32> to vector<16xi32>
      tpu.vector_store %arg9[%swap3A_577], %swap3A_580 {strides = array<i32>} : memref<384xi32, #tpu.memory_space<vmem>>, vector<16xi32>,
      %add3A_581 = arith.constant 112 : i32
      %add3A_582 = arith.addi %multiple_of3A_420, %add3A_581 : i32
      %add3A_583 = vector.broadcast %add3A_582 : i32 to vector<16xi32>
      %add3A_584 = arith.addi %iota3A, %add3A_583 : vector<16xi32>
      %get3A_585 = arith.constant 240 : index
      %get3A_586 = tpu.vector_load %arg8[%get3A_585] {strides = array<i32>} : memref<384xi32, #tpu.memory_space<vmem>>, vector<16xi32>,
      %get3A_587 = vector.shape_cast %get3A_586 : vector<16xi32> to vector<16xi32>
      %ge3A_588 = vector.broadcast %max3A_447 : i32 to vector<16xi32>
      %ge3A_589 = arith.cmpi sge, %add3A_584, %ge3A_588 : vector<16xi32>
      %lt3A_590 = vector.broadcast %squeeze3A_6 : i32 to vector<16xi32>
      %lt3A_591 = arith.cmpi slt, %add3A_584, %lt3A_590 : vector<16xi32>
      %and3A_592 = arith.andi %ge3A_589, %lt3A_591 : vector<16xi1>
      %sub3A_593 = vector.broadcast %mul3A_14 : i32 to vector<16xi32>
      %sub3A_594 = arith.subi %get3A_587, %sub3A_593 : vector<16xi32>
      %select_n3A_595 = arith.select %and3A_592, %sub3A_594, %add3A_19 : vector<16xi1>, vector<16xi32>
      %swap3A_596 = arith.constant 240 : index
      %swap3A_597 = tpu.vector_load %arg9[%swap3A_596] {strides = array<i32>} : memref<384xi32, #tpu.memory_space<vmem>>, vector<16xi32>,
      %swap3A_598 = vector.shape_cast %swap3A_597 : vector<16xi32> to vector<16xi32>
      %swap3A_599 = vector.shape_cast %select_n3A_595 : vector<16xi32> to vector<16xi32>
      tpu.vector_store %arg9[%swap3A_596], %swap3A_599 {strides = array<i32>} : memref<384xi32, #tpu.memory_space<vmem>>, vector<16xi32>,
      "tpu.region"() ({
        %run_scoped3A = tpu.sem_alloc : memref<!tpu.dma_semaphore, #tpu.memory_space<semaphore_mem>>
        %dma_start3A_849 = arith.constant 128 : i32
        %dma_start3A_850 = arith.constant 0 : i32
        %dma_start3A_851 = tpu.memref_slice %arg7[%dma_start3A_849, %dma_start3A_850] : memref<384x32xf32, #tpu.memory_space<vmem>> -> memref<128x32xf32, #tpu.memory_space<vmem>>
        %dma_start3A_852 = arith.constant 128 : i32
        %dma_start3A_853 = tpu.memref_slice %arg9[%dma_start3A_852] : memref<384xi32, #tpu.memory_space<vmem>> -> memref<128xi32, #tpu.memory_space<vmem>>
        %dma_start3A_854 = arith.constant 0 : i32
        %dma_start3A_855 = arith.constant 0 : i32
        %dma_start3A_856 = tpu.memref_slice %arg11[%dma_start3A_854, %dma_start3A_855] : memref<50048x32xf32, #tpu.memory_space<vmem_shared>> -> memref<50048x32xf32, #tpu.memory_space<vmem_shared>>
        tpu.enqueue_indirect_dma source(%dma_start3A_851 : memref<128x32xf32, #tpu.memory_space<vmem>>) target(%dma_start3A_856 : memref<50048x32xf32, #tpu.memory_space<vmem_shared>>) offsets(%dma_start3A_853 : memref<128xi32, #tpu.memory_space<vmem>>) semaphore(%run_scoped3A : memref<!tpu.dma_semaphore, #tpu.memory_space<semaphore_mem>>) {add = true}
        %dma_wait3A_857 = arith.constant 128 : i32
        %dma_wait3A_858 = arith.constant 0 : i32
        %dma_wait3A_859 = tpu.memref_slice %arg7[%dma_wait3A_857, %dma_wait3A_858] : memref<384x32xf32, #tpu.memory_space<vmem>> -> memref<128x32xf32, #tpu.memory_space<vmem>>
        %dma_wait3A_860 = arith.constant 128 : i32
        %dma_wait3A_861 = tpu.memref_slice %arg9[%dma_wait3A_860] : memref<384xi32, #tpu.memory_space<vmem>> -> memref<128xi32, #tpu.memory_space<vmem>>
        %dma_wait3A_862 = arith.constant 0 : i32
        %dma_wait3A_863 = arith.constant 0 : i32
        %dma_wait3A_864 = tpu.memref_slice %arg11[%dma_wait3A_862, %dma_wait3A_863] : memref<50048x32xf32, #tpu.memory_space<vmem_shared>> -> memref<50048x32xf32, #tpu.memory_space<vmem_shared>>
        tpu.wait_indirect_dma semaphore(%run_scoped3A : memref<!tpu.dma_semaphore, #tpu.memory_space<semaphore_mem>>) src(%dma_wait3A_859 : memref<128x32xf32, #tpu.memory_space<vmem>>) dst(%dma_wait3A_864 : memref<50048x32xf32, #tpu.memory_space<vmem_shared>>)
        tpu.yield
      }) : () -> ()
      %add3A_600 = arith.constant 3 : i32
      %add3A_601 = arith.addi %add3A_414, %add3A_600 : i32
      %mul3A_602 = arith.constant 128 : i32
      %mul3A_603 = arith.muli %add3A_601, %mul3A_602 : i32
      %add3A_604 = arith.addi %squeeze3A_8, %mul3A_603 : i32
      %min3A_605 = arith.constant 1599872 : i32
      %min3A_606 = arith.minsi %add3A_604, %min3A_605 : i32
      %multiple_of3A_607 = tpu.assume_multiple %min3A_606, 8 : i32
      %dma_start3A_608 = arith.constant 1 : i32
      %dma_start3A_609 = arith.constant 128 : i32
      %dma_start3A_610 = arith.constant 0 : i32
      %dma_start3A_611 = tpu.memref_slice %arg7[%dma_start3A_609, %dma_start3A_610] : memref<384x32xf32, #tpu.memory_space<vmem>> -> memref<128x32xf32, #tpu.memory_space<vmem>>
      %dma_start3A_612 = arith.constant 0 : i32
      %dma_start3A_613 = tpu.memref_slice %arg2[%multiple_of3A_607, %dma_start3A_612] : memref<1600000x32xf32, #tpu.memory_space<hbm>> -> memref<128x32xf32, #tpu.memory_space<hbm>>
      %dma_start3A_614 = tpu.memref_slice %arg12[%dma_start3A_608] : memref<3x!tpu.dma_semaphore, #tpu.memory_space<semaphore_mem>> -> memref<1x!tpu.dma_semaphore, #tpu.memory_space<semaphore_mem>>
      %dma_start3A_615 = tpu.memref_squeeze %dma_start3A_614 : memref<1x!tpu.dma_semaphore, #tpu.memory_space<semaphore_mem>> -> memref<!tpu.dma_semaphore, #tpu.memory_space<semaphore_mem>>
      %dma_start3A_616 = arith.constant 128 : i32
      %dma_start3A_617 = arith.constant 0 : i32
      %dma_start3A_618 = tpu.memref_slice %arg7[%dma_start3A_616, %dma_start3A_617] : memref<384x32xf32, #tpu.memory_space<vmem>> -> memref<128x32xf32, #tpu.memory_space<vmem>>
      %dma_start3A_619 = arith.constant 0 : i32
      %dma_start3A_620 = tpu.memref_slice %arg2[%multiple_of3A_607, %dma_start3A_619] : memref<1600000x32xf32, #tpu.memory_space<hbm>> -> memref<128x32xf32, #tpu.memory_space<hbm>>
      tpu.enqueue_dma source(%dma_start3A_620 : memref<128x32xf32, #tpu.memory_space<hbm>>) target(%dma_start3A_618 : memref<128x32xf32, #tpu.memory_space<vmem>>) target_semaphore(%dma_start3A_615 : memref<!tpu.dma_semaphore, #tpu.memory_space<semaphore_mem>>)
      %dma_start3A_621 = arith.constant 1 : i32
      %dma_start3A_622 = arith.constant 128 : i32
      %dma_start3A_623 = tpu.memref_slice %arg8[%dma_start3A_622] : memref<384xi32, #tpu.memory_space<vmem>> -> memref<128xi32, #tpu.memory_space<vmem>>
      %dma_start3A_624 = tpu.memref_slice %arg3[%multiple_of3A_607] : memref<1600000xi32, #tpu.memory_space<hbm>> -> memref<128xi32, #tpu.memory_space<hbm>>
      %dma_start3A_625 = tpu.memref_slice %arg13[%dma_start3A_621] : memref<3x!tpu.dma_semaphore, #tpu.memory_space<semaphore_mem>> -> memref<1x!tpu.dma_semaphore, #tpu.memory_space<semaphore_mem>>
      %dma_start3A_626 = tpu.memref_squeeze %dma_start3A_625 : memref<1x!tpu.dma_semaphore, #tpu.memory_space<semaphore_mem>> -> memref<!tpu.dma_semaphore, #tpu.memory_space<semaphore_mem>>
      %dma_start3A_627 = arith.constant 128 : i32
      %dma_start3A_628 = tpu.memref_slice %arg8[%dma_start3A_627] : memref<384xi32, #tpu.memory_space<vmem>> -> memref<128xi32, #tpu.memory_space<vmem>>
      %dma_start3A_629 = tpu.memref_slice %arg3[%multiple_of3A_607] : memref<1600000xi32, #tpu.memory_space<hbm>> -> memref<128xi32, #tpu.memory_space<hbm>>
      tpu.enqueue_dma source(%dma_start3A_629 : memref<128xi32, #tpu.memory_space<hbm>>) target(%dma_start3A_628 : memref<128xi32, #tpu.memory_space<vmem>>) target_semaphore(%dma_start3A_626 : memref<!tpu.dma_semaphore, #tpu.memory_space<semaphore_mem>>)
      %mul3A_630 = arith.constant 3 : i32
      %mul3A_631 = arith.muli %while3A_196, %mul3A_630 : i32
      %add3A_632 = arith.constant 2 : i32
      %add3A_633 = arith.addi %mul3A_631, %add3A_632 : i32
      %mul3A_634 = arith.constant 128 : i32
      %mul3A_635 = arith.muli %add3A_633, %mul3A_634 : i32
      %add3A_636 = arith.addi %squeeze3A_8, %mul3A_635 : i32
      %min3A_637 = arith.constant 1599872 : i32
      %min3A_638 = arith.minsi %add3A_636, %min3A_637 : i32
      %multiple_of3A_639 = tpu.assume_multiple %min3A_638, 8 : i32
      %dma_wait3A_640 = arith.constant 2 : i32
      %dma_wait3A_641 = arith.constant 256 : i32
      %dma_wait3A_642 = arith.constant 0 : i32
      %dma_wait3A_643 = tpu.memref_slice %arg7[%dma_wait3A_641, %dma_wait3A_642] : memref<384x32xf32, #tpu.memory_space<vmem>> -> memref<128x32xf32, #tpu.memory_space<vmem>>
      %dma_wait3A_644 = arith.constant 0 : i32
      %dma_wait3A_645 = arith.constant 0 : i32
      %dma_wait3A_646 = tpu.memref_slice %arg2[%dma_wait3A_644, %dma_wait3A_645] : memref<1600000x32xf32, #tpu.memory_space<hbm>> -> memref<128x32xf32, #tpu.memory_space<hbm>>
      %dma_wait3A_647 = tpu.memref_slice %arg12[%dma_wait3A_640] : memref<3x!tpu.dma_semaphore, #tpu.memory_space<semaphore_mem>> -> memref<1x!tpu.dma_semaphore, #tpu.memory_space<semaphore_mem>>
      %dma_wait3A_648 = tpu.memref_squeeze %dma_wait3A_647 : memref<1x!tpu.dma_semaphore, #tpu.memory_space<semaphore_mem>> -> memref<!tpu.dma_semaphore, #tpu.memory_space<semaphore_mem>>
      %dma_wait3A_649 = arith.constant 256 : i32
      %dma_wait3A_650 = arith.constant 0 : i32
      %dma_wait3A_651 = tpu.memref_slice %arg7[%dma_wait3A_649, %dma_wait3A_650] : memref<384x32xf32, #tpu.memory_space<vmem>> -> memref<128x32xf32, #tpu.memory_space<vmem>>
      %dma_wait3A_652 = arith.constant 0 : i32
      %dma_wait3A_653 = arith.constant 0 : i32
      %dma_wait3A_654 = tpu.memref_slice %arg2[%dma_wait3A_652, %dma_wait3A_653] : memref<1600000x32xf32, #tpu.memory_space<hbm>> -> memref<128x32xf32, #tpu.memory_space<hbm>>
      tpu.wait_dma2 semaphore(%dma_wait3A_648 : memref<!tpu.dma_semaphore, #tpu.memory_space<semaphore_mem>>) src(%dma_wait3A_654 : memref<128x32xf32, #tpu.memory_space<hbm>>) dst(%dma_wait3A_651 : memref<128x32xf32, #tpu.memory_space<vmem>>)
      %dma_wait3A_655 = arith.constant 2 : i32
      %dma_wait3A_656 = arith.constant 256 : i32
      %dma_wait3A_657 = tpu.memref_slice %arg8[%dma_wait3A_656] : memref<384xi32, #tpu.memory_space<vmem>> -> memref<128xi32, #tpu.memory_space<vmem>>
      %dma_wait3A_658 = arith.constant 0 : i32
      %dma_wait3A_659 = tpu.memref_slice %arg3[%dma_wait3A_658] : memref<1600000xi32, #tpu.memory_space<hbm>> -> memref<128xi32, #tpu.memory_space<hbm>>
      %dma_wait3A_660 = tpu.memref_slice %arg13[%dma_wait3A_655] : memref<3x!tpu.dma_semaphore, #tpu.memory_space<semaphore_mem>> -> memref<1x!tpu.dma_semaphore, #tpu.memory_space<semaphore_mem>>
      %dma_wait3A_661 = tpu.memref_squeeze %dma_wait3A_660 : memref<1x!tpu.dma_semaphore, #tpu.memory_space<semaphore_mem>> -> memref<!tpu.dma_semaphore, #tpu.memory_space<semaphore_mem>>
      %dma_wait3A_662 = arith.constant 256 : i32
      %dma_wait3A_663 = tpu.memref_slice %arg8[%dma_wait3A_662] : memref<384xi32, #tpu.memory_space<vmem>> -> memref<128xi32, #tpu.memory_space<vmem>>
      %dma_wait3A_664 = arith.constant 0 : i32
      %dma_wait3A_665 = tpu.memref_slice %arg3[%dma_wait3A_664] : memref<1600000xi32, #tpu.memory_space<hbm>> -> memref<128xi32, #tpu.memory_space<hbm>>
      tpu.wait_dma2 semaphore(%dma_wait3A_661 : memref<!tpu.dma_semaphore, #tpu.memory_space<semaphore_mem>>) src(%dma_wait3A_665 : memref<128xi32, #tpu.memory_space<hbm>>) dst(%dma_wait3A_663 : memref<128xi32, #tpu.memory_space<vmem>>)
      %max3A_666 = arith.maxsi %squeeze3A, %add3A_636 : i32
      %add3A_667 = arith.constant 0 : i32
      %add3A_668 = arith.addi %multiple_of3A_639, %add3A_667 : i32
      %add3A_669 = vector.broadcast %add3A_668 : i32 to vector<16xi32>
      %add3A_670 = arith.addi %iota3A, %add3A_669 : vector<16xi32>
      %get3A_671 = arith.constant 256 : index
      %get3A_672 = tpu.vector_load %arg8[%get3A_671] {strides = array<i32>} : memref<384xi32, #tpu.memory_space<vmem>>, vector<16xi32>,
      %get3A_673 = vector.shape_cast %get3A_672 : vector<16xi32> to vector<16xi32>
      %ge3A_674 = vector.broadcast %max3A_666 : i32 to vector<16xi32>
      %ge3A_675 = arith.cmpi sge, %add3A_670, %ge3A_674 : vector<16xi32>
      %lt3A_676 = vector.broadcast %squeeze3A_6 : i32 to vector<16xi32>
      %lt3A_677 = arith.cmpi slt, %add3A_670, %lt3A_676 : vector<16xi32>
      %and3A_678 = arith.andi %ge3A_675, %lt3A_677 : vector<16xi1>
      %sub3A_679 = vector.broadcast %mul3A_14 : i32 to vector<16xi32>
      %sub3A_680 = arith.subi %get3A_673, %sub3A_679 : vector<16xi32>
      %select_n3A_681 = arith.select %and3A_678, %sub3A_680, %add3A_19 : vector<16xi1>, vector<16xi32>
      %swap3A_682 = arith.constant 256 : index
      %swap3A_683 = tpu.vector_load %arg9[%swap3A_682] {strides = array<i32>} : memref<384xi32, #tpu.memory_space<vmem>>, vector<16xi32>,
      %swap3A_684 = vector.shape_cast %swap3A_683 : vector<16xi32> to vector<16xi32>
      %swap3A_685 = vector.shape_cast %select_n3A_681 : vector<16xi32> to vector<16xi32>
      tpu.vector_store %arg9[%swap3A_682], %swap3A_685 {strides = array<i32>} : memref<384xi32, #tpu.memory_space<vmem>>, vector<16xi32>,
      %add3A_686 = arith.constant 16 : i32
      %add3A_687 = arith.addi %multiple_of3A_639, %add3A_686 : i32
      %add3A_688 = vector.broadcast %add3A_687 : i32 to vector<16xi32>
      %add3A_689 = arith.addi %iota3A, %add3A_688 : vector<16xi32>
      %get3A_690 = arith.constant 272 : index
      %get3A_691 = tpu.vector_load %arg8[%get3A_690] {strides = array<i32>} : memref<384xi32, #tpu.memory_space<vmem>>, vector<16xi32>,
      %get3A_692 = vector.shape_cast %get3A_691 : vector<16xi32> to vector<16xi32>
      %ge3A_693 = vector.broadcast %max3A_666 : i32 to vector<16xi32>
      %ge3A_694 = arith.cmpi sge, %add3A_689, %ge3A_693 : vector<16xi32>
      %lt3A_695 = vector.broadcast %squeeze3A_6 : i32 to vector<16xi32>
      %lt3A_696 = arith.cmpi slt, %add3A_689, %lt3A_695 : vector<16xi32>
      %and3A_697 = arith.andi %ge3A_694, %lt3A_696 : vector<16xi1>
      %sub3A_698 = vector.broadcast %mul3A_14 : i32 to vector<16xi32>
      %sub3A_699 = arith.subi %get3A_692, %sub3A_698 : vector<16xi32>
      %select_n3A_700 = arith.select %and3A_697, %sub3A_699, %add3A_19 : vector<16xi1>, vector<16xi32>
      %swap3A_701 = arith.constant 272 : index
      %swap3A_702 = tpu.vector_load %arg9[%swap3A_701] {strides = array<i32>} : memref<384xi32, #tpu.memory_space<vmem>>, vector<16xi32>,
      %swap3A_703 = vector.shape_cast %swap3A_702 : vector<16xi32> to vector<16xi32>
      %swap3A_704 = vector.shape_cast %select_n3A_700 : vector<16xi32> to vector<16xi32>
      tpu.vector_store %arg9[%swap3A_701], %swap3A_704 {strides = array<i32>} : memref<384xi32, #tpu.memory_space<vmem>>, vector<16xi32>,
      %add3A_705 = arith.constant 32 : i32
      %add3A_706 = arith.addi %multiple_of3A_639, %add3A_705 : i32
      %add3A_707 = vector.broadcast %add3A_706 : i32 to vector<16xi32>
      %add3A_708 = arith.addi %iota3A, %add3A_707 : vector<16xi32>
      %get3A_709 = arith.constant 288 : index
      %get3A_710 = tpu.vector_load %arg8[%get3A_709] {strides = array<i32>} : memref<384xi32, #tpu.memory_space<vmem>>, vector<16xi32>,
      %get3A_711 = vector.shape_cast %get3A_710 : vector<16xi32> to vector<16xi32>
      %ge3A_712 = vector.broadcast %max3A_666 : i32 to vector<16xi32>
      %ge3A_713 = arith.cmpi sge, %add3A_708, %ge3A_712 : vector<16xi32>
      %lt3A_714 = vector.broadcast %squeeze3A_6 : i32 to vector<16xi32>
      %lt3A_715 = arith.cmpi slt, %add3A_708, %lt3A_714 : vector<16xi32>
      %and3A_716 = arith.andi %ge3A_713, %lt3A_715 : vector<16xi1>
      %sub3A_717 = vector.broadcast %mul3A_14 : i32 to vector<16xi32>
      %sub3A_718 = arith.subi %get3A_711, %sub3A_717 : vector<16xi32>
      %select_n3A_719 = arith.select %and3A_716, %sub3A_718, %add3A_19 : vector<16xi1>, vector<16xi32>
      %swap3A_720 = arith.constant 288 : index
      %swap3A_721 = tpu.vector_load %arg9[%swap3A_720] {strides = array<i32>} : memref<384xi32, #tpu.memory_space<vmem>>, vector<16xi32>,
      %swap3A_722 = vector.shape_cast %swap3A_721 : vector<16xi32> to vector<16xi32>
      %swap3A_723 = vector.shape_cast %select_n3A_719 : vector<16xi32> to vector<16xi32>
      tpu.vector_store %arg9[%swap3A_720], %swap3A_723 {strides = array<i32>} : memref<384xi32, #tpu.memory_space<vmem>>, vector<16xi32>,
      %add3A_724 = arith.constant 48 : i32
      %add3A_725 = arith.addi %multiple_of3A_639, %add3A_724 : i32
      %add3A_726 = vector.broadcast %add3A_725 : i32 to vector<16xi32>
      %add3A_727 = arith.addi %iota3A, %add3A_726 : vector<16xi32>
      %get3A_728 = arith.constant 304 : index
      %get3A_729 = tpu.vector_load %arg8[%get3A_728] {strides = array<i32>} : memref<384xi32, #tpu.memory_space<vmem>>, vector<16xi32>,
      %get3A_730 = vector.shape_cast %get3A_729 : vector<16xi32> to vector<16xi32>
      %ge3A_731 = vector.broadcast %max3A_666 : i32 to vector<16xi32>
      %ge3A_732 = arith.cmpi sge, %add3A_727, %ge3A_731 : vector<16xi32>
      %lt3A_733 = vector.broadcast %squeeze3A_6 : i32 to vector<16xi32>
      %lt3A_734 = arith.cmpi slt, %add3A_727, %lt3A_733 : vector<16xi32>
      %and3A_735 = arith.andi %ge3A_732, %lt3A_734 : vector<16xi1>
      %sub3A_736 = vector.broadcast %mul3A_14 : i32 to vector<16xi32>
      %sub3A_737 = arith.subi %get3A_730, %sub3A_736 : vector<16xi32>
      %select_n3A_738 = arith.select %and3A_735, %sub3A_737, %add3A_19 : vector<16xi1>, vector<16xi32>
      %swap3A_739 = arith.constant 304 : index
      %swap3A_740 = tpu.vector_load %arg9[%swap3A_739] {strides = array<i32>} : memref<384xi32, #tpu.memory_space<vmem>>, vector<16xi32>,
      %swap3A_741 = vector.shape_cast %swap3A_740 : vector<16xi32> to vector<16xi32>
      %swap3A_742 = vector.shape_cast %select_n3A_738 : vector<16xi32> to vector<16xi32>
      tpu.vector_store %arg9[%swap3A_739], %swap3A_742 {strides = array<i32>} : memref<384xi32, #tpu.memory_space<vmem>>, vector<16xi32>,
      %add3A_743 = arith.constant 64 : i32
      %add3A_744 = arith.addi %multiple_of3A_639, %add3A_743 : i32
      %add3A_745 = vector.broadcast %add3A_744 : i32 to vector<16xi32>
      %add3A_746 = arith.addi %iota3A, %add3A_745 : vector<16xi32>
      %get3A_747 = arith.constant 320 : index
      %get3A_748 = tpu.vector_load %arg8[%get3A_747] {strides = array<i32>} : memref<384xi32, #tpu.memory_space<vmem>>, vector<16xi32>,
      %get3A_749 = vector.shape_cast %get3A_748 : vector<16xi32> to vector<16xi32>
      %ge3A_750 = vector.broadcast %max3A_666 : i32 to vector<16xi32>
      %ge3A_751 = arith.cmpi sge, %add3A_746, %ge3A_750 : vector<16xi32>
      %lt3A_752 = vector.broadcast %squeeze3A_6 : i32 to vector<16xi32>
      %lt3A_753 = arith.cmpi slt, %add3A_746, %lt3A_752 : vector<16xi32>
      %and3A_754 = arith.andi %ge3A_751, %lt3A_753 : vector<16xi1>
      %sub3A_755 = vector.broadcast %mul3A_14 : i32 to vector<16xi32>
      %sub3A_756 = arith.subi %get3A_749, %sub3A_755 : vector<16xi32>
      %select_n3A_757 = arith.select %and3A_754, %sub3A_756, %add3A_19 : vector<16xi1>, vector<16xi32>
      %swap3A_758 = arith.constant 320 : index
      %swap3A_759 = tpu.vector_load %arg9[%swap3A_758] {strides = array<i32>} : memref<384xi32, #tpu.memory_space<vmem>>, vector<16xi32>,
      %swap3A_760 = vector.shape_cast %swap3A_759 : vector<16xi32> to vector<16xi32>
      %swap3A_761 = vector.shape_cast %select_n3A_757 : vector<16xi32> to vector<16xi32>
      tpu.vector_store %arg9[%swap3A_758], %swap3A_761 {strides = array<i32>} : memref<384xi32, #tpu.memory_space<vmem>>, vector<16xi32>,
      %add3A_762 = arith.constant 80 : i32
      %add3A_763 = arith.addi %multiple_of3A_639, %add3A_762 : i32
      %add3A_764 = vector.broadcast %add3A_763 : i32 to vector<16xi32>
      %add3A_765 = arith.addi %iota3A, %add3A_764 : vector<16xi32>
      %get3A_766 = arith.constant 336 : index
      %get3A_767 = tpu.vector_load %arg8[%get3A_766] {strides = array<i32>} : memref<384xi32, #tpu.memory_space<vmem>>, vector<16xi32>,
      %get3A_768 = vector.shape_cast %get3A_767 : vector<16xi32> to vector<16xi32>
      %ge3A_769 = vector.broadcast %max3A_666 : i32 to vector<16xi32>
      %ge3A_770 = arith.cmpi sge, %add3A_765, %ge3A_769 : vector<16xi32>
      %lt3A_771 = vector.broadcast %squeeze3A_6 : i32 to vector<16xi32>
      %lt3A_772 = arith.cmpi slt, %add3A_765, %lt3A_771 : vector<16xi32>
      %and3A_773 = arith.andi %ge3A_770, %lt3A_772 : vector<16xi1>
      %sub3A_774 = vector.broadcast %mul3A_14 : i32 to vector<16xi32>
      %sub3A_775 = arith.subi %get3A_768, %sub3A_774 : vector<16xi32>
      %select_n3A_776 = arith.select %and3A_773, %sub3A_775, %add3A_19 : vector<16xi1>, vector<16xi32>
      %swap3A_777 = arith.constant 336 : index
      %swap3A_778 = tpu.vector_load %arg9[%swap3A_777] {strides = array<i32>} : memref<384xi32, #tpu.memory_space<vmem>>, vector<16xi32>,
      %swap3A_779 = vector.shape_cast %swap3A_778 : vector<16xi32> to vector<16xi32>
      %swap3A_780 = vector.shape_cast %select_n3A_776 : vector<16xi32> to vector<16xi32>
      tpu.vector_store %arg9[%swap3A_777], %swap3A_780 {strides = array<i32>} : memref<384xi32, #tpu.memory_space<vmem>>, vector<16xi32>,
      %add3A_781 = arith.constant 96 : i32
      %add3A_782 = arith.addi %multiple_of3A_639, %add3A_781 : i32
      %add3A_783 = vector.broadcast %add3A_782 : i32 to vector<16xi32>
      %add3A_784 = arith.addi %iota3A, %add3A_783 : vector<16xi32>
      %get3A_785 = arith.constant 352 : index
      %get3A_786 = tpu.vector_load %arg8[%get3A_785] {strides = array<i32>} : memref<384xi32, #tpu.memory_space<vmem>>, vector<16xi32>,
      %get3A_787 = vector.shape_cast %get3A_786 : vector<16xi32> to vector<16xi32>
      %ge3A_788 = vector.broadcast %max3A_666 : i32 to vector<16xi32>
      %ge3A_789 = arith.cmpi sge, %add3A_784, %ge3A_788 : vector<16xi32>
      %lt3A_790 = vector.broadcast %squeeze3A_6 : i32 to vector<16xi32>
      %lt3A_791 = arith.cmpi slt, %add3A_784, %lt3A_790 : vector<16xi32>
      %and3A_792 = arith.andi %ge3A_789, %lt3A_791 : vector<16xi1>
      %sub3A_793 = vector.broadcast %mul3A_14 : i32 to vector<16xi32>
      %sub3A_794 = arith.subi %get3A_787, %sub3A_793 : vector<16xi32>
      %select_n3A_795 = arith.select %and3A_792, %sub3A_794, %add3A_19 : vector<16xi1>, vector<16xi32>
      %swap3A_796 = arith.constant 352 : index
      %swap3A_797 = tpu.vector_load %arg9[%swap3A_796] {strides = array<i32>} : memref<384xi32, #tpu.memory_space<vmem>>, vector<16xi32>,
      %swap3A_798 = vector.shape_cast %swap3A_797 : vector<16xi32> to vector<16xi32>
      %swap3A_799 = vector.shape_cast %select_n3A_795 : vector<16xi32> to vector<16xi32>
      tpu.vector_store %arg9[%swap3A_796], %swap3A_799 {strides = array<i32>} : memref<384xi32, #tpu.memory_space<vmem>>, vector<16xi32>,
      %add3A_800 = arith.constant 112 : i32
      %add3A_801 = arith.addi %multiple_of3A_639, %add3A_800 : i32
      %add3A_802 = vector.broadcast %add3A_801 : i32 to vector<16xi32>
      %add3A_803 = arith.addi %iota3A, %add3A_802 : vector<16xi32>
      %get3A_804 = arith.constant 368 : index
      %get3A_805 = tpu.vector_load %arg8[%get3A_804] {strides = array<i32>} : memref<384xi32, #tpu.memory_space<vmem>>, vector<16xi32>,
      %get3A_806 = vector.shape_cast %get3A_805 : vector<16xi32> to vector<16xi32>
      %ge3A_807 = vector.broadcast %max3A_666 : i32 to vector<16xi32>
      %ge3A_808 = arith.cmpi sge, %add3A_803, %ge3A_807 : vector<16xi32>
      %lt3A_809 = vector.broadcast %squeeze3A_6 : i32 to vector<16xi32>
      %lt3A_810 = arith.cmpi slt, %add3A_803, %lt3A_809 : vector<16xi32>
      %and3A_811 = arith.andi %ge3A_808, %lt3A_810 : vector<16xi1>
      %sub3A_812 = vector.broadcast %mul3A_14 : i32 to vector<16xi32>
      %sub3A_813 = arith.subi %get3A_806, %sub3A_812 : vector<16xi32>
      %select_n3A_814 = arith.select %and3A_811, %sub3A_813, %add3A_19 : vector<16xi1>, vector<16xi32>
      %swap3A_815 = arith.constant 368 : index
      %swap3A_816 = tpu.vector_load %arg9[%swap3A_815] {strides = array<i32>} : memref<384xi32, #tpu.memory_space<vmem>>, vector<16xi32>,
      %swap3A_817 = vector.shape_cast %swap3A_816 : vector<16xi32> to vector<16xi32>
      %swap3A_818 = vector.shape_cast %select_n3A_814 : vector<16xi32> to vector<16xi32>
      tpu.vector_store %arg9[%swap3A_815], %swap3A_818 {strides = array<i32>} : memref<384xi32, #tpu.memory_space<vmem>>, vector<16xi32>,
      "tpu.region"() ({
        %run_scoped3A = tpu.sem_alloc : memref<!tpu.dma_semaphore, #tpu.memory_space<semaphore_mem>>
        %dma_start3A_849 = arith.constant 256 : i32
        %dma_start3A_850 = arith.constant 0 : i32
        %dma_start3A_851 = tpu.memref_slice %arg7[%dma_start3A_849, %dma_start3A_850] : memref<384x32xf32, #tpu.memory_space<vmem>> -> memref<128x32xf32, #tpu.memory_space<vmem>>
        %dma_start3A_852 = arith.constant 256 : i32
        %dma_start3A_853 = tpu.memref_slice %arg9[%dma_start3A_852] : memref<384xi32, #tpu.memory_space<vmem>> -> memref<128xi32, #tpu.memory_space<vmem>>
        %dma_start3A_854 = arith.constant 0 : i32
        %dma_start3A_855 = arith.constant 0 : i32
        %dma_start3A_856 = tpu.memref_slice %arg11[%dma_start3A_854, %dma_start3A_855] : memref<50048x32xf32, #tpu.memory_space<vmem_shared>> -> memref<50048x32xf32, #tpu.memory_space<vmem_shared>>
        tpu.enqueue_indirect_dma source(%dma_start3A_851 : memref<128x32xf32, #tpu.memory_space<vmem>>) target(%dma_start3A_856 : memref<50048x32xf32, #tpu.memory_space<vmem_shared>>) offsets(%dma_start3A_853 : memref<128xi32, #tpu.memory_space<vmem>>) semaphore(%run_scoped3A : memref<!tpu.dma_semaphore, #tpu.memory_space<semaphore_mem>>) {add = true}
        %dma_wait3A_857 = arith.constant 256 : i32
        %dma_wait3A_858 = arith.constant 0 : i32
        %dma_wait3A_859 = tpu.memref_slice %arg7[%dma_wait3A_857, %dma_wait3A_858] : memref<384x32xf32, #tpu.memory_space<vmem>> -> memref<128x32xf32, #tpu.memory_space<vmem>>
        %dma_wait3A_860 = arith.constant 256 : i32
        %dma_wait3A_861 = tpu.memref_slice %arg9[%dma_wait3A_860] : memref<384xi32, #tpu.memory_space<vmem>> -> memref<128xi32, #tpu.memory_space<vmem>>
        %dma_wait3A_862 = arith.constant 0 : i32
        %dma_wait3A_863 = arith.constant 0 : i32
        %dma_wait3A_864 = tpu.memref_slice %arg11[%dma_wait3A_862, %dma_wait3A_863] : memref<50048x32xf32, #tpu.memory_space<vmem_shared>> -> memref<50048x32xf32, #tpu.memory_space<vmem_shared>>
        tpu.wait_indirect_dma semaphore(%run_scoped3A : memref<!tpu.dma_semaphore, #tpu.memory_space<semaphore_mem>>) src(%dma_wait3A_859 : memref<128x32xf32, #tpu.memory_space<vmem>>) dst(%dma_wait3A_864 : memref<50048x32xf32, #tpu.memory_space<vmem_shared>>)
        tpu.yield
      }) : () -> ()
      %add3A_819 = arith.constant 3 : i32
      %add3A_820 = arith.addi %add3A_633, %add3A_819 : i32
      %mul3A_821 = arith.constant 128 : i32
      %mul3A_822 = arith.muli %add3A_820, %mul3A_821 : i32
      %add3A_823 = arith.addi %squeeze3A_8, %mul3A_822 : i32
      %min3A_824 = arith.constant 1599872 : i32
      %min3A_825 = arith.minsi %add3A_823, %min3A_824 : i32
      %multiple_of3A_826 = tpu.assume_multiple %min3A_825, 8 : i32
      %dma_start3A_827 = arith.constant 2 : i32
      %dma_start3A_828 = arith.constant 256 : i32
      %dma_start3A_829 = arith.constant 0 : i32
      %dma_start3A_830 = tpu.memref_slice %arg7[%dma_start3A_828, %dma_start3A_829] : memref<384x32xf32, #tpu.memory_space<vmem>> -> memref<128x32xf32, #tpu.memory_space<vmem>>
      %dma_start3A_831 = arith.constant 0 : i32
      %dma_start3A_832 = tpu.memref_slice %arg2[%multiple_of3A_826, %dma_start3A_831] : memref<1600000x32xf32, #tpu.memory_space<hbm>> -> memref<128x32xf32, #tpu.memory_space<hbm>>
      %dma_start3A_833 = tpu.memref_slice %arg12[%dma_start3A_827] : memref<3x!tpu.dma_semaphore, #tpu.memory_space<semaphore_mem>> -> memref<1x!tpu.dma_semaphore, #tpu.memory_space<semaphore_mem>>
      %dma_start3A_834 = tpu.memref_squeeze %dma_start3A_833 : memref<1x!tpu.dma_semaphore, #tpu.memory_space<semaphore_mem>> -> memref<!tpu.dma_semaphore, #tpu.memory_space<semaphore_mem>>
      %dma_start3A_835 = arith.constant 256 : i32
      %dma_start3A_836 = arith.constant 0 : i32
      %dma_start3A_837 = tpu.memref_slice %arg7[%dma_start3A_835, %dma_start3A_836] : memref<384x32xf32, #tpu.memory_space<vmem>> -> memref<128x32xf32, #tpu.memory_space<vmem>>
      %dma_start3A_838 = arith.constant 0 : i32
      %dma_start3A_839 = tpu.memref_slice %arg2[%multiple_of3A_826, %dma_start3A_838] : memref<1600000x32xf32, #tpu.memory_space<hbm>> -> memref<128x32xf32, #tpu.memory_space<hbm>>
      tpu.enqueue_dma source(%dma_start3A_839 : memref<128x32xf32, #tpu.memory_space<hbm>>) target(%dma_start3A_837 : memref<128x32xf32, #tpu.memory_space<vmem>>) target_semaphore(%dma_start3A_834 : memref<!tpu.dma_semaphore, #tpu.memory_space<semaphore_mem>>)
      %dma_start3A_840 = arith.constant 2 : i32
      %dma_start3A_841 = arith.constant 256 : i32
      %dma_start3A_842 = tpu.memref_slice %arg8[%dma_start3A_841] : memref<384xi32, #tpu.memory_space<vmem>> -> memref<128xi32, #tpu.memory_space<vmem>>
      %dma_start3A_843 = tpu.memref_slice %arg3[%multiple_of3A_826] : memref<1600000xi32, #tpu.memory_space<hbm>> -> memref<128xi32, #tpu.memory_space<hbm>>
      %dma_start3A_844 = tpu.memref_slice %arg13[%dma_start3A_840] : memref<3x!tpu.dma_semaphore, #tpu.memory_space<semaphore_mem>> -> memref<1x!tpu.dma_semaphore, #tpu.memory_space<semaphore_mem>>
      %dma_start3A_845 = tpu.memref_squeeze %dma_start3A_844 : memref<1x!tpu.dma_semaphore, #tpu.memory_space<semaphore_mem>> -> memref<!tpu.dma_semaphore, #tpu.memory_space<semaphore_mem>>
      %dma_start3A_846 = arith.constant 256 : i32
      %dma_start3A_847 = tpu.memref_slice %arg8[%dma_start3A_846] : memref<384xi32, #tpu.memory_space<vmem>> -> memref<128xi32, #tpu.memory_space<vmem>>
      %dma_start3A_848 = tpu.memref_slice %arg3[%multiple_of3A_826] : memref<1600000xi32, #tpu.memory_space<hbm>> -> memref<128xi32, #tpu.memory_space<hbm>>
      tpu.enqueue_dma source(%dma_start3A_848 : memref<128xi32, #tpu.memory_space<hbm>>) target(%dma_start3A_847 : memref<128xi32, #tpu.memory_space<vmem>>) target_semaphore(%dma_start3A_845 : memref<!tpu.dma_semaphore, #tpu.memory_space<semaphore_mem>>)
    }
    %dma_wait3A = arith.constant 0 : i32
    %dma_wait3A_115 = arith.constant 0 : i32
    %dma_wait3A_116 = arith.constant 0 : i32
    %dma_wait3A_117 = tpu.memref_slice %arg7[%dma_wait3A_115, %dma_wait3A_116] : memref<384x32xf32, #tpu.memory_space<vmem>> -> memref<128x32xf32, #tpu.memory_space<vmem>>
    %dma_wait3A_118 = arith.constant 0 : i32
    %dma_wait3A_119 = arith.constant 0 : i32
    %dma_wait3A_120 = tpu.memref_slice %arg2[%dma_wait3A_118, %dma_wait3A_119] : memref<1600000x32xf32, #tpu.memory_space<hbm>> -> memref<128x32xf32, #tpu.memory_space<hbm>>
    %dma_wait3A_121 = tpu.memref_slice %arg12[%dma_wait3A] : memref<3x!tpu.dma_semaphore, #tpu.memory_space<semaphore_mem>> -> memref<1x!tpu.dma_semaphore, #tpu.memory_space<semaphore_mem>>
    %dma_wait3A_122 = tpu.memref_squeeze %dma_wait3A_121 : memref<1x!tpu.dma_semaphore, #tpu.memory_space<semaphore_mem>> -> memref<!tpu.dma_semaphore, #tpu.memory_space<semaphore_mem>>
    %dma_wait3A_123 = arith.constant 0 : i32
    %dma_wait3A_124 = arith.constant 0 : i32
    %dma_wait3A_125 = tpu.memref_slice %arg7[%dma_wait3A_123, %dma_wait3A_124] : memref<384x32xf32, #tpu.memory_space<vmem>> -> memref<128x32xf32, #tpu.memory_space<vmem>>
    %dma_wait3A_126 = arith.constant 0 : i32
    %dma_wait3A_127 = arith.constant 0 : i32
    %dma_wait3A_128 = tpu.memref_slice %arg2[%dma_wait3A_126, %dma_wait3A_127] : memref<1600000x32xf32, #tpu.memory_space<hbm>> -> memref<128x32xf32, #tpu.memory_space<hbm>>
    tpu.wait_dma2 semaphore(%dma_wait3A_122 : memref<!tpu.dma_semaphore, #tpu.memory_space<semaphore_mem>>) src(%dma_wait3A_128 : memref<128x32xf32, #tpu.memory_space<hbm>>) dst(%dma_wait3A_125 : memref<128x32xf32, #tpu.memory_space<vmem>>)
    %dma_wait3A_129 = arith.constant 0 : i32
    %dma_wait3A_130 = arith.constant 0 : i32
    %dma_wait3A_131 = tpu.memref_slice %arg8[%dma_wait3A_130] : memref<384xi32, #tpu.memory_space<vmem>> -> memref<128xi32, #tpu.memory_space<vmem>>
    %dma_wait3A_132 = arith.constant 0 : i32
    %dma_wait3A_133 = tpu.memref_slice %arg3[%dma_wait3A_132] : memref<1600000xi32, #tpu.memory_space<hbm>> -> memref<128xi32, #tpu.memory_space<hbm>>
    %dma_wait3A_134 = tpu.memref_slice %arg13[%dma_wait3A_129] : memref<3x!tpu.dma_semaphore, #tpu.memory_space<semaphore_mem>> -> memref<1x!tpu.dma_semaphore, #tpu.memory_space<semaphore_mem>>
    %dma_wait3A_135 = tpu.memref_squeeze %dma_wait3A_134 : memref<1x!tpu.dma_semaphore, #tpu.memory_space<semaphore_mem>> -> memref<!tpu.dma_semaphore, #tpu.memory_space<semaphore_mem>>
    %dma_wait3A_136 = arith.constant 0 : i32
    %dma_wait3A_137 = tpu.memref_slice %arg8[%dma_wait3A_136] : memref<384xi32, #tpu.memory_space<vmem>> -> memref<128xi32, #tpu.memory_space<vmem>>
    %dma_wait3A_138 = arith.constant 0 : i32
    %dma_wait3A_139 = tpu.memref_slice %arg3[%dma_wait3A_138] : memref<1600000xi32, #tpu.memory_space<hbm>> -> memref<128xi32, #tpu.memory_space<hbm>>
    tpu.wait_dma2 semaphore(%dma_wait3A_135 : memref<!tpu.dma_semaphore, #tpu.memory_space<semaphore_mem>>) src(%dma_wait3A_139 : memref<128xi32, #tpu.memory_space<hbm>>) dst(%dma_wait3A_137 : memref<128xi32, #tpu.memory_space<vmem>>)
    %dma_wait3A_140 = arith.constant 1 : i32
    %dma_wait3A_141 = arith.constant 128 : i32
    %dma_wait3A_142 = arith.constant 0 : i32
    %dma_wait3A_143 = tpu.memref_slice %arg7[%dma_wait3A_141, %dma_wait3A_142] : memref<384x32xf32, #tpu.memory_space<vmem>> -> memref<128x32xf32, #tpu.memory_space<vmem>>
    %dma_wait3A_144 = arith.constant 0 : i32
    %dma_wait3A_145 = arith.constant 0 : i32
    %dma_wait3A_146 = tpu.memref_slice %arg2[%dma_wait3A_144, %dma_wait3A_145] : memref<1600000x32xf32, #tpu.memory_space<hbm>> -> memref<128x32xf32, #tpu.memory_space<hbm>>
    %dma_wait3A_147 = tpu.memref_slice %arg12[%dma_wait3A_140] : memref<3x!tpu.dma_semaphore, #tpu.memory_space<semaphore_mem>> -> memref<1x!tpu.dma_semaphore, #tpu.memory_space<semaphore_mem>>
    %dma_wait3A_148 = tpu.memref_squeeze %dma_wait3A_147 : memref<1x!tpu.dma_semaphore, #tpu.memory_space<semaphore_mem>> -> memref<!tpu.dma_semaphore, #tpu.memory_space<semaphore_mem>>
    %dma_wait3A_149 = arith.constant 128 : i32
    %dma_wait3A_150 = arith.constant 0 : i32
    %dma_wait3A_151 = tpu.memref_slice %arg7[%dma_wait3A_149, %dma_wait3A_150] : memref<384x32xf32, #tpu.memory_space<vmem>> -> memref<128x32xf32, #tpu.memory_space<vmem>>
    %dma_wait3A_152 = arith.constant 0 : i32
    %dma_wait3A_153 = arith.constant 0 : i32
    %dma_wait3A_154 = tpu.memref_slice %arg2[%dma_wait3A_152, %dma_wait3A_153] : memref<1600000x32xf32, #tpu.memory_space<hbm>> -> memref<128x32xf32, #tpu.memory_space<hbm>>
    tpu.wait_dma2 semaphore(%dma_wait3A_148 : memref<!tpu.dma_semaphore, #tpu.memory_space<semaphore_mem>>) src(%dma_wait3A_154 : memref<128x32xf32, #tpu.memory_space<hbm>>) dst(%dma_wait3A_151 : memref<128x32xf32, #tpu.memory_space<vmem>>)
    %dma_wait3A_155 = arith.constant 1 : i32
    %dma_wait3A_156 = arith.constant 128 : i32
    %dma_wait3A_157 = tpu.memref_slice %arg8[%dma_wait3A_156] : memref<384xi32, #tpu.memory_space<vmem>> -> memref<128xi32, #tpu.memory_space<vmem>>
    %dma_wait3A_158 = arith.constant 0 : i32
    %dma_wait3A_159 = tpu.memref_slice %arg3[%dma_wait3A_158] : memref<1600000xi32, #tpu.memory_space<hbm>> -> memref<128xi32, #tpu.memory_space<hbm>>
    %dma_wait3A_160 = tpu.memref_slice %arg13[%dma_wait3A_155] : memref<3x!tpu.dma_semaphore, #tpu.memory_space<semaphore_mem>> -> memref<1x!tpu.dma_semaphore, #tpu.memory_space<semaphore_mem>>
    %dma_wait3A_161 = tpu.memref_squeeze %dma_wait3A_160 : memref<1x!tpu.dma_semaphore, #tpu.memory_space<semaphore_mem>> -> memref<!tpu.dma_semaphore, #tpu.memory_space<semaphore_mem>>
    %dma_wait3A_162 = arith.constant 128 : i32
    %dma_wait3A_163 = tpu.memref_slice %arg8[%dma_wait3A_162] : memref<384xi32, #tpu.memory_space<vmem>> -> memref<128xi32, #tpu.memory_space<vmem>>
    %dma_wait3A_164 = arith.constant 0 : i32
    %dma_wait3A_165 = tpu.memref_slice %arg3[%dma_wait3A_164] : memref<1600000xi32, #tpu.memory_space<hbm>> -> memref<128xi32, #tpu.memory_space<hbm>>
    tpu.wait_dma2 semaphore(%dma_wait3A_161 : memref<!tpu.dma_semaphore, #tpu.memory_space<semaphore_mem>>) src(%dma_wait3A_165 : memref<128xi32, #tpu.memory_space<hbm>>) dst(%dma_wait3A_163 : memref<128xi32, #tpu.memory_space<vmem>>)
    %dma_wait3A_166 = arith.constant 2 : i32
    %dma_wait3A_167 = arith.constant 256 : i32
    %dma_wait3A_168 = arith.constant 0 : i32
    %dma_wait3A_169 = tpu.memref_slice %arg7[%dma_wait3A_167, %dma_wait3A_168] : memref<384x32xf32, #tpu.memory_space<vmem>> -> memref<128x32xf32, #tpu.memory_space<vmem>>
    %dma_wait3A_170 = arith.constant 0 : i32
    %dma_wait3A_171 = arith.constant 0 : i32
    %dma_wait3A_172 = tpu.memref_slice %arg2[%dma_wait3A_170, %dma_wait3A_171] : memref<1600000x32xf32, #tpu.memory_space<hbm>> -> memref<128x32xf32, #tpu.memory_space<hbm>>
    %dma_wait3A_173 = tpu.memref_slice %arg12[%dma_wait3A_166] : memref<3x!tpu.dma_semaphore, #tpu.memory_space<semaphore_mem>> -> memref<1x!tpu.dma_semaphore, #tpu.memory_space<semaphore_mem>>
    %dma_wait3A_174 = tpu.memref_squeeze %dma_wait3A_173 : memref<1x!tpu.dma_semaphore, #tpu.memory_space<semaphore_mem>> -> memref<!tpu.dma_semaphore, #tpu.memory_space<semaphore_mem>>
    %dma_wait3A_175 = arith.constant 256 : i32
    %dma_wait3A_176 = arith.constant 0 : i32
    %dma_wait3A_177 = tpu.memref_slice %arg7[%dma_wait3A_175, %dma_wait3A_176] : memref<384x32xf32, #tpu.memory_space<vmem>> -> memref<128x32xf32, #tpu.memory_space<vmem>>
    %dma_wait3A_178 = arith.constant 0 : i32
    %dma_wait3A_179 = arith.constant 0 : i32
    %dma_wait3A_180 = tpu.memref_slice %arg2[%dma_wait3A_178, %dma_wait3A_179] : memref<1600000x32xf32, #tpu.memory_space<hbm>> -> memref<128x32xf32, #tpu.memory_space<hbm>>
    tpu.wait_dma2 semaphore(%dma_wait3A_174 : memref<!tpu.dma_semaphore, #tpu.memory_space<semaphore_mem>>) src(%dma_wait3A_180 : memref<128x32xf32, #tpu.memory_space<hbm>>) dst(%dma_wait3A_177 : memref<128x32xf32, #tpu.memory_space<vmem>>)
    %dma_wait3A_181 = arith.constant 2 : i32
    %dma_wait3A_182 = arith.constant 256 : i32
    %dma_wait3A_183 = tpu.memref_slice %arg8[%dma_wait3A_182] : memref<384xi32, #tpu.memory_space<vmem>> -> memref<128xi32, #tpu.memory_space<vmem>>
    %dma_wait3A_184 = arith.constant 0 : i32
    %dma_wait3A_185 = tpu.memref_slice %arg3[%dma_wait3A_184] : memref<1600000xi32, #tpu.memory_space<hbm>> -> memref<128xi32, #tpu.memory_space<hbm>>
    %dma_wait3A_186 = tpu.memref_slice %arg13[%dma_wait3A_181] : memref<3x!tpu.dma_semaphore, #tpu.memory_space<semaphore_mem>> -> memref<1x!tpu.dma_semaphore, #tpu.memory_space<semaphore_mem>>
    %dma_wait3A_187 = tpu.memref_squeeze %dma_wait3A_186 : memref<1x!tpu.dma_semaphore, #tpu.memory_space<semaphore_mem>> -> memref<!tpu.dma_semaphore, #tpu.memory_space<semaphore_mem>>
    %dma_wait3A_188 = arith.constant 256 : i32
    %dma_wait3A_189 = tpu.memref_slice %arg8[%dma_wait3A_188] : memref<384xi32, #tpu.memory_space<vmem>> -> memref<128xi32, #tpu.memory_space<vmem>>
    %dma_wait3A_190 = arith.constant 0 : i32
    %dma_wait3A_191 = tpu.memref_slice %arg3[%dma_wait3A_190] : memref<1600000xi32, #tpu.memory_space<hbm>> -> memref<128xi32, #tpu.memory_space<hbm>>
    tpu.wait_dma2 semaphore(%dma_wait3A_187 : memref<!tpu.dma_semaphore, #tpu.memory_space<semaphore_mem>>) src(%dma_wait3A_191 : memref<128xi32, #tpu.memory_space<hbm>>) dst(%dma_wait3A_189 : memref<128xi32, #tpu.memory_space<vmem>>)
    %barrier3A_192 = arith.constant 0 : index
    tpu.barrier barrier_id(%barrier3A_192)
    %add3A_193 = arith.addi %mul3A_14, %squeeze3A_12 : i32
    "tpu.region"() ({
      %run_scoped3A = tpu.sem_alloc : memref<!tpu.dma_semaphore, #tpu.memory_space<semaphore_mem>>
      %dma_start3A_196 = arith.constant 0 : i32
      %dma_start3A_197 = tpu.memref_slice %arg6[%add3A_193, %dma_start3A_196] : memref<100000x32xf32, #tpu.memory_space<hbm>> -> memref<3120x32xf32, #tpu.memory_space<hbm>>
      %dma_start3A_198 = arith.constant 0 : i32
      %dma_start3A_199 = tpu.memref_slice %arg11[%squeeze3A_12, %dma_start3A_198] : memref<50048x32xf32, #tpu.memory_space<vmem_shared>> -> memref<3120x32xf32, #tpu.memory_space<vmem_shared>>
      tpu.enqueue_dma source(%dma_start3A_199 : memref<3120x32xf32, #tpu.memory_space<vmem_shared>>) target(%dma_start3A_197 : memref<3120x32xf32, #tpu.memory_space<hbm>>) target_semaphore(%run_scoped3A : memref<!tpu.dma_semaphore, #tpu.memory_space<semaphore_mem>>)
      %dma_wait3A_200 = arith.constant 0 : i32
      %dma_wait3A_201 = tpu.memref_slice %arg6[%add3A_193, %dma_wait3A_200] : memref<100000x32xf32, #tpu.memory_space<hbm>> -> memref<3120x32xf32, #tpu.memory_space<hbm>>
      %dma_wait3A_202 = arith.constant 0 : i32
      %dma_wait3A_203 = tpu.memref_slice %arg11[%squeeze3A_12, %dma_wait3A_202] : memref<50048x32xf32, #tpu.memory_space<vmem_shared>> -> memref<3120x32xf32, #tpu.memory_space<vmem_shared>>
      tpu.wait_dma2 semaphore(%run_scoped3A : memref<!tpu.dma_semaphore, #tpu.memory_space<semaphore_mem>>) src(%dma_wait3A_203 : memref<3120x32xf32, #tpu.memory_space<vmem_shared>>) dst(%dma_wait3A_201 : memref<3120x32xf32, #tpu.memory_space<hbm>>)
      tpu.yield
    }) : () -> ()
    %lt3A = arith.constant 10 : i32
    %lt3A_194 = arith.cmpi slt, %arg1, %lt3A : i32
    %convert_element_type3A = arith.extui %lt3A_194 : i1 to i32
    %cond3A = arith.constant 0 : i32
    %cond3A_195 = arith.cmpi ne, %convert_element_type3A, %cond3A : i32
    scf.if %cond3A_195 {
      %add3A_196 = arith.constant 3120 : i32
      %add3A_197 = arith.addi %squeeze3A_12, %add3A_196 : i32
      %add3A_198 = arith.addi %mul3A_14, %squeeze3A_12 : i32
      %add3A_199 = arith.constant 3120 : i32
      %add3A_200 = arith.addi %add3A_198, %add3A_199 : i32
      "tpu.region"() ({
        %run_scoped3A = tpu.sem_alloc : memref<!tpu.dma_semaphore, #tpu.memory_space<semaphore_mem>>
        %dma_start3A_201 = arith.constant 0 : i32
        %dma_start3A_202 = tpu.memref_slice %arg6[%add3A_200, %dma_start3A_201] : memref<100000x32xf32, #tpu.memory_space<hbm>> -> memref<8x32xf32, #tpu.memory_space<hbm>>
        %dma_start3A_203 = arith.constant 0 : i32
        %dma_start3A_204 = tpu.memref_slice %arg11[%add3A_197, %dma_start3A_203] : memref<50048x32xf32, #tpu.memory_space<vmem_shared>> -> memref<8x32xf32, #tpu.memory_space<vmem_shared>>
        tpu.enqueue_dma source(%dma_start3A_204 : memref<8x32xf32, #tpu.memory_space<vmem_shared>>) target(%dma_start3A_202 : memref<8x32xf32, #tpu.memory_space<hbm>>) target_semaphore(%run_scoped3A : memref<!tpu.dma_semaphore, #tpu.memory_space<semaphore_mem>>)
        %dma_wait3A_205 = arith.constant 0 : i32
        %dma_wait3A_206 = tpu.memref_slice %arg6[%add3A_200, %dma_wait3A_205] : memref<100000x32xf32, #tpu.memory_space<hbm>> -> memref<8x32xf32, #tpu.memory_space<hbm>>
        %dma_wait3A_207 = arith.constant 0 : i32
        %dma_wait3A_208 = tpu.memref_slice %arg11[%add3A_197, %dma_wait3A_207] : memref<50048x32xf32, #tpu.memory_space<vmem_shared>> -> memref<8x32xf32, #tpu.memory_space<vmem_shared>>
        tpu.wait_dma2 semaphore(%run_scoped3A : memref<!tpu.dma_semaphore, #tpu.memory_space<semaphore_mem>>) src(%dma_wait3A_208 : memref<8x32xf32, #tpu.memory_space<vmem_shared>>) dst(%dma_wait3A_206 : memref<8x32xf32, #tpu.memory_space<hbm>>)
        tpu.yield
      }) : () -> ()
    } else {
    }
    return
  }
}

</mosaic_0001>

<sc_bundles>
// kernel: kernel.3.cloned.1.call-start
scs
__scs_entry_jumppad:
0x0: {  	(pc) =	sbr.rel $0x88, $3  }
0x1: {  	(tag) =	ssettag $0x0;
	lr =	simm.s32 $0x1  }
0x2: {  	[smem:$0x3F9F] =	sst lr;
	_ =	strace $0xD0000000  }
0x3: {  	_ = 	snop  }
0x4: {  	_ = 	snop  }
0x5: {  	_ = 	snop  }
0x6: {  	_ = 	snop  }
0x7: {  	_ = 	snop  }
__scs_overlays_trampoline_lowered:
0x8: {  	[smem:$0x3FAE] =	sst s0  }
0x9: {  	[smem:$0x3FAF] =	sst s1  }
0xa: {  	[smem:$0x3FB0] =	sst s2  }
0xb: {  	[smem:$0x3FB1] =	sst s3  }
0xc: {  	[smem:$0x3FB2] =	sst s4  }
0xd: {  	[smem:$0x3FB3] =	sst s5  }
0xe: {  	[smem:$0x3FB4] =	sst s6  }
0xf: {  	[smem:$0x3FB5] =	sst s7  }
0x10: {  	[smem:$0x3FB6] =	sst s8  }
0x11: {  	[smem:$0x3FB7] =	sst s9;
	s0 =	simm.s32 @!p0 $0x0  }
0x12: {  	s1 =	sld [smem:$0x3F9D];
	s0 =	simm.s32 @p0 $0x1  }
0x13: {  	[smem:$0x3FB8] =	sst s0;
	s0 =	simm.s32 @!p1 $0x0  }
0x14: {  	s2 =	sld [smem:$0x3F9C];
	s0 =	simm.s32 @p1 $0x1  }
0x15: {  	[smem:$0x3FB9] =	sst s0;
	s0 =	simm.s32 @!p2 $0x0  }
0x16: {  	s3 =	sld [smem:$0x3FDB];
	s0 =	simm.s32 @p2 $0x1  }
0x17: {  	s4 =	simm.s32 $0x1BF5;
	[smem:$0x3FBB] =	sst s0  }
0x18: {  	s0 =	sld [smem:$0x3F9E];
	_ =	swait.ge [sflag:s4], $0x0  }
0x19: {  	s7 =	sld [smem:$0x3F9F]  }
0x1a: {  	s8 =	sadd.s32 $0xFFFFE003, lr  }
0x1b: {  	s9 =	sadd.s32 $0xFFFFFEF7, lr;
	s5 =	simm.s32 $0xFFFFFFFF;
	p2 =	slt.u32 s8, $0xFFFFF086  }
0x1c: {  	p1 =	slt.u32 s9, $0xF7A;
	s5 =	simm.s32 @!p2 $0x0  }
0x1d: {  	s5 =	simm.s32 @p1 $0x1;
	p0 =	seq.s32 s7, s2  }
0x1e: {  	s7 =	smul.u32 @!p0 $0xF7A, s2;
	p2 =	seq.s32 @!p0 s5, $0x0  }
0x1f: {  	s9 =	smul.u32 $0xF7A, s1;
	s8 =	simm.s32 @!p0 $0x1BF5;
	p2 =	por !p2, p0  }
0x20: {  	[sflag:s8] =	ssyncset.s32 @!p0 $0xFFFFF086;
	s6 =	sadd.s32 @!p0 s3, s7;
	s7 =	simm.s32 @!p0 $0x108  }
0x21: {  	s3 =	sadd.s32 s3, s9;
	s6 =	sadd.s32 @!p0 $0x88, s6;
	s7 =	simm.s32 @p2 $0x1082  }
0x22: {  	[simem:s7], [sflag:s8] =	dma.local @!p0 [hbm:s6], $0xF7A  }
0x23: {  	s9 =	sor.u32 $0xD0000000, s2;
	s6 =	simm.s32 $0x108;
	_ =	swait.ge @!p0 [sflag:s8], $0x0  }
0x24: {  	s3 =	sadd.s32 $0x88, s3;
	s6 =	simm.s32 @!p1 $0x1082;
	[sflag:s4] =	ssyncset.s32 $0xFFFFF086  }
0x25: {  	[simem:s6], [sflag:s4] =	dma.local [hbm:s3], $0xF7A  }
0x26: {  	[smem:$0x3F9F] =	sst s1;
	(tag) =	ssettag s2;
	_ =	strace s9  }
0x27: {  	s1 =	sld [smem:$0x3FAF]  }
0x28: {  	s2 =	sld [smem:$0x3FB0]  }
0x29: {  	s4 =	sld [smem:$0x3FB2]  }
0x2a: {  	p0 =	seq.s32 s5, $0x0;
	s5 =	sld [smem:$0x3FB3]  }
0x2b: {  	s6 =	sld [smem:$0x3FB4]  }
0x2c: {  	s7 =	sld [smem:$0x3FB5]  }
0x2d: {  	s3 =	simm.s32 $0x108;
	s8 =	sld [smem:$0x3FB6]  }
0x2e: {  	s3 =	simm.s32 @!p0 $0x1082;
	s9 =	sld [smem:$0x3FB7]  }
0x2f: {  	lr =	sadd.s32 s0, s3;
	s0 =	sld [smem:$0x3FAE]  }
0x30: {  	s3 =	sld [smem:$0x3FB1]  }
0x31: {  	[smem:$0x3FBA] =	sst s10  }
0x32: {  	s10 =	sld [smem:$0x3FB8];
	_ =	sdelay $0x3  }
0x33: {  	p0 =	seq.s32 s10, $0x1;
	s10 =	sld [smem:$0x3FBA];
	_ =	sdelay $0x3  }
0x34: {  	[smem:$0x3FBA] =	sst s10  }
0x35: {  	s10 =	sld [smem:$0x3FB9];
	_ =	sdelay $0x3  }
0x36: {  	p1 =	seq.s32 s10, $0x1;
	s10 =	sld [smem:$0x3FBA];
	_ =	sdelay $0x3  }
0x37: {  	[smem:$0x3FBA] =	sst s10  }
0x38: {  	s10 =	sld [smem:$0x3FBB]  }
0x39: {  	_ = 	snop;
	(pc) =	sbr.ind lr, $3  }
0x3a: {  	_ = 	snop  }
0x3b: {  	_ = 	snop  }
0x3c: {  	p2 =	seq.s32 s10, $0x1;
	s10 =	sld [smem:$0x3FBA]  }
0x3d: {  	_ =	shalt  }
0x3e: {  	_ =	shalt  }
0x3f: {  	_ =	shalt  }
0x40: {  	_ =	shalt  }
0x41: {  	_ =	shalt  }
0x42: {  	_ =	shalt  }
0x43: {  	_ =	shalt  }
0x44: {  	_ =	shalt  }
0x45: {  	_ =	shalt  }
0x46: {  	_ =	shalt  }
0x47: {  	_ =	shalt  }
0x48: {  	_ =	shalt  }
0x49: {  	_ =	shalt  }
0x4a: {  	_ =	shalt  }
0x4b: {  	_ =	shalt  }
0x4c: {  	_ =	shalt  }
0x4d: {  	_ =	shalt  }
0x4e: {  	_ =	shalt  }
0x4f: {  	_ =	shalt  }
0x50: {  	_ =	shalt  }
0x51: {  	_ =	shalt  }
0x52: {  	_ =	shalt  }
0x53: {  	_ =	shalt  }
0x54: {  	_ =	shalt  }
0x55: {  	_ =	shalt  }
0x56: {  	_ =	shalt  }
0x57: {  	_ =	shalt  }
0x58: {  	_ =	shalt  }
0x59: {  	_ =	shalt  }
0x5a: {  	_ =	shalt  }
0x5b: {  	_ =	shalt  }
0x5c: {  	_ =	shalt  }
0x5d: {  	_ =	shalt  }
0x5e: {  	_ =	shalt  }
0x5f: {  	_ =	shalt  }
0x60: {  	_ =	shalt  }
0x61: {  	_ =	shalt  }
0x62: {  	_ =	shalt  }
0x63: {  	_ =	shalt  }
0x64: {  	_ =	shalt  }
0x65: {  	_ =	shalt  }
0x66: {  	_ =	shalt  }
0x67: {  	_ =	shalt  }
0x68: {  	_ =	shalt  }
0x69: {  	_ =	shalt  }
0x6a: {  	_ =	shalt  }
0x6b: {  	_ =	shalt  }
0x6c: {  	_ =	shalt  }
0x6d: {  	_ =	shalt  }
0x6e: {  	_ =	shalt  }
0x6f: {  	_ =	shalt  }
0x70: {  	_ =	shalt  }
0x71: {  	_ =	shalt  }
0x72: {  	_ =	shalt  }
0x73: {  	_ =	shalt  }
0x74: {  	_ =	shalt  }
0x75: {  	_ =	shalt  }
0x76: {  	_ =	shalt  }
0x77: {  	_ =	shalt  }
0x78: {  	_ =	shalt  }
0x79: {  	_ =	shalt  }
0x7a: {  	_ =	shalt  }
0x7b: {  	_ =	shalt  }
0x7c: {  	_ =	shalt  }
0x7d: {  	_ =	shalt  }
0x7e: {  	_ =	shalt  }
0x7f: {  	_ =	shalt  }
0x80: {  	_ =	shalt  }
0x81: {  	_ =	shalt  }
0x82: {  	_ =	shalt  }
0x83: {  	_ =	shalt  }
0x84: {  	_ =	shalt  }
0x85: {  	_ =	shalt  }
0x86: {  	_ =	shalt  }
0x87: {  	_ =	shalt  }
.Lfunc_end0:
.L_simem_size_0:
called_computation.1_lowered:
.L_overlay_start_0:
0x88: {  	s2 =	sld [smem:$0x3FD9]  }
0x89: {  	s3 =	sld [smem:$0x3FFE];
	_ =	sdelay $0x1  }
0x8a: {  	s1 =	srdreg.scid  }
0x8b: {  	s0 =	sand.u32 $0x1, s1  }
0x8c: {  	s17 =	sshll.u32 s0, $0xA;
	s2 =	sadd.s32 s3, s2  }
0x8d: {  	s2 =	sadd.s32 s2, s17  }
0x8e: {  	[smem:$0x3FC6] =	sst s2  }
0x8f: {  	_ = 	snop  }
0x90: {  	s2 =	sld [smem:$0x3FC8]  }
0x91: {  	s18 =	sld [smem:$0x3FD0];
	(tm) =	ssettm $0x1  }
0x92: {  	s4 =	sld [smem:$0x3FFB];
	_ =	sdelay $0x3  }
0x93: {  	_ =	strace s4  }
0x94: {  	s4 =	sld [smem:$0x3FFC];
	_ =	sdelay $0x3  }
0x95: {  	_ =	strace s4  }
0x96: {  	s4 =	sld [smem:$0x3FFD];
	_ =	sdelay $0x3  }
0x97: {  	_ =	strace s4  }
0x98: {  	_ =	strace $0x8FFFFFFF  }
0x99: {  	s19 =	sld [smem:$0x3FDB];
	_ =	sdelay $0x1  }
0x9a: {  	s5 =	simm.s32 $_scs_section_size  }
0x9b: {  	s6 =	simm.s32 $_size__tile_overlayer_lowered;
	s7 =	simm.s32 $_tile_overlayer_lowered  }
0x9c: {  	s22 =	simm.s32 $0x1BFF;
	s21 =	sshll.u32 s7, $0x1;
	s4 =	sadd.s32 s5, s19  }
0x9d: {  	s8 =	simm.s32 $0x0;
	s20 =	sshll.u32 s6, $0x1;
	s6 =	sadd.s32 s21, s4  }
0x9e: {  	[timem:s8], [sflag:s22] =	dma.local [hbm:s6], s20  }
0x9f: {  	_ =	swait.ge [sflag:s22], s20  }
0xa0: {  	s5 =	ssub.s32 $0x0, s20;
	[sflag:s22] =	ssyncset.done $0x0  }
0xa1: {  	[sflag:s22] =	ssyncadd.s32 s5;
	_ =	sdelay $0x1  }
0xa2: {  	s23 =	simm.s32 $0x1B8B  }
0xa3: {  	_ =	swait.ge [sflag:s23], $0x1  }
0xa4: {  	[sflag:s23] =	ssyncset.done $0x0  }
0xa5: {  	s25 =	simm.s32 $0x1B8E;
	s24 =	sld [smem:$0x3FFE];
	[sflag:s23] =	ssyncadd.s32 $0xFFFFFFFF  }
0xa6: {  	s26 =	simm.s32 $execute0_lowered;
	[smem:$0x3FD2] =	sst s25  }
0xa7: {  	s6 =	sshll.u32 s26, $0x1;
	_ =	strace $0x80000049;
	[dreg:$0x1] =	wrdreg $0xFFFFFFFF  }
0xa8: {  	s28 =	simm.s32 $_size_execute0_lowered;
	s4 =	sadd.s32 s4, s6;
	[dreg:$0x0] =	wrdreg $0x0  }
0xa9: {  	s6 =	sshll.u32 s28, $0x1;
	[dreg:$0x2] =	wrdreg s4  }
0xaa: {  	[dreg:$0x3] =	wrdreg s6  }
0xab: {  	[dreg:$0x4] =	wrdreg $0xC0  }
0xac: {  	_ =	task [dreg:s8], $0x5FFFF  }
0xad: {  	[dreg:$0x1] =	wrdreg $0xFFFFFFFF  }
0xae: {  	[dreg:$0x0] =	wrdreg $0x60  }
0xaf: {  	[dreg:$0x2] =	wrdreg s24  }
0xb0: {  	[dreg:$0x3] =	wrdreg s2  }
0xb1: {  	[dreg:$0x4] =	wrdreg s18  }
0xb2: {  	[dreg:$0x5] =	wrdreg $0x33100  }
0xb3: {  	[dreg:$0x6] =	wrdreg $0x9  }
0xb4: {  	_ =	task.clear_ibuf [dreg:s8], $0x7FFFF;
	_ =	strace $0x90000049  }
0xb5: {  	s29 =	simm.s32 $0x9;
	_ =	strace $0x8000004B  }
0xb6: {  	_ =	swait.ge [sflag:s29], $0x1  }
0xb7: {  	[sflag:s29] =	ssyncadd.s32 $0xFFFFFFFF  }
0xb8: {  	_ =	strace $0x9000004B  }
0xb9: {  	_ =	sfence  }
0xba: {  	s30 =	sld [smem:$0x0];
	_ =	sdelay $0x2  }
0xbb: {  	s31 =	sshll.u32 s1, $0xD;
	s1 =	sshrl.u32 s1, $0x2  }
0xbc: {  	s3 =	sand.u32 $0x4000, s31;
	s1 =	sadd.s32 s1, s30  }
0xbd: {  	s0 =	sor.u32 s3, s0;
	s1 =	sshll.u32 s1, $0x11  }
0xbe: {  	s0 =	sor.u32 s1, s0  }
0xbf: {  	s0 =	sadd.s32 $0x8F2B, s0  }
0xc0: {  	[sflag:s0] =	ssyncadd.remote.s32 $0x1  }
0xc1: {  	_ =	sfence.sel $0xFFFF  }
0xc2: {  	[dreg:$0x0] =	wrdreg $0xFFFFFFFF;
	(pc) =	sbr.abs _section_cstart, $3  }
0xc3: {  	[dreg:$0x1] =	wrdreg $0xFFFFFFFF  }
0xc4: {  	_ =	task.clear_ibuf [dreg:s8], $0x2FFFF;
	_ =	strace $0x9FFFFFFF  }
0xc5: {  	(tm) =	ssettm $0x7FFFFFFF  }
tec
execute0_lowered:
.L_overlay_start_1:
0x0: {  	(tag) =	ssettag $0x1  }
0x1: {  	s0 =	rddreg [dreg:$0x0]  }
0x2: {  	s1 =	rddreg [dreg:$0x1]  }
0x3: {  	s4 =	rddreg [dreg:$0x3];
	s5 =	simm.s32 $0x0  }
0x4: {  	s2 =	stileid.u32;
	s3 =	srdreg.scid;
	s13 =	simm.s32 $0x3000  }
0x5: {  	s14 =	simm.s32 $0x1000;
	s15 =	simm.s32 $0x3080;
	s16 =	simm.s32 $0x2000  }
0x6: {  	s17 =	simm.s32 $0x3100;
	s20 =	simm.s32 $0x1;
	s21 =	simm.s32 $0x4  }
0x7: {  	s29 =	simm.s32 $0x3180;
	s22 =	simm.s32 $0x80;
	s30 =	simm.s32 $0x3200  }
0x8: {  	s23 =	simm.s32 $0x2;
	s31 =	simm.s32 $0x3280;
	s28 =	simm.s32 $0x0  }
0x9: {  	[smem:$0x7FF] =	sst s5;
	s7 =	sshll.u32 s2, $0x1;
	s3 =	sand.u32 $0x1, s3  }
0xa: {  	s6 =	sadd.s32 $0xE00, s0;
	s12 =	smul.u32 $0x61C00, s2;
	s26 =	sshll.u32 s2, $0x6  }
0xb: {  	p0 =	sgt.u32 s2, $0x9;
	_ =	strace $0x8000004A;
	s8 =	sadd.s32 s7, s0  }
0xc: {  	s9 =	ssub.s32 $0x2, s3;
	s11 =	sshll.u32 s3, $0x5;
	[dreg:$0x5] =	wrdreg s29  }
0xd: {  	s7 =	sadd.s32 $0x61B600, s0;
	s18 =	sor.u32 $0x1C07, s26;
	[dreg:$0x6] =	wrdreg s30  }
.Ltmp0:
0xe: {  	[dreg:$0x7] =	wrdreg s31;
	s26 =	simm.s32 $0x6;
	(pc) =	sbr.rel .LBB2_1-.Ltmp0, $4  }
0xf: {  	s10 =	sshrl.u32 s9, $0x1;
	s8 =	sadd.s32 s11, s8;
	s25 =	sshrl.u32 s12, $0x2  }
0x10: {  	s12 =	simm.s32 $0x7;
	s24 =	ssub.s32 s9, s10;
	s9 =	smul.u32 $0xC350, s3  }
0x11: {  	v0 =	vlaneseq.u32;
	s8 =	sadd.s32 $0x1E85600, s8;
	s3 =	sadd.s32 s25, s4;
	s25 =	simm.s32 $0x3  }
0x12: {  	v2 =	vor.u32 $0xC350, v0;
	s10 =	smax.u32 s24, $0x1;
	s19 =	sshrl.u32 s3, $0x3;
	s24 =	simm.s32 $0x5;
	v1 =	vmov s9  }
.LBB2_4:
0x13: {  	_ =	swait.ge [sflag:s20], $0x1000  }
0x14: {  	[sflag:s20] =	ssyncset.done $0x0  }
0x15: {  	[sflag:s20] =	ssyncadd.s32 $0xFFFFF000  }
0x16: {  	_ =	swait.ge [sflag:s21], $0x80  }
0x17: {  	[sflag:s21] =	ssyncset.done $0x0  }
0x18: {  	[sflag:s21] =	ssyncadd.s32 $0xFFFFFF80  }
0x19: {  	_ =	swait.ge [sflag:s23], $0x1000  }
0x1a: {  	[sflag:s23] =	ssyncset.done $0x0  }
0x1b: {  	[sflag:s23] =	ssyncadd.s32 $0xFFFFF000  }
0x1c: {  	_ =	swait.ge [sflag:s24], $0x80  }
0x1d: {  	[sflag:s24] =	ssyncset.done $0x0  }
0x1e: {  	[sflag:s24] =	ssyncadd.s32 $0xFFFFFF80  }
0x1f: {  	_ =	swait.ge [sflag:s25], $0x1000  }
0x20: {  	[sflag:s25] =	ssyncset.done $0x0  }
0x21: {  	[sflag:s25] =	ssyncadd.s32 $0xFFFFF000  }
0x22: {  	_ =	swait.ge [sflag:s26], $0x80  }
0x23: {  	s0 =	sadd.s32 s9, s30;
	[sflag:s26] =	ssyncset.done $0x0  }
0x24: {  	s2 =	sshll.u32 s30, $0x7;
	s28 =	sadd.s32 $0x1, s28;
	[sflag:s26] =	ssyncadd.s32 $0xFFFFFF80  }
0x25: {  	s3 =	sshll.u32 s0, $0x2;
	s2 =	sshra.s32 s2, $0x2;
	[bflag:$0x0] =	sbarrier.arrive $0xFFFF  }
0x26: {  	s3 =	sand.u32 $0x1FFFFFFC, s3;
	s2 =	sadd.s32 s2, s4;
	s29 =	rddreg [dreg:$0x2]  }
0x27: {  	s0 =	sshll.u32 @!p0 s0, $0x5;
	s11 =	sshrl.u32 s2, $0x3;
	s3 =	sadd.s32 s29, s3  }
0x28: {  	[hbm:s3], [sflag:s18] =	dma.local [spmem:s11], $0x30C0  }
0x29: {  	p1 =	sne.s32 s28, s10;
	s0 =	sadd.s32 @!p0 $0x18600, s0;
	_ =	swait.ge [sflag:s12], $0x30C0  }
0x2a: {  	s0 =	sshrl.u32 @!p0 s0, $0x3;
	s2 =	sadd.s32 @!p0 $0x18600, s2;
	[sflag:s12] =	ssyncset.done $0x0  }
0x2b: {  	s2 =	sshrl.u32 @!p0 s2, $0x3;
	s0 =	sadd.s32 @!p0 s29, s0;
	[sflag:s12] =	ssyncadd.s32 $0xFFFFCF40  }
0x2c: {  	[hbm:s0], [sflag:s18] =	dma.local @!p0 [spmem:s2], $0x20  }
.Ltmp1:
0x2d: {  	_ = 	snop;
	(pc) =	sbr.rel @!p1 .LBB2_5-.Ltmp1, $4  }
0x2e: {  	s0 =	simm.s32 @!p0 $0x7  }
0x2f: {  	_ =	swait.ge @!p0 [sflag:s0], $0x20  }
0x30: {  	[sflag:s0] =	ssyncset.done @!p0 $0x0  }
0x31: {  	[sflag:s0] =	ssyncadd.s32 @!p0 $0xFFFFFFE0  }
.LBB2_1:
0x32: {  	s0 =	simm.s32 $0x3300  }
0x33: {  	[tilespmem:s0], [sflag:$0x7] =	stream.linear.gather [hbm4b:s8+s5], $0x10, $0x38;
	[tilespmem:$0x1BA10] =	vst v63  }
0x34: {  	_ =	swait.ge [sflag:s12], $0x10  }
0x35: {  	[sflag:s12] =	ssyncset.done $0x0  }
0x36: {  	[sflag:s12] =	ssyncadd.s32 $0xFFFFFFF0  }
0x37: {  	v3 =	vld [tilespmem:$0x3300];
	_ =	sdelay $0x4  }
0x38: {  	(v2sf) =	vpush v3, $0x0  }
0x39: {  	(v2sf) =	vpush v3, $0x2;
	_ =	sdelay $0xd  }
0x3a: {  	s29 =	spop (v2sf)  }
0x3b: {  	s0 =	spop (v2sf)  }
0x3c: {  	p1 =	slt.s32 s0, $0x186980;
	s3 =	smov.u32 s0  }
0x3d: {  	s3 =	simm.s32 @!p1 $0x186980  }
0x3e: {  	s30 =	sshll.u32 s3, $0x2  }
0x3f: {  	s30 =	sand.u32 $0x1FFFFFFC, s30  }
0x40: {  	s3 =	sshrl.u32 s3, $0x3;
	s30 =	sadd.s32 s6, s30  }
0x41: {  	[tilespmem:s5], [sflag:$0x1] =	stream.linear.gather [hbm4b:s30+s5], $0x1000, $0x38;
	[tilespmem:$0x1BA10] =	vst v63  }
0x42: {  	s3 =	sadd.s32 s1, s3  }
0x43: {  	(v2sf) =	vpush v3, $0x3;
	[tilespmem:s13], [sflag:$0x4] =	stream.linear.gather [hbm4b:s3+s5], $0x80, $0x38;
	[tilespmem:$0x1BA10] =	vst v63  }
0x44: {  	s3 =	sadd.s32 $0x80, s0  }
0x45: {  	(v2sf) =	vpush v3, $0x4;
	p1 =	slt.s32 s3, $0x186980  }
0x46: {  	s3 =	simm.s32 @!p1 $0x186980  }
0x47: {  	s30 =	sshll.u32 s3, $0x2  }
0x48: {  	s30 =	sand.u32 $0x1FFFFFFC, s30  }
0x49: {  	s3 =	sshrl.u32 s3, $0x3;
	s30 =	sadd.s32 s6, s30  }
0x4a: {  	[tilespmem:s14], [sflag:$0x2] =	stream.linear.gather [hbm4b:s30+s5], $0x1000, $0x38;
	[tilespmem:$0x1BA10] =	vst v63  }
0x4b: {  	s3 =	sadd.s32 s1, s3  }
0x4c: {  	[tilespmem:s15], [sflag:$0x5] =	stream.linear.gather [hbm4b:s3+s5], $0x80, $0x38;
	[tilespmem:$0x1BA10] =	vst v63  }
0x4d: {  	s3 =	sadd.s32 $0x100, s0  }
0x4e: {  	p1 =	slt.s32 s3, $0x186980  }
0x4f: {  	s3 =	simm.s32 @!p1 $0x186980  }
0x50: {  	s30 =	sshll.u32 s3, $0x2  }
0x51: {  	s30 =	sand.u32 $0x1FFFFFFC, s30  }
0x52: {  	s31 =	spop (v2sf);
	s3 =	sshrl.u32 s3, $0x3;
	s30 =	sadd.s32 s6, s30  }
0x53: {  	[tilespmem:s16], [sflag:$0x3] =	stream.linear.gather [hbm4b:s30+s5], $0x1000, $0x38;
	[tilespmem:$0x1BA10] =	vst v63  }
0x54: {  	p1 =	slt.s32 s31, $0x1;
	s3 =	sadd.s32 s1, s3;
	s30 =	spop (v2sf)  }
0x55: {  	[tilespmem:s17], [sflag:$0x6] =	stream.linear.gather [hbm4b:s3+s5], $0x80, $0x38;
	[tilespmem:$0x1BA10] =	vst v63  }
0x56: {  	[spmem:s19], [sflag:s18] =	dma.local [hbm:s7], $0x30E0  }
.Ltmp2:
0x57: {  	_ =	swait.ge [sflag:s12], $0x30E0;
	(pc) =	sbr.rel @p1 .LBB2_4-.Ltmp2, $3  }
0x58: {  	[sflag:s12] =	ssyncset.done $0x0  }
0x59: {  	[sflag:s12] =	ssyncadd.s32 $0xFFFFCF20  }
0x5a: {  	[bflag:$0x0] =	sbarrier.arrive $0xFFFF;
	_ =	sdelay $0x1  }
0x5b: {  	v3 =	vbroadcast v3, $0x1;
	s0 =	sadd.s32 $0x280, s0  }
.LBB2_3:
0x5c: {  	_ =	swait.ge [sflag:s20], $0x1000;
	s3 =	sadd.s32 $0xFFFFFD80, s0  }
0x5d: {  	[sflag:s20] =	ssyncset.done $0x0;
	p1 =	slt.s32 s3, $0x186980;
	s11 =	smov.u32 s3  }
0x5e: {  	[sflag:s20] =	ssyncadd.s32 $0xFFFFF000;
	s11 =	simm.s32 @!p1 $0x186980;
	p1 =	sgt.s32 s29, s3  }
0x5f: {  	_ =	swait.ge [sflag:s21], $0x80;
	s3 =	smov.u32 @p1 s29;
	v5 =	vadd.s32 s11, v0  }
0x60: {  	s2 =	sadd.s32 $0x10, s11;
	[sflag:s21] =	ssyncset.done $0x0;
	vm0 =	vge.s32 v5, s3;
	vm1 =	vlt.s32 v5, v3  }
0x61: {  	v5 =	vadd.s32 s2, v0;
	s2 =	sadd.s32 $0x20, s11;
	[sflag:s21] =	ssyncadd.s32 $0xFFFFFF80;
	vm0 =	vmand vm0, vm1  }
0x62: {  	vm10 =	vge.s32 v5, s3;
	vm2 =	vlt.s32 v5, v3;
	v5 =	vadd.s32 s2, v0;
	s2 =	sadd.s32 $0x30, s11;
	v4 =	vld [tilespmem:$0x3000]  }
0x63: {  	v6 =	vld [tilespmem:$0x3010];
	vm11 =	vmand vm10, vm2;
	vm12 =	vge.s32 v5, s3;
	v29 =	vadd.s32 s2, v0  }
0x64: {  	v7 =	vld [tilespmem:$0x3020];
	vm13 =	vlt.s32 v5, v3;
	s2 =	sadd.s32 $0x40, s11;
	vm15 =	vge.s32 v29, s3;
	vm4 =	vlt.s32 v29, v3  }
0x65: {  	v8 =	vld [tilespmem:$0x3030];
	vm14 =	vmand vm12, vm13;
	v31 =	vadd.s32 s2, v0;
	s2 =	sadd.s32 $0x50, s11;
	vm5 =	vmand vm15, vm4  }
0x66: {  	v10 =	vld [tilespmem:$0x3050];
	vm6 =	vge.s32 v31, s3;
	vm7 =	vlt.s32 v31, v3;
	v33 =	vadd.s32 s2, v0;
	s2 =	sadd.s32 $0x60, s11;
	s11 =	sadd.s32 $0x70, s11  }
0x67: {  	v9 =	vld [tilespmem:$0x3040];
	vm8 =	vmand vm6, vm7;
	vm9 =	vge.s32 v33, s3;
	v36 =	vadd.s32 s11, v0  }
0x68: {  	vm10 =	vlt.s32 v33, v3;
	vm15 =	vge.s32 v36, s3;
	v4 =	vsub.s32 v4, v1  }
0x69: {  	v11 =	vld [tilespmem:$0x3060];
	vm4 =	vlt.s32 v36, v3;
	v6 =	vsub.s32 v6, v1;
	v4 =	vsel vm0, v4, v2  }
0x6a: {  	v34 =	vld [tilespmem:$0x3070];
	v7 =	vsub.s32 v7, v1;
	v8 =	vsub.s32 v8, v1;
	v5 =	vsel vm11, v6, v2;
	[tilespmem:$0x3180] =	vst v4  }
0x6b: {  	v35 =	vsub.s32 v10, v1;
	v30 =	vsel vm14, v7, v2;
	v32 =	vsel vm5, v8, v2;
	[tilespmem:$0x3190] =	vst v5  }
0x6c: {  	vm11 =	vmand vm9, vm10;
	v4 =	vsub.s32 v9, v1;
	v5 =	vadd.s32 s2, v0;
	[tilespmem:$0x31A0] =	vst v30  }
0x6d: {  	[tilespmem:$0x31B0] =	vst v32;
	v4 =	vsel vm8, v4, v2;
	vm12 =	vge.s32 v5, s3;
	vm13 =	vlt.s32 v5, v3  }
0x6e: {  	v5 =	vsel vm11, v35, v2;
	vm14 =	vmand vm12, vm13;
	[tilespmem:$0x31C0] =	vst v4;
	v4 =	vsub.s32 v11, v1  }
0x6f: {  	vm5 =	vmand vm15, vm4;
	s2 =	sadd.s32 $0xFFFFFF00, s0;
	[tilespmem:$0x31D0] =	vst v5;
	v5 =	vsub.s32 v34, v1;
	v4 =	vsel vm14, v4, v2  }
0x70: {  	p1 =	slt.s32 s2, $0x186980;
	[tilespmem:$0x31E0] =	vst v4;
	v4 =	vsel vm5, v5, v2  }
0x71: {  	s3 =	rddreg [dreg:$0x5];
	s2 =	simm.s32 @!p1 $0x186980;
	[tilespmem:$0x31F0] =	vst v4  }
0x72: {  	[spmem:s4] =	stream.indirect.scatter.add.f32 [tilespmem:s5], [sflag:$0x7], $0x20, s3, s22, $0xb8;
	[tilespmem:$0x1BA10] =	vst v63  }
0x73: {  	s11 =	sshll.u32 s2, $0x2;
	_ =	swait.ge [sflag:s12], $0x1000  }
0x74: {  	s3 =	sand.u32 $0x1FFFFFFC, s11;
	[sflag:s12] =	ssyncset.done $0x0  }
0x75: {  	s2 =	sshrl.u32 s2, $0x3;
	s3 =	sadd.s32 s6, s3;
	[sflag:s12] =	ssyncadd.s32 $0xFFFFF000  }
0x76: {  	[tilespmem:s5], [sflag:$0x1] =	stream.linear.gather [hbm4b:s3+s5], $0x1000, $0x38;
	[tilespmem:$0x1BA10] =	vst v63  }
0x77: {  	s2 =	sadd.s32 s1, s2  }
0x78: {  	[tilespmem:s13], [sflag:$0x4] =	stream.linear.gather [hbm4b:s2+s5], $0x80, $0x38;
	[tilespmem:$0x1BA10] =	vst v63  }
0x79: {  	s3 =	sadd.s32 $0xFFFFFE00, s0;
	_ =	swait.ge [sflag:s23], $0x1000  }
0x7a: {  	p1 =	slt.s32 s3, $0x186980;
	s2 =	smov.u32 s3;
	[sflag:s23] =	ssyncset.done $0x0  }
0x7b: {  	s2 =	simm.s32 @!p1 $0x186980;
	p1 =	sgt.s32 s29, s3;
	[sflag:s23] =	ssyncadd.s32 $0xFFFFF000  }
0x7c: {  	s3 =	smov.u32 @p1 s29;
	v5 =	vadd.s32 s2, v0;
	_ =	swait.ge [sflag:s24], $0x80  }
0x7d: {  	s11 =	sadd.s32 $0x10, s2;
	vm6 =	vge.s32 v5, s3;
	vm7 =	vlt.s32 v5, v3;
	[sflag:s24] =	ssyncset.done $0x0  }
0x7e: {  	v5 =	vadd.s32 s11, v0;
	s11 =	sadd.s32 $0x20, s2;
	vm0 =	vmand vm6, vm7;
	[sflag:s24] =	ssyncadd.s32 $0xFFFFFF80  }
0x7f: {  	vm8 =	vge.s32 v5, s3;
	vm9 =	vlt.s32 v5, v3;
	v5 =	vadd.s32 s11, v0;
	s11 =	sadd.s32 $0x30, s2;
	v4 =	vld [tilespmem:$0x3080]  }
0x80: {  	vm10 =	vmand vm8, vm9;
	vm11 =	vge.s32 v5, s3;
	v40 =	vadd.s32 s11, v0;
	v37 =	vld [tilespmem:$0x3090]  }
0x81: {  	vm12 =	vlt.s32 v5, v3;
	s11 =	sadd.s32 $0x40, s2;
	vm14 =	vge.s32 v40, s3;
	vm15 =	vlt.s32 v40, v3;
	v38 =	vld [tilespmem:$0x30A0]  }
0x82: {  	vm13 =	vmand vm11, vm12;
	v43 =	vadd.s32 s11, v0;
	s11 =	sadd.s32 $0x50, s2;
	v39 =	vld [tilespmem:$0x30B0];
	vm4 =	vmand vm14, vm15  }
0x83: {  	v44 =	vld [tilespmem:$0x30D0];
	vm5 =	vge.s32 v43, s3;
	vm6 =	vlt.s32 v43, v3;
	v46 =	vadd.s32 s11, v0;
	s11 =	sadd.s32 $0x60, s2;
	s2 =	sadd.s32 $0x70, s2  }
0x84: {  	v41 =	vld [tilespmem:$0x30C0];
	vm7 =	vmand vm5, vm6;
	vm8 =	vge.s32 v46, s3;
	v50 =	vadd.s32 s2, v0  }
0x85: {  	vm9 =	vlt.s32 v46, v3;
	vm14 =	vge.s32 v50, s3;
	v4 =	vsub.s32 v4, v1  }
0x86: {  	v47 =	vld [tilespmem:$0x30E0];
	vm15 =	vlt.s32 v50, v3;
	v6 =	vsub.s32 v37, v1;
	v4 =	vsel vm0, v4, v2  }
0x87: {  	v48 =	vld [tilespmem:$0x30F0];
	v7 =	vsub.s32 v38, v1;
	v8 =	vsub.s32 v39, v1;
	v5 =	vsel vm10, v6, v2;
	[tilespmem:$0x3200] =	vst v4  }
0x88: {  	v49 =	vsub.s32 v44, v1;
	v42 =	vsel vm13, v7, v2;
	v45 =	vsel vm4, v8, v2;
	[tilespmem:$0x3210] =	vst v5  }
0x89: {  	vm10 =	vmand vm8, vm9;
	v4 =	vsub.s32 v41, v1;
	v5 =	vadd.s32 s11, v0;
	[tilespmem:$0x3220] =	vst v42  }
0x8a: {  	[tilespmem:$0x3230] =	vst v45;
	v4 =	vsel vm7, v4, v2;
	vm11 =	vge.s32 v5, s3;
	vm12 =	vlt.s32 v5, v3  }
0x8b: {  	v5 =	vsel vm10, v49, v2;
	vm13 =	vmand vm11, vm12;
	[tilespmem:$0x3240] =	vst v4;
	v4 =	vsub.s32 v47, v1  }
0x8c: {  	s2 =	sadd.s32 $0xFFFFFF80, s0;
	vm4 =	vmand vm14, vm15;
	[tilespmem:$0x3250] =	vst v5;
	v5 =	vsub.s32 v48, v1;
	v4 =	vsel vm13, v4, v2  }
0x8d: {  	p1 =	slt.s32 s2, $0x186980;
	[tilespmem:$0x3260] =	vst v4;
	v4 =	vsel vm4, v5, v2  }
0x8e: {  	s2 =	simm.s32 @!p1 $0x186980;
	s3 =	rddreg [dreg:$0x6];
	[tilespmem:$0x3270] =	vst v4  }
0x8f: {  	[spmem:s4] =	stream.indirect.scatter.add.f32 [tilespmem:s14], [sflag:$0x7], $0x20, s3, s22, $0xb8;
	[tilespmem:$0x1BA10] =	vst v63  }
0x90: {  	s11 =	sshll.u32 s2, $0x2;
	_ =	swait.ge [sflag:s12], $0x1000  }
0x91: {  	s3 =	sand.u32 $0x1FFFFFFC, s11;
	[sflag:s12] =	ssyncset.done $0x0  }
0x92: {  	s2 =	sshrl.u32 s2, $0x3;
	s3 =	sadd.s32 s6, s3;
	[sflag:s12] =	ssyncadd.s32 $0xFFFFF000  }
0x93: {  	[tilespmem:s14], [sflag:$0x2] =	stream.linear.gather [hbm4b:s3+s5], $0x1000, $0x38;
	[tilespmem:$0x1BA10] =	vst v63  }
0x94: {  	s2 =	sadd.s32 s1, s2  }
0x95: {  	[tilespmem:s15], [sflag:$0x5] =	stream.linear.gather [hbm4b:s2+s5], $0x80, $0x38;
	[tilespmem:$0x1BA10] =	vst v63  }
0x96: {  	s3 =	sadd.s32 $0xFFFFFE80, s0;
	_ =	swait.ge [sflag:s25], $0x1000  }
0x97: {  	p1 =	slt.s32 s3, $0x186980;
	s2 =	smov.u32 s3;
	[sflag:s25] =	ssyncset.done $0x0  }
0x98: {  	s2 =	simm.s32 @!p1 $0x186980;
	p1 =	sgt.s32 s29, s3;
	[sflag:s25] =	ssyncadd.s32 $0xFFFFF000  }
0x99: {  	s3 =	smov.u32 @p1 s29;
	v5 =	vadd.s32 s2, v0;
	_ =	swait.ge [sflag:s26], $0x80  }
0x9a: {  	s11 =	sadd.s32 $0x10, s2;
	vm5 =	vge.s32 v5, s3;
	vm6 =	vlt.s32 v5, v3;
	[sflag:s26] =	ssyncset.done $0x0  }
0x9b: {  	v5 =	vadd.s32 s11, v0;
	s11 =	sadd.s32 $0x20, s2;
	vm0 =	vmand vm5, vm6;
	[sflag:s26] =	ssyncadd.s32 $0xFFFFFF80  }
0x9c: {  	vm7 =	vge.s32 v5, s3;
	vm8 =	vlt.s32 v5, v3;
	v5 =	vadd.s32 s11, v0;
	s11 =	sadd.s32 $0x30, s2;
	v4 =	vld [tilespmem:$0x3100]  }
0x9d: {  	vm9 =	vmand vm7, vm8;
	vm10 =	vge.s32 v5, s3;
	v54 =	vadd.s32 s11, v0;
	v51 =	vld [tilespmem:$0x3110]  }
0x9e: {  	vm11 =	vlt.s32 v5, v3;
	s11 =	sadd.s32 $0x40, s2;
	vm13 =	vge.s32 v54, s3;
	vm14 =	vlt.s32 v54, v3;
	v52 =	vld [tilespmem:$0x3120]  }
0x9f: {  	vm12 =	vmand vm10, vm11;
	v57 =	vadd.s32 s11, v0;
	s11 =	sadd.s32 $0x50, s2;
	v53 =	vld [tilespmem:$0x3130];
	vm15 =	vmand vm13, vm14  }
0xa0: {  	v55 =	vld [tilespmem:$0x3140];
	vm4 =	vge.s32 v57, s3;
	vm5 =	vlt.s32 v57, v3;
	v60 =	vadd.s32 s11, v0;
	s11 =	sadd.s32 $0x60, s2;
	s2 =	sadd.s32 $0x70, s2  }
0xa1: {  	vm6 =	vmand vm4, vm5;
	vm7 =	vge.s32 v60, s3;
	v63 =	vadd.s32 s2, v0  }
0xa2: {  	v58 =	vld [tilespmem:$0x3150];
	vm8 =	vlt.s32 v60, v3;
	vm13 =	vge.s32 v63, s3;
	v4 =	vsub.s32 v4, v1  }
0xa3: {  	v61 =	vld [tilespmem:$0x3160];
	vm14 =	vlt.s32 v63, v3;
	v6 =	vsub.s32 v51, v1;
	v4 =	vsel vm0, v4, v2  }
0xa4: {  	v62 =	vld [tilespmem:$0x3170];
	v7 =	vsub.s32 v52, v1;
	v8 =	vsub.s32 v53, v1;
	v5 =	vsel vm9, v6, v2;
	[tilespmem:$0x3280] =	vst v4  }
0xa5: {  	v56 =	vsel vm12, v7, v2;
	v59 =	vsel vm15, v8, v2;
	v4 =	vsub.s32 v55, v1;
	[tilespmem:$0x3290] =	vst v5  }
0xa6: {  	vm9 =	vmand vm7, vm8;
	v5 =	vadd.s32 s11, v0;
	[tilespmem:$0x32A0] =	vst v56;
	v4 =	vsel vm6, v4, v2  }
0xa7: {  	[tilespmem:$0x32B0] =	vst v59;
	vm10 =	vge.s32 v5, s3;
	vm11 =	vlt.s32 v5, v3;
	v5 =	vsub.s32 v58, v1  }
0xa8: {  	v5 =	vsel vm9, v5, v2;
	vm12 =	vmand vm10, vm11;
	[tilespmem:$0x32C0] =	vst v4;
	v4 =	vsub.s32 v61, v1  }
0xa9: {  	vm15 =	vmand vm13, vm14;
	v4 =	vsel vm12, v4, v2;
	[tilespmem:$0x32D0] =	vst v5;
	v5 =	vsub.s32 v62, v1  }
0xaa: {  	p1 =	slt.s32 s0, $0x186980;
	[tilespmem:$0x32E0] =	vst v4;
	v4 =	vsel vm15, v5, v2  }
0xab: {  	s2 =	sadd.s32 $0x180, s0;
	s0 =	simm.s32 @!p1 $0x186980;
	s3 =	rddreg [dreg:$0x7];
	[tilespmem:$0x32F0] =	vst v4  }
0xac: {  	[spmem:s4] =	stream.indirect.scatter.add.f32 [tilespmem:s16], [sflag:$0x7], $0x20, s3, s22, $0xb8;
	[tilespmem:$0x1BA10] =	vst v63  }
0xad: {  	p1 =	sne.s32 s31, $0x1;
	s11 =	sshll.u32 s0, $0x2;
	_ =	swait.ge [sflag:s12], $0x1000  }
0xae: {  	s0 =	sshrl.u32 s0, $0x3;
	s3 =	sand.u32 $0x1FFFFFFC, s11;
	[sflag:s12] =	ssyncset.done $0x0  }
.Ltmp3:
0xaf: {  	s3 =	sadd.s32 s6, s3;
	[sflag:s12] =	ssyncadd.s32 $0xFFFFF000;
	(pc) =	sbr.rel @p1 .LBB2_3-.Ltmp3, $4  }
0xb0: {  	[tilespmem:s16], [sflag:$0x3] =	stream.linear.gather [hbm4b:s3+s5], $0x1000, $0x38;
	[tilespmem:$0x1BA10] =	vst v63  }
0xb1: {  	s0 =	sadd.s32 s1, s0  }
0xb2: {  	[tilespmem:s17], [sflag:$0x6] =	stream.linear.gather [hbm4b:s0+s5], $0x80, $0x38;
	[tilespmem:$0x1BA10] =	vst v63  }
0xb3: {  	s31 =	sadd.s32 $0xFFFFFFFF, s31;
	s0 =	smov.u32 s2  }
.Ltmp4:
0xb4: {  	_ = 	snop;
	(pc) =	sbr.rel .LBB2_4-.Ltmp4, $1  }
0xb5: {  	_ =	sdelay $0x3  }
.LBB2_5:
0xb6: {  	_ =	sfence.sel $0x180000  }
0xb7: {  	[bflag:$0x0] =	sbarrier.arrive $0xFFFF  }
0xb8: {  	_ =	strace $0x9000004A  }
0xb9: {  	s0 =	stileid.u32;
	[bflag:$0x2] =	sbarrier.arrive $0xFFFF  }
0xba: {  	p0 =	sne.s32 s0, $0x0;
	s0 =	rddreg [dreg:$0x4]  }
0xbb: {  	s0 =	sadd.s32 @!p0 $0x100000, s0  }
0xbc: {  	[sflag:s0] =	ssyncadd.tile.s32 @!p0 $0x1;
	_ =	shalt  }
.Lfunc_end2:
_tile_overlayer_lowered:
.L_overlay_start_2:
0xbd: {  	(tag) =	ssettag $0x2  }
0xbe: {  	s0 =	rddreg [dreg:$0x0];
	s2 =	stileid.u32  }
0xbf: {  	s1 =	rddreg [dreg:$0x1];
	p0 =	sne.s32 s2, $0x0  }
0xc0: {  	s3 =	rddreg [dreg:$0x2];
	[bflag:$0x3] =	sbarrier.arrive $0xFFFF;
	s2 =	simm.s32 @!p0 $0x1C07  }
0xc1: {  	[timem:s3], [sflag:s2] =	dma.local @!p0 [hbm:s0], s1  }
0xc2: {  	s0 =	simm.s32 @!p0 $0x7  }
0xc3: {  	_ =	swait.ge @!p0 [sflag:s0], s1  }
0xc4: {  	s1 =	ssub.s32 @!p0 $0x0, s1;
	[sflag:s0] =	ssyncset.done @!p0 $0x0  }
0xc5: {  	[sflag:s0] =	ssyncadd.s32 @!p0 s1  }
0xc6: {  	[bflag:$0x3] =	sbarrier.arrive $0xFFFF  }
0xc7: {  	_ =	shalt  }

// kernel: sparse-core-data-format-call.cloned.1.call-start
scs
called_computation_lowered:
.L_overlay_start_0:
0x0: {  	s1 =	sld [smem:$0x3FD9]  }
0x1: {  	s2 =	sld [smem:$0x3FFE];
	_ =	sdelay $0x1  }
0x2: {  	s3 =	srdreg.scid  }
0x3: {  	s0 =	sand.u32 $0x1, s3  }
0x4: {  	s17 =	sshll.u32 s0, $0xA;
	s1 =	sadd.s32 s2, s1  }
0x5: {  	s1 =	sadd.s32 s1, s17  }
0x6: {  	[smem:$0x3FC6] =	sst s1  }
0x7: {  	_ = 	snop  }
0x8: {  	(tm) =	ssettm $0x1  }
0x9: {  	s18 =	sld [smem:$0x3FFB];
	_ =	sdelay $0x3  }
0xa: {  	_ =	strace s18  }
0xb: {  	s1 =	sld [smem:$0x3FFC];
	_ =	sdelay $0x3  }
0xc: {  	_ =	strace s1  }
0xd: {  	s1 =	sld [smem:$0x3FFD];
	_ =	sdelay $0x3  }
0xe: {  	_ =	strace s1  }
0xf: {  	_ =	strace $0x8FFFFFFF  }
0x10: {  	s19 =	sld [smem:$0x3FDB];
	_ =	sdelay $0x1  }
0x11: {  	s20 =	simm.s32 $_scs_section_size  }
0x12: {  	s4 =	simm.s32 $_size__tile_overlayer_lowered;
	s5 =	simm.s32 $_tile_overlayer_lowered  }
0x13: {  	s23 =	simm.s32 $0x1BFF;
	s22 =	sshll.u32 s5, $0x1;
	s1 =	sadd.s32 s20, s19  }
0x14: {  	s6 =	simm.s32 $0x0;
	s21 =	sshll.u32 s4, $0x1;
	s4 =	sadd.s32 s22, s1  }
0x15: {  	[timem:s6], [sflag:s23] =	dma.local [hbm:s4], s21  }
0x16: {  	_ =	swait.ge [sflag:s23], s21  }
0x17: {  	s2 =	ssub.s32 $0x0, s21;
	[sflag:s23] =	ssyncset.done $0x0  }
0x18: {  	[sflag:s23] =	ssyncadd.s32 s2;
	_ =	sdelay $0x1  }
0x19: {  	s24 =	simm.s32 $0x1B8B  }
0x1a: {  	_ =	swait.ge [sflag:s24], $0x1  }
0x1b: {  	[sflag:s24] =	ssyncset.done $0x0  }
0x1c: {  	s26 =	simm.s32 $0x1B8E;
	s25 =	sld [smem:$0x3FFE];
	[sflag:s24] =	ssyncadd.s32 $0xFFFFFFFF  }
0x1d: {  	s27 =	simm.s32 $execute0_lowered;
	[smem:$0x3FD2] =	sst s26  }
0x1e: {  	s4 =	sshll.u32 s27, $0x1;
	_ =	strace $0x80000046;
	[dreg:$0x1] =	wrdreg $0xFFFFFFFF  }
0x1f: {  	s28 =	simm.s32 $_size_execute0_lowered;
	s1 =	sadd.s32 s1, s4;
	[dreg:$0x0] =	wrdreg $0x0  }
0x20: {  	s4 =	sshll.u32 s28, $0x1;
	[dreg:$0x2] =	wrdreg s1  }
0x21: {  	[dreg:$0x3] =	wrdreg s4  }
0x22: {  	[dreg:$0x4] =	wrdreg $0xC0  }
0x23: {  	_ =	task [dreg:s6], $0x5FFFF  }
0x24: {  	[dreg:$0x1] =	wrdreg $0xFFFFFFFF  }
0x25: {  	[dreg:$0x0] =	wrdreg $0x60  }
0x26: {  	[dreg:$0x2] =	wrdreg s25  }
0x27: {  	[dreg:$0x3] =	wrdreg $0x9  }
0x28: {  	_ =	task.clear_ibuf [dreg:s6], $0x4FFFF;
	_ =	strace $0x90000046  }
0x29: {  	s29 =	simm.s32 $0x9;
	_ =	strace $0x80000048  }
0x2a: {  	_ =	swait.ge [sflag:s29], $0x1  }
0x2b: {  	[sflag:s29] =	ssyncadd.s32 $0xFFFFFFFF  }
0x2c: {  	_ =	strace $0x90000048  }
0x2d: {  	_ =	sfence  }
0x2e: {  	s30 =	sld [smem:$0x0];
	_ =	sdelay $0x2  }
0x2f: {  	s31 =	sshll.u32 s3, $0xD;
	s3 =	sshrl.u32 s3, $0x2  }
0x30: {  	s2 =	sand.u32 $0x4000, s31;
	s1 =	sadd.s32 s3, s30  }
0x31: {  	s0 =	sor.u32 s2, s0;
	s1 =	sshll.u32 s1, $0x11  }
0x32: {  	s0 =	sor.u32 s1, s0  }
0x33: {  	s0 =	sadd.s32 $0x8F2B, s0  }
0x34: {  	[sflag:s0] =	ssyncadd.remote.s32 $0x1  }
0x35: {  	_ =	sfence.sel $0xFFFF  }
0x36: {  	[dreg:$0x0] =	wrdreg $0xFFFFFFFF;
	(pc) =	sbr.abs _section_cstart, $3  }
0x37: {  	[dreg:$0x1] =	wrdreg $0xFFFFFFFF  }
0x38: {  	_ =	task.clear_ibuf [dreg:s6], $0x2FFFF;
	_ =	strace $0x9FFFFFFF  }
0x39: {  	(tm) =	ssettm $0x7FFFFFFF  }
tec
execute0_lowered:
.L_overlay_start_1:
0x0: {  	(tag) =	ssettag $0x1  }
0x1: {  	s0 =	srdreg.scid  }
0x2: {  	s6 =	rddreg [dreg:$0x0];
	s7 =	simm.s32 $0x1;
	s1 =	sshll.u32 s0, $0x4  }
0x3: {  	s8 =	simm.s32 $0x2;
	s0 =	stileid.u32;
	s1 =	sand.u32 $0x10, s1  }
0x4: {  	s13 =	simm.s32 $0x0;
	s12 =	simm.s32 $0x0;
	s1 =	sor.u32 s0, s1  }
0x5: {  	s10 =	simm.s32 $0x0;
	s3 =	sadd.s32 $0xE00, s6;
	s2 =	sshll.u32 s1, $0x9  }
0x6: {  	s11 =	simm.s32 $0x0;
	s6 =	sadd.s32 $0x61B600, s6;
	s5 =	ssub.s32 $0x186A00, s2  }
.Ltmp0:
0x7: {  	s1 =	rddreg [dreg:$0x1];
	s4 =	sand.u32 $0x3E00, s5;
	(pc) =	sbr.rel .LBB1_1-.Ltmp0, $4  }
0x8: {  	_ =	strace $0x80000047;
	s9 =	smov.u32 s2;
	p0 =	sne.s32 s4, $0x0  }
0x9: {  	s5 =	sshrl.u32 s5, $0xE;
	s4 =	simm.s32 $0x1;
	s7 =	simm.s32 @!p0 $0x0  }
0xa: {  	[sflag:s4] =	ssyncpa.u1 $0x0;
	p0 =	por $0x0, $0x0;
	s5 =	sadd.s32 s7, s5  }
0xb: {  	[sflag:s8] =	ssyncpa.u1 $0x0;
	s8 =	simm.s32 $0x80;
	s7 =	sadd.s32 $0x1, s5  }
.LBB1_4:
0xc: {  	_ = 	snop  }
0xd: {  	[tilespmem:s18+$0x2D60 ss:$0x21] =	vst.msk $0xffff, v7  }
0xe: {  	[tilespmem:s18+$0x2F70 ss:$0x21] =	vst.msk $0xffff, v6  }
0xf: {  	[tilespmem:s18+$0x3390 ss:$0x21] =	vst.msk $0xffff, v3  }
0x10: {  	s21 =	sor.u32 s24, s23;
	v31 =	vld.idx.msk [tilespmem:v0+s16+$0xC70 ss:$0x1], $0xffff;
	[tilespmem:s18+$0x35A0 ss:$0x21] =	vst.msk $0xffff, v1  }
0x11: {  	[tilespmem:s18+$0x37B0 ss:$0x21] =	vst.msk $0xffff, v2;
	v43 =	vld.idx.msk [tilespmem:v0+s21+$0x410 ss:$0x1], $0xffff  }
0x12: {  	[tilespmem:s18+$0x39C0 ss:$0x21] =	vst.msk $0xffff, v4;
	v44 =	vld.idx.msk [tilespmem:v0+s21+$0x420 ss:$0x1], $0xffff  }
0x13: {  	[tilespmem:s18+$0x3BD0 ss:$0x21] =	vst.msk $0xffff, v5;
	s22 =	sand.u32 $0x3200, s21;
	v45 =	vld.idx.msk [tilespmem:v0+s21+$0x430 ss:$0x1], $0xffff  }
0x14: {  	s20 =	sand.u32 $0x180, s20;
	s25 =	sshra.s32 s19, $0x2;
	[tilespmem:s18+$0x3DE0 ss:$0x21] =	vst.msk $0xffff, v8;
	v46 =	vld.idx.msk [tilespmem:v0+s21+$0x440 ss:$0x1], $0xffff;
	s15 =	sadd.s32 s22, s15  }
0x15: {  	v47 =	vld.idx.msk [tilespmem:v0+s21+$0x450 ss:$0x1], $0xffff;
	s24 =	sadd.s32 s20, s15;
	s15 =	sadd.s32 s25, s17;
	[tilespmem:s18+$0x3FF0 ss:$0x21] =	vst.msk $0xffff, v31  }
0x16: {  	v48 =	vld.idx.msk [tilespmem:v0+s21+$0x460 ss:$0x1], $0xffff;
	[tilespmem:s15+$0x1290 ss:$0x21] =	vst.msk $0xffff, v43  }
0x17: {  	v49 =	vld.idx.msk [tilespmem:v0+s21+$0x470 ss:$0x1], $0xffff;
	[tilespmem:s15+$0x14A0 ss:$0x21] =	vst.msk $0xffff, v44  }
0x18: {  	v50 =	vld.idx.msk [tilespmem:v0+s21+$0x810 ss:$0x1], $0xffff;
	[tilespmem:s15+$0x16B0 ss:$0x21] =	vst.msk $0xffff, v45  }
0x19: {  	v51 =	vld.idx.msk [tilespmem:v0+s21+$0x820 ss:$0x1], $0xffff;
	[tilespmem:s15+$0x18C0 ss:$0x21] =	vst.msk $0xffff, v46  }
0x1a: {  	v52 =	vld.idx.msk [tilespmem:v0+s21+$0x830 ss:$0x1], $0xffff;
	[tilespmem:s15+$0x1AD0 ss:$0x21] =	vst.msk $0xffff, v47  }
0x1b: {  	v53 =	vld.idx.msk [tilespmem:v0+s21+$0x840 ss:$0x1], $0xffff;
	[tilespmem:s15+$0x1CE0 ss:$0x21] =	vst.msk $0xffff, v48  }
0x1c: {  	v54 =	vld.idx.msk [tilespmem:v0+s21+$0x850 ss:$0x1], $0xffff;
	[tilespmem:s15+$0x1EF0 ss:$0x21] =	vst.msk $0xffff, v49  }
0x1d: {  	v55 =	vld.idx.msk [tilespmem:v0+s21+$0x860 ss:$0x1], $0xffff;
	[tilespmem:s15+$0x2310 ss:$0x21] =	vst.msk $0xffff, v50  }
0x1e: {  	v56 =	vld.idx.msk [tilespmem:v0+s21+$0x870 ss:$0x1], $0xffff;
	[tilespmem:s15+$0x2520 ss:$0x21] =	vst.msk $0xffff, v51  }
0x1f: {  	v57 =	vld.idx.msk [tilespmem:v0+s21+$0xC10 ss:$0x1], $0xffff;
	[tilespmem:s15+$0x2730 ss:$0x21] =	vst.msk $0xffff, v52  }
0x20: {  	v58 =	vld.idx.msk [tilespmem:v0+s21+$0xC20 ss:$0x1], $0xffff;
	[tilespmem:s15+$0x2940 ss:$0x21] =	vst.msk $0xffff, v53  }
0x21: {  	v59 =	vld.idx.msk [tilespmem:v0+s21+$0xC30 ss:$0x1], $0xffff;
	[tilespmem:s15+$0x2B50 ss:$0x21] =	vst.msk $0xffff, v54  }
0x22: {  	v60 =	vld.idx.msk [tilespmem:v0+s21+$0xC40 ss:$0x1], $0xffff;
	[tilespmem:s15+$0x2D60 ss:$0x21] =	vst.msk $0xffff, v55  }
0x23: {  	v61 =	vld.idx.msk [tilespmem:v0+s21+$0xC50 ss:$0x1], $0xffff;
	[tilespmem:s15+$0x2F70 ss:$0x21] =	vst.msk $0xffff, v56  }
0x24: {  	v62 =	vld.idx.msk [tilespmem:v0+s21+$0xC60 ss:$0x1], $0xffff;
	[tilespmem:s15+$0x3390 ss:$0x21] =	vst.msk $0xffff, v57  }
0x25: {  	v63 =	vld.idx.msk [tilespmem:v0+s21+$0xC70 ss:$0x1], $0xffff;
	[tilespmem:s15+$0x35A0 ss:$0x21] =	vst.msk $0xffff, v58  }
0x26: {  	v32 =	vld [tilespmem:s24+$0xC00];
	[tilespmem:s15+$0x37B0 ss:$0x21] =	vst.msk $0xffff, v59  }
0x27: {  	v33 =	vld [tilespmem:s24+$0x0];
	[tilespmem:s15+$0x39C0 ss:$0x21] =	vst.msk $0xffff, v60  }
0x28: {  	v34 =	vld [tilespmem:s24+$0x10];
	[tilespmem:s15+$0x3BD0 ss:$0x21] =	vst.msk $0xffff, v61  }
0x29: {  	s13 =	sshll.u32 s13, $0x7;
	s26 =	sshll.u32 s12, $0x3;
	v35 =	vld [tilespmem:s24+$0x20];
	[tilespmem:s15+$0x3DE0 ss:$0x21] =	vst.msk $0xffff, v62  }
0x2a: {  	s27 =	sand.u32 $0xFFFFFC00, s13;
	s16 =	sand.u32 $0xFFFFFC00, s26;
	v36 =	vld [tilespmem:s24+$0x30];
	[tilespmem:s15+$0x3FF0 ss:$0x21] =	vst.msk $0xffff, v63  }
0x2b: {  	s13 =	sand.u32 $0x380, s13;
	s16 =	sadd.s32 s16, s27;
	v37 =	vld [tilespmem:s24+$0x40];
	[tilespmem:s15+$0x3180 ss:$0x21] =	vst.msk $0xffff, v32  }
0x2c: {  	s13 =	sor.u32 s13, s16;
	v38 =	vld [tilespmem:s24+$0x50];
	[tilespmem:s15+$0x0 ss:$0x21] =	vst.msk $0xffff, v33  }
0x2d: {  	v39 =	vld [tilespmem:s24+$0x60];
	s13 =	sshrl.u32 s13, $0x7;
	[tilespmem:s15+$0x210 ss:$0x21] =	vst.msk $0xffff, v34  }
0x2e: {  	v40 =	vld [tilespmem:s24+$0x70];
	s28 =	smulhi.u32 $0x14F8B59, s13;
	[tilespmem:s15+$0x420 ss:$0x21] =	vst.msk $0xffff, v35  }
0x2f: {  	v41 =	vld [tilespmem:s24+$0x400];
	[tilespmem:s15+$0x630 ss:$0x21] =	vst.msk $0xffff, v36  }
0x30: {  	v42 =	vld [tilespmem:s24+$0x800];
	s16 =	sshrl.u32 s28, $0xD;
	[tilespmem:s15+$0x840 ss:$0x21] =	vst.msk $0xffff, v37  }
0x31: {  	s16 =	smul.u32 $0x186A00, s16;
	[tilespmem:s15+$0xA50 ss:$0x21] =	vst.msk $0xffff, v38  }
0x32: {  	s29 =	sshrl.u32 s12, $0x3;
	[tilespmem:s15+$0xC60 ss:$0x21] =	vst.msk $0xffff, v39  }
0x33: {  	s31 =	sand.u32 $0x7, s12;
	s30 =	sand.u32 $0xF, s29;
	[tilespmem:s15+$0xE70 ss:$0x21] =	vst.msk $0xffff, v40;
	s13 =	ssub.s32 s13, s16  }
0x34: {  	s12 =	sshll.u32 s31, $0x12;
	[tilespmem:s15+$0x1080 ss:$0x21] =	vst.msk $0xffff, v41;
	s16 =	sadd.s32 s6, s30;
	s13 =	sshll.u32 s13, $0x4  }
0x35: {  	s12 =	sor.u32 $0x20, s12;
	[tilespmem:s15+$0x2100 ss:$0x21] =	vst.msk $0xffff, v42;
	s13 =	sadd.s32 s13, s16  }
0x36: {  	[hbm4b:s13+s12] =	stream.strided.scatter [tilespmem:s14], [sflag:$0x2], $0x4000, s8, s12, $0x10;
	[tilespmem:$0x10400] =	vst v63  }
.LBB1_5:
0x37: {  	s14 =	sadd.s32 $0x4000, s9  }
0x38: {  	s12 =	sadd.s32 $0x20, s10;
	s16 =	smov.u32 s10;
	p2 =	sgt.s32 s14, $0x1869FF  }
0x39: {  	s16 =	smov.u32 @p2 s12  }
0x3a: {  	s14 =	smov.u32 @p2 s2;
	p2 =	sgt.s32 s16, $0x1F  }
0x3b: {  	s16 =	simm.s32 @p2 $0x0;
	p2 =	sne.s32 s11, s7  }
.Ltmp1:
0x3c: {  	p1 =	slt.u32 s11, $0x2;
	(pc) =	sbr.rel @!p2 .LBB1_6-.Ltmp1, $4  }
0x3d: {  	s15 =	simm.s32 @!p1 $0x2  }
0x3e: {  	s13 =	smov.u32 s9;
	p0 =	por !p0, !p0;
	_ =	swait.ge @!p1 [sflag:s15], $0x4000  }
0x3f: {  	s12 =	smov.u32 s10;
	[sflag:s15] =	ssyncset.done @!p1 $0x0;
	s9 =	smov.u32 s14  }
0x40: {  	s11 =	sadd.s32 $0x1, s11;
	[sflag:s15] =	ssyncadd.s32 @!p1 $0xFFFFC000;
	s10 =	smov.u32 s16  }
.LBB1_1:
0x41: {  	p1 =	sge.u32 s11, s5  }
0x42: {  	s14 =	sshrl.u32 @!p1 s10, $0x3  }
0x43: {  	s15 =	sshll.u32 @!p1 s9, $0x3;
	s14 =	smul.u32 @!p1 $0xC35000, s14  }
0x44: {  	s16 =	sshll.u32 @!p1 s10, $0x7;
	s15 =	sand.u32 @!p1 $0xFFFFFC00, s15  }
0x45: {  	s14 =	sadd.s32 @!p1 s14, s15;
	s15 =	sand.u32 @!p1 $0x380, s16  }
0x46: {  	s14 =	sor.u32 @!p1 s15, s14  }
0x47: {  	s15 =	sshrl.u32 @!p1 s14, $0x9  }
0x48: {  	s15 =	smulhi.u32 @!p1 $0xA7C5AD, s15;
	_ =	sdelay $0x1  }
0x49: {  	s15 =	sshrl.u32 @!p1 s15, $0x3  }
0x4a: {  	s16 =	sand.u32 @!p1 $0x7F, s9;
	s17 =	smul.u32 @!p1 $0x186A00, s15  }
0x4b: {  	s31 =	sadd.s32 $0xFFFFFFFF, s11;
	s14 =	sor.u32 @!p1 s16, s14;
	s16 =	sxor.u32 @!p1 $0xFFFFFFFF, s11  }
0x4c: {  	s16 =	sshll.u32 @!p1 s16, $0xE;
	s15 =	sand.u32 @!p1 $0x1F, s15;
	s14 =	ssub.s32 @!p1 s14, s17  }
0x4d: {  	s15 =	smul.u32 @!p1 $0x30D40, s15;
	s17 =	sshrl.u32 @!p1 s14, $0x3;
	s14 =	sand.u32 @!p1 $0x7, s14  }
0x4e: {  	s16 =	sand.u32 @!p1 $0x4000, s16;
	s17 =	sadd.s32 @!p1 s3, s17;
	s14 =	sshll.u32 @!p1 s14, $0x12  }
0x4f: {  	s15 =	sadd.s32 @!p1 s15, s17;
	s14 =	sor.u32 @!p1 $0x1000, s14;
	s17 =	simm.s32 @!p1 $0xC35000  }
0x50: {  	[tilespmem:s16], [sflag:$0x1] =	stream.strided.gather @!p1 [hbm4b:s15+s14], $0x4000, s17, s14, $0x38;
	[tilespmem:$0x10400] =	vst v63  }
0x51: {  	p1 =	sge.u32 s31, s5  }
.Ltmp2:
0x52: {  	_ = 	snop;
	(pc) =	sbr.rel @p1 .LBB1_5-.Ltmp2, $1  }
0x53: {  	_ =	sdelay $0x3  }
0x54: {  	s17 =	simm.s32 $0x0  }
0x55: {  	s16 =	sand.u32 $0x3000, s17;
	s18 =	sand.u32 $0x380, s17  }
0x56: {  	s14 =	sand.u32 $0x1, s11;
	s16 =	sor.u32 s18, s16  }
0x57: {  	_ =	swait.ge [sflag:s4], $0x4000;
	s15 =	sshll.u32 s14, $0xE;
	s18 =	sand.u32 $0x3200, s16  }
0x58: {  	[sflag:s4] =	ssyncset.done $0x0;
	s17 =	sand.u32 $0x180, s17;
	s18 =	sadd.s32 s18, s15  }
0x59: {  	[sflag:s4] =	ssyncadd.s32 $0xFFFFC000;
	s20 =	sadd.s32 s17, s18  }
0x5a: {  	v4 =	vld [tilespmem:s20+$0xC00]  }
0x5b: {  	s19 =	simm.s32 $0x1;
	v0 =	vmov s15;
	v5 =	vld [tilespmem:s20+$0x0]  }
0x5c: {  	s19 =	simm.s32 @!p0 $0x0;
	v6 =	vld [tilespmem:s20+$0x10]  }
0x5d: {  	s31 =	smul.u32 $0x10800, s19;
	v7 =	vld [tilespmem:s20+$0x20]  }
0x5e: {  	v8 =	vld [tilespmem:s20+$0x30]  }
0x5f: {  	s17 =	sshrl.u32 s31, $0x2;
	v9 =	vld [tilespmem:s20+$0x40]  }
0x60: {  	s17 =	sor.u32 $0x8000, s17;
	v1 =	vld.idx.msk [tilespmem:v0+s16+$0x410 ss:$0x1], $0xffff  }
0x61: {  	v2 =	vld.idx.msk [tilespmem:v0+s16+$0x420 ss:$0x1], $0xffff;
	s18 =	sadd.s32 $0x0, s17  }
0x62: {  	v3 =	vld.idx.msk [tilespmem:v0+s16+$0x430 ss:$0x1], $0xffff;
	[tilespmem:s18+$0x3180 ss:$0x21] =	vst.msk $0xffff, v4  }
0x63: {  	v10 =	vld.idx.msk [tilespmem:v0+s16+$0x820 ss:$0x1], $0xffff;
	[tilespmem:s18+$0x0 ss:$0x21] =	vst.msk $0xffff, v5  }
0x64: {  	v11 =	vld.idx.msk [tilespmem:v0+s16+$0x830 ss:$0x1], $0xffff;
	[tilespmem:s18+$0x210 ss:$0x21] =	vst.msk $0xffff, v6  }
0x65: {  	v12 =	vld.idx.msk [tilespmem:v0+s16+$0x840 ss:$0x1], $0xffff;
	[tilespmem:s18+$0x420 ss:$0x21] =	vst.msk $0xffff, v7  }
0x66: {  	v13 =	vld.idx.msk [tilespmem:v0+s16+$0x850 ss:$0x1], $0xffff;
	[tilespmem:s18+$0x630 ss:$0x21] =	vst.msk $0xffff, v8  }
0x67: {  	v4 =	vld [tilespmem:s20+$0x50];
	[tilespmem:s18+$0x840 ss:$0x21] =	vst.msk $0xffff, v9  }
0x68: {  	v5 =	vld [tilespmem:s20+$0x60];
	[tilespmem:s18+$0x1290 ss:$0x21] =	vst.msk $0xffff, v1  }
0x69: {  	v6 =	vld [tilespmem:s20+$0x70];
	[tilespmem:s18+$0x14A0 ss:$0x21] =	vst.msk $0xffff, v2  }
0x6a: {  	v7 =	vld [tilespmem:s20+$0x400];
	[tilespmem:s18+$0x16B0 ss:$0x21] =	vst.msk $0xffff, v3  }
0x6b: {  	v8 =	vld [tilespmem:s20+$0x800];
	[tilespmem:s18+$0x2520 ss:$0x21] =	vst.msk $0xffff, v10  }
0x6c: {  	v9 =	vld.idx.msk [tilespmem:v0+s16+$0x470 ss:$0x1], $0xffff;
	[tilespmem:s18+$0x2730 ss:$0x21] =	vst.msk $0xffff, v11  }
0x6d: {  	v3 =	vld.idx.msk [tilespmem:v0+s16+$0xC10 ss:$0x1], $0xffff;
	[tilespmem:s18+$0x2940 ss:$0x21] =	vst.msk $0xffff, v12  }
0x6e: {  	v1 =	vld.idx.msk [tilespmem:v0+s16+$0xC20 ss:$0x1], $0xffff;
	[tilespmem:s18+$0x2B50 ss:$0x21] =	vst.msk $0xffff, v13  }
0x6f: {  	v2 =	vld.idx.msk [tilespmem:v0+s16+$0xC30 ss:$0x1], $0xffff;
	[tilespmem:s18+$0xA50 ss:$0x21] =	vst.msk $0xffff, v4  }
0x70: {  	[tilespmem:s18+$0xE70 ss:$0x21] =	vst.msk $0xffff, v6;
	v6 =	vld.idx.msk [tilespmem:v0+s16+$0x460 ss:$0x1], $0xffff  }
0x71: {  	v4 =	vld.idx.msk [tilespmem:v0+s16+$0x440 ss:$0x1], $0xffff;
	[tilespmem:s18+$0xC60 ss:$0x21] =	vst.msk $0xffff, v5  }
0x72: {  	v5 =	vld.idx.msk [tilespmem:v0+s16+$0x450 ss:$0x1], $0xffff;
	[tilespmem:s18+$0x1080 ss:$0x21] =	vst.msk $0xffff, v7  }
0x73: {  	[tilespmem:s18+$0x2100 ss:$0x21] =	vst.msk $0xffff, v8;
	v8 =	vld.idx.msk [tilespmem:v0+s16+$0x810 ss:$0x1], $0xffff  }
0x74: {  	v7 =	vld.idx.msk [tilespmem:v0+s16+$0x860 ss:$0x1], $0xffff;
	[tilespmem:s18+$0x1EF0 ss:$0x21] =	vst.msk $0xffff, v9  }
0x75: {  	s14 =	smul.u32 $0x10800, s14;
	[tilespmem:s18+$0x1CE0 ss:$0x21] =	vst.msk $0xffff, v6;
	v6 =	vld.idx.msk [tilespmem:v0+s16+$0x870 ss:$0x1], $0xffff  }
0x76: {  	s21 =	simm.s32 $0x200;
	s22 =	simm.s32 $0x8;
	[tilespmem:s18+$0x18C0 ss:$0x21] =	vst.msk $0xffff, v4;
	v4 =	vld.idx.msk [tilespmem:v0+s16+$0xC40 ss:$0x1], $0xffff  }
0x77: {  	s23 =	sand.u32 $0x3000, s21;
	s14 =	sshrl.u32 s14, $0x2;
	s20 =	simm.s32 $0x80;
	[tilespmem:s18+$0x1AD0 ss:$0x21] =	vst.msk $0xffff, v5;
	v5 =	vld.idx.msk [tilespmem:v0+s16+$0xC50 ss:$0x1], $0xffff  }
0x78: {  	s19 =	simm.s32 $0x4;
	s14 =	sor.u32 $0x8000, s14;
	s24 =	sand.u32 $0x380, s20;
	[tilespmem:s18+$0x2310 ss:$0x21] =	vst.msk $0xffff, v8;
	v8 =	vld.idx.msk [tilespmem:v0+s16+$0xC60 ss:$0x1], $0xffff  }
.LBB1_3:
0x79: {  	p1 =	sne.s32 s22, $0x7C;
	[tilespmem:s18+$0x2D60 ss:$0x21] =	vst.msk $0xffff, v7;
	v7 =	vld.idx.msk [tilespmem:v0+s16+$0xC70 ss:$0x1], $0xffff;
	s16 =	sor.u32 s24, s23  }
0x7a: {  	s23 =	sand.u32 $0x3200, s16;
	v9 =	vld.idx.msk [tilespmem:v0+s16+$0x410 ss:$0x1], $0xffff;
	[tilespmem:s18+$0x2F70 ss:$0x21] =	vst.msk $0xffff, v6  }
0x7b: {  	s24 =	sand.u32 $0x180, s20;
	s23 =	sadd.s32 s23, s15;
	v6 =	vld.idx.msk [tilespmem:v0+s16+$0x420 ss:$0x1], $0xffff;
	[tilespmem:s18+$0x3390 ss:$0x21] =	vst.msk $0xffff, v3  }
0x7c: {  	s23 =	sadd.s32 s24, s23;
	v3 =	vld.idx.msk [tilespmem:v0+s16+$0x430 ss:$0x1], $0xffff;
	[tilespmem:s18+$0x35A0 ss:$0x21] =	vst.msk $0xffff, v1  }
0x7d: {  	v1 =	vld [tilespmem:s23+$0xC00];
	[tilespmem:s18+$0x37B0 ss:$0x21] =	vst.msk $0xffff, v2  }
0x7e: {  	v2 =	vld [tilespmem:s23+$0x0];
	[tilespmem:s18+$0x39C0 ss:$0x21] =	vst.msk $0xffff, v4  }
0x7f: {  	v4 =	vld [tilespmem:s23+$0x10];
	[tilespmem:s18+$0x3BD0 ss:$0x21] =	vst.msk $0xffff, v5  }
0x80: {  	s24 =	sshra.s32 s19, $0x2;
	s19 =	smov.u32 s22;
	v5 =	vld [tilespmem:s23+$0x20];
	[tilespmem:s18+$0x3DE0 ss:$0x21] =	vst.msk $0xffff, v8  }
0x81: {  	v8 =	vld [tilespmem:s23+$0x30];
	[tilespmem:s18+$0x3FF0 ss:$0x21] =	vst.msk $0xffff, v7;
	s18 =	sadd.s32 s24, s17  }
0x82: {  	v7 =	vld [tilespmem:s23+$0x40];
	[tilespmem:s18+$0x3180 ss:$0x21] =	vst.msk $0xffff, v1  }
0x83: {  	[tilespmem:s18+$0x0 ss:$0x21] =	vst.msk $0xffff, v2;
	v1 =	vld [tilespmem:s23+$0x50]  }
0x84: {  	[tilespmem:s18+$0x210 ss:$0x21] =	vst.msk $0xffff, v4;
	v2 =	vld [tilespmem:s23+$0x60]  }
0x85: {  	[tilespmem:s18+$0x420 ss:$0x21] =	vst.msk $0xffff, v5;
	v4 =	vld [tilespmem:s23+$0x70]  }
0x86: {  	[tilespmem:s18+$0x630 ss:$0x21] =	vst.msk $0xffff, v8;
	v5 =	vld [tilespmem:s23+$0x400]  }
0x87: {  	[tilespmem:s18+$0x840 ss:$0x21] =	vst.msk $0xffff, v7;
	v7 =	vld [tilespmem:s23+$0x800]  }
0x88: {  	[tilespmem:s18+$0xA50 ss:$0x21] =	vst.msk $0xffff, v1;
	v1 =	vld.idx.msk [tilespmem:v0+s16+$0x440 ss:$0x1], $0xffff  }
0x89: {  	[tilespmem:s18+$0xC60 ss:$0x21] =	vst.msk $0xffff, v2;
	v2 =	vld.idx.msk [tilespmem:v0+s16+$0x450 ss:$0x1], $0xffff  }
0x8a: {  	[tilespmem:s18+$0xE70 ss:$0x21] =	vst.msk $0xffff, v4;
	v4 =	vld.idx.msk [tilespmem:v0+s16+$0x460 ss:$0x1], $0xffff  }
0x8b: {  	[tilespmem:s18+$0x1080 ss:$0x21] =	vst.msk $0xffff, v5;
	v5 =	vld.idx.msk [tilespmem:v0+s16+$0x470 ss:$0x1], $0xffff  }
0x8c: {  	[tilespmem:s18+$0x2100 ss:$0x21] =	vst.msk $0xffff, v7;
	v8 =	vld.idx.msk [tilespmem:v0+s16+$0x810 ss:$0x1], $0xffff  }
0x8d: {  	[tilespmem:s18+$0x1290 ss:$0x21] =	vst.msk $0xffff, v9;
	v9 =	vld.idx.msk [tilespmem:v0+s16+$0x820 ss:$0x1], $0xffff  }
0x8e: {  	[tilespmem:s18+$0x14A0 ss:$0x21] =	vst.msk $0xffff, v6;
	v10 =	vld.idx.msk [tilespmem:v0+s16+$0x830 ss:$0x1], $0xffff  }
0x8f: {  	[tilespmem:s18+$0x16B0 ss:$0x21] =	vst.msk $0xffff, v3;
	v11 =	vld.idx.msk [tilespmem:v0+s16+$0x840 ss:$0x1], $0xffff  }
0x90: {  	[tilespmem:s18+$0x18C0 ss:$0x21] =	vst.msk $0xffff, v1;
	v12 =	vld.idx.msk [tilespmem:v0+s16+$0x850 ss:$0x1], $0xffff  }
0x91: {  	[tilespmem:s18+$0x1AD0 ss:$0x21] =	vst.msk $0xffff, v2;
	v7 =	vld.idx.msk [tilespmem:v0+s16+$0x860 ss:$0x1], $0xffff  }
0x92: {  	[tilespmem:s18+$0x1CE0 ss:$0x21] =	vst.msk $0xffff, v4;
	v6 =	vld.idx.msk [tilespmem:v0+s16+$0x870 ss:$0x1], $0xffff  }
0x93: {  	[tilespmem:s18+$0x1EF0 ss:$0x21] =	vst.msk $0xffff, v5;
	v3 =	vld.idx.msk [tilespmem:v0+s16+$0xC10 ss:$0x1], $0xffff  }
.Ltmp3:
0x94: {  	[tilespmem:s18+$0x2310 ss:$0x21] =	vst.msk $0xffff, v8;
	v1 =	vld.idx.msk [tilespmem:v0+s16+$0xC20 ss:$0x1], $0xffff;
	(pc) =	sbr.rel @p1 .LBB1_3-.Ltmp3, $4  }
0x95: {  	[tilespmem:s18+$0x2520 ss:$0x21] =	vst.msk $0xffff, v9;
	v2 =	vld.idx.msk [tilespmem:v0+s16+$0xC30 ss:$0x1], $0xffff  }
0x96: {  	[tilespmem:s18+$0x2730 ss:$0x21] =	vst.msk $0xffff, v10;
	v4 =	vld.idx.msk [tilespmem:v0+s16+$0xC40 ss:$0x1], $0xffff  }
0x97: {  	s20 =	sadd.s32 $0x80, s20;
	s21 =	sadd.s32 $0x200, s21;
	[tilespmem:s18+$0x2940 ss:$0x21] =	vst.msk $0xffff, v11;
	v5 =	vld.idx.msk [tilespmem:v0+s16+$0xC50 ss:$0x1], $0xffff  }
0x98: {  	s22 =	sadd.s32 $0x4, s22;
	s24 =	sand.u32 $0x380, s20;
	s23 =	sand.u32 $0x3000, s21;
	[tilespmem:s18+$0x2B50 ss:$0x21] =	vst.msk $0xffff, v12;
	v8 =	vld.idx.msk [tilespmem:v0+s16+$0xC60 ss:$0x1], $0xffff  }
.Ltmp4:
0x99: {  	_ = 	snop;
	(pc) =	sbr.rel .LBB1_4-.Ltmp4, $1  }
0x9a: {  	_ =	sdelay $0x3  }
.LBB1_6:
0x9b: {  	_ =	sfence.sel $0x180000  }
0x9c: {  	s2 =	simm.s32 $0x1;
	[bflag:$0x0] =	sbarrier.arrive $0xFFFF  }
0x9d: {  	s31 =	simm.s32 $0x2;
	[sflag:s2] =	ssyncpa.u1 $0x1  }
0x9e: {  	[sflag:s31] =	ssyncpa.u1 $0x1  }
0x9f: {  	p0 =	sne.s32 s0, $0x0;
	_ =	strace $0x90000047  }
0xa0: {  	s0 =	sadd.s32 @!p0 $0x100000, s1;
	[bflag:$0x2] =	sbarrier.arrive $0xFFFF  }
0xa1: {  	[sflag:s0] =	ssyncadd.tile.s32 @!p0 $0x1;
	_ =	shalt  }
.Lfunc_end1:
_tile_overlayer_lowered:
.L_overlay_start_2:
0xa2: {  	(tag) =	ssettag $0x2  }
0xa3: {  	s0 =	rddreg [dreg:$0x0];
	s2 =	stileid.u32  }
0xa4: {  	s1 =	rddreg [dreg:$0x1];
	p0 =	sne.s32 s2, $0x0  }
0xa5: {  	s3 =	rddreg [dreg:$0x2];
	[bflag:$0x3] =	sbarrier.arrive $0xFFFF;
	s2 =	simm.s32 @!p0 $0x1C01  }
0xa6: {  	[timem:s3], [sflag:s2] =	dma.local @!p0 [hbm:s0], s1  }
0xa7: {  	s0 =	simm.s32 @!p0 $0x1  }
0xa8: {  	_ =	swait.ge @!p0 [sflag:s0], s1  }
0xa9: {  	s1 =	ssub.s32 @!p0 $0x0, s1;
	[sflag:s0] =	ssyncset.done @!p0 $0x0  }
0xaa: {  	[sflag:s0] =	ssyncadd.s32 @!p0 s1  }
0xab: {  	[bflag:$0x3] =	sbarrier.arrive $0xFFFF  }
0xac: {  	_ =	shalt  }

</sc_bundles>
